<compile_context>
chip_gen: v7x
topology: tpu7x:2x2x1
jax: 0.10.2.dev20260603
libtpu: 0.0.44.dev20260713+nightly
codegen_flags: <defaults>
</compile_context>

<pallas_src>
import functools
import jax
import jax.numpy as jnp
from jax import lax
from jax.experimental import pallas as pl
from jax.experimental.pallas import tpu as pltpu
from jax.experimental.pallas import tpu_sc as plsc

N = 10000
E = 320000
D = 128
NCLS = 40

NC = 2
NS = 16
NW = NC * NS
CH = 128
STEPS = 80
IB = 16
NSUP = STEPS // IB
CH2 = 64
STEPS2 = 160
IB2 = 32
NSUP2 = STEPS2 // IB2
E_PAD = NW * STEPS * CH
N_PAD = 10112
ROWS_PER_TILE = N_PAD // NS
TCB = 1000



def _pre_body(x_ref, wpT, bp, wlT, wrT, z_ref, r_ref):
    h = jnp.maximum(jnp.dot(x_ref[...], wpT[...],
                            preferred_element_type=jnp.float32) + bp[...], 0.0)
    z_ref[...] = jnp.dot(h, wlT[...], preferred_element_type=jnp.float32)
    r_ref[...] = jnp.dot(h, wrT[...], preferred_element_type=jnp.float32)


def _mid_body(p_ref, c_ref, r_ref, bl, wlT, wrT, z_ref, rn_ref):
    p = p_ref[0] + p_ref[1]
    c = c_ref[0, :, 0:1] + c_ref[1, :, 0:1]
    inv = 1.0 / jnp.maximum(c, 1.0)
    h = jnp.maximum(p * inv + bl[...] + r_ref[...], 0.0)
    z_ref[...] = jnp.dot(h, wlT[...], preferred_element_type=jnp.float32)
    rn_ref[...] = jnp.dot(h, wrT[...], preferred_element_type=jnp.float32)


def _fin_body(p_ref, c_ref, r_ref, bl, wcT, bc, o_ref):
    p = p_ref[0] + p_ref[1]
    c = c_ref[0, :, 0:1] + c_ref[1, :, 0:1]
    inv = 1.0 / jnp.maximum(c, 1.0)
    h = jnp.maximum(p * inv + bl[...] + r_ref[...], 0.0)
    o_ref[...] = jnp.dot(h, wcT[...], preferred_element_type=jnp.float32) + bc[...]


def _row_spec():
    return pl.BlockSpec((TCB, D), lambda i: (i, 0))


def _full_spec(shape):
    return pl.BlockSpec(shape, lambda i: tuple(0 for _ in shape))


def _part_spec():
    return pl.BlockSpec((2, TCB, D), lambda i: (0, i, 0))


def _cnt_spec():
    return pl.BlockSpec((2, TCB, D), lambda i: (0, i, 0))


_GRID = N // TCB


def _tc_pre(x, wpT, bp, wlT, wrT):
    return pl.pallas_call(
        _pre_body,
        grid=(_GRID,),
        in_specs=[_row_spec(), _full_spec((D, D)), _full_spec((1, D)),
                  _full_spec((D, D)), _full_spec((D, D))],
        out_specs=[_row_spec(), _row_spec()],
        out_shape=[jax.ShapeDtypeStruct((N, D), jnp.float32),
                   jax.ShapeDtypeStruct((N, D), jnp.float32)],
    )(x, wpT, bp, wlT, wrT)


def _tc_mid(parts, cnts, r, bl, wlT, wrT):
    return pl.pallas_call(
        _mid_body,
        grid=(_GRID,),
        in_specs=[_part_spec(), _cnt_spec(), _row_spec(), _full_spec((1, D)),
                  _full_spec((D, D)), _full_spec((D, D))],
        out_specs=[_row_spec(), _row_spec()],
        out_shape=[jax.ShapeDtypeStruct((N, D), jnp.float32),
                   jax.ShapeDtypeStruct((N, D), jnp.float32)],
    )(parts, cnts, r, bl, wlT, wrT)


def _tc_fin(parts, cnts, r, bl, wcT, bc):
    return pl.pallas_call(
        _fin_body,
        grid=(_GRID,),
        in_specs=[_part_spec(), _cnt_spec(), _row_spec(), _full_spec((1, D)),
                  _full_spec((D, D)), _full_spec((1, D))],
        out_specs=_row_spec(),
        out_shape=jax.ShapeDtypeStruct((N, D), jnp.float32),
    )(parts, cnts, r, bl, wcT, bc)



def _sc_agg_body(z, srcr, dstr, zbig, p_out, acc, sbuf, dbuf, rows,
                 sem_g, sem_s):
    cid = lax.axis_index("c")
    sid = lax.axis_index("s")
    wid = cid * NS + sid
    base = sid * ROWS_PER_TILE

    pltpu.sync_copy(zbig.at[pl.ds(base, ROWS_PER_TILE)],
                    acc.at[pl.ds(base, ROWS_PER_TILE)])
    plsc.subcore_barrier()

    NB = 4
    PF = 2
    bufs = [rows.at[b] for b in range(NB)]

    def super_step(g, carry):
        pltpu.sync_copy(srcr.at[wid, pl.ds(g * IB2, IB2)], sbuf)
        pltpu.sync_copy(dstr.at[wid, pl.ds(g * IB2, IB2)], dbuf)

        for k in range(PF):
            pltpu.async_copy(z.at[sbuf.at[k]], bufs[k], sem_g)

        def ring(i, c2):
            j0 = NB * i
            for k in range(NB):
                j = j0 + k
                b = bufs[k]
                bn = bufs[(k + PF) % NB]
                pltpu.make_async_copy(z.at[sbuf.at[j]], b, sem_g).wait()
                pltpu.async_copy(b, acc.at[dbuf.at[j]], sem_s, add=True)

                @pl.when(j >= NB - PF)
                def _():
                    pltpu.make_async_copy(bn, acc.at[dbuf.at[j]],
                                          sem_s).wait()

                @pl.when(j + PF < IB2)
                def _():
                    pltpu.async_copy(z.at[sbuf.at[j + PF]], bn, sem_g)
            return c2

        lax.fori_loop(0, IB2 // NB, ring, 0)
        for k in range(NB - PF, NB):
            pltpu.make_async_copy(bufs[k], acc.at[dbuf.at[IB2 - 1]],
                                  sem_s).wait()
        return carry

    lax.fori_loop(0, NSUP2, super_step, 0)
    plsc.subcore_barrier()

    pltpu.sync_copy(acc.at[pl.ds(base, ROWS_PER_TILE)],
                    p_out.at[cid, pl.ds(base, ROWS_PER_TILE)])


def _sc_cnt_body(dstr, zbig, ones_w, c_out, acc, dbuf, ones_v):
    cid = lax.axis_index("c")
    sid = lax.axis_index("s")
    wid = cid * NS + sid
    base = sid * ROWS_PER_TILE

    pltpu.sync_copy(zbig.at[pl.ds(base, ROWS_PER_TILE)],
                    acc.at[pl.ds(base, ROWS_PER_TILE)])
    pltpu.sync_copy(ones_w, ones_v)
    plsc.subcore_barrier()

    def super_step(g, carry):
        pltpu.sync_copy(dstr.at[wid, pl.ds(g * IB, IB)], dbuf)

        def step(j, c2):
            pltpu.sync_copy(ones_v, acc.at[dbuf.at[j]], add=True)
            return c2

        lax.fori_loop(0, IB, step, 0)
        return carry

    lax.fori_loop(0, NSUP, super_step, 0)
    plsc.subcore_barrier()
    pltpu.sync_copy(acc.at[pl.ds(base, ROWS_PER_TILE)],
                    c_out.at[cid, pl.ds(base, ROWS_PER_TILE)])


_SC_MESH = plsc.VectorSubcoreMesh(core_axis_name="c", subcore_axis_name="s")

_sc_agg = pl.kernel(
    _sc_agg_body,
    out_type=[jax.ShapeDtypeStruct((NC, N_PAD, D), jnp.float32)],
    mesh=_SC_MESH,
    scratch_types=[
        pltpu.VMEM_SHARED((N_PAD, D), jnp.float32),
        pltpu.VMEM((IB2, CH2), jnp.int32),
        pltpu.VMEM((IB2, CH2), jnp.int32),
        pltpu.VMEM((4, CH2, D), jnp.float32),
        pltpu.SemaphoreType.DMA,
        pltpu.SemaphoreType.DMA,
    ],
)

_sc_cnt = pl.kernel(
    _sc_cnt_body,
    out_type=[jax.ShapeDtypeStruct((NC, N_PAD, D), jnp.float32)],
    mesh=_SC_MESH,
    scratch_types=[
        pltpu.VMEM_SHARED((N_PAD, D), jnp.float32),
        pltpu.VMEM((IB, CH), jnp.int32),
        pltpu.VMEM((CH, D), jnp.float32),
    ],
)



def kernel(x, edge_index, W_proj, b_proj, Wl1, bl1, Wr1, Wl2, bl2, Wr2,
           Wl3, bl3, Wr3, W_cls, b_cls):
    f32 = jnp.float32
    src = edge_index[0]
    dst = edge_index[1]
    pad = E_PAD - E
    pad_src = jnp.arange(pad, dtype=jnp.int32) % N
    src_p = jnp.concatenate([src, pad_src])
    dst_p = jnp.concatenate([dst, jnp.full((pad,), N, jnp.int32)])
    srcr = src_p.reshape(NW, STEPS2, CH2)
    dstr = dst_p.reshape(NW, STEPS2, CH2)
    dstr_c = dst_p.reshape(NW, STEPS, CH)

    zbig = jnp.zeros((N_PAD, D), f32)
    ones_w = jnp.ones((CH, D), f32)

    wpT = W_proj.T
    bp = b_proj.reshape(1, D)
    wl1T, wr1T = Wl1.T, Wr1.T
    wl2T, wr2T = Wl2.T, Wr2.T
    wl3T, wr3T = Wl3.T, Wr3.T
    bl1r, bl2r, bl3r = bl1.reshape(1, D), bl2.reshape(1, D), bl3.reshape(1, D)
    wcT = jnp.zeros((D, D), f32).at[:, :NCLS].set(W_cls.T)
    bc = jnp.zeros((1, D), f32).at[0, :NCLS].set(b_cls)

    (cnts,) = _sc_cnt(dstr_c, zbig, ones_w)
    z1, r1 = _tc_pre(x, wpT, bp, wl1T, wr1T)
    (p1,) = _sc_agg(z1, srcr, dstr, zbig)
    z2, r2 = _tc_mid(p1, cnts, r1, bl1r, wl2T, wr2T)
    (p2,) = _sc_agg(z2, srcr, dstr, zbig)
    z3, r3 = _tc_mid(p2, cnts, r2, bl2r, wl3T, wr3T)
    (p3,) = _sc_agg(z3, srcr, dstr, zbig)
    out_pad = _tc_fin(p3, cnts, r3, bl3r, wcT, bc)
    return out_pad[:, :NCLS]

# --- scband reference (transcript-rebuilt; emitter-appended) ---
"""Pipeline reference for scband-gnnclassifier-53549652246805 (READ-ONLY COPY).

The authoritative reference and input builder live on the scoring server;
editing this copy changes nothing except your own understanding.
"""

import jax, jax.numpy as jnp
import numpy as np

N = 10000
E = 320000
D = 128
NCLS = 40


def _sage(x, src, dst, Wl, bl, Wr):
    # PyG SAGEConv (aggr='mean', root_weight=True):
    # out = lin_l(mean_{j in N(i)} x_j) + lin_r(x_i); lin_l has bias, lin_r has none.
    msgs = x[src]
    agg = jax.ops.segment_sum(msgs, dst, num_segments=N)
    cnt = jax.ops.segment_sum(jnp.ones((msgs.shape[0],), dtype=x.dtype), dst, num_segments=N)
    mean = agg / jnp.maximum(cnt, 1.0)[:, None]
    return mean @ Wl.T + bl + x @ Wr.T


def setup_inputs(seed: int = 0):
    key = jax.random.key(seed)
    ks = jax.random.split(key, 20)
    s = 0.05
    inp = {}
    inp['x'] = jax.random.normal(ks[0], (N, D), dtype=jnp.float32)
    inp['edge_index'] = jax.random.randint(ks[1], (2, E), 0, N, dtype=jnp.int32)
    # proj: Linear(D, D)
    inp['W_proj'] = jax.random.normal(ks[2], (D, D), dtype=jnp.float32) * s
    inp['b_proj'] = jnp.zeros((D,), dtype=jnp.float32)
    # SAGEConv layers 1..3
    inp['Wl1'] = jax.random.normal(ks[3], (D, D), dtype=jnp.float32) * s
    inp['bl1'] = jnp.zeros((D,), dtype=jnp.float32)
    inp['Wr1'] = jax.random.normal(ks[4], (D, D), dtype=jnp.float32) * s
    inp['Wl2'] = jax.random.normal(ks[5], (D, D), dtype=jnp.float32) * s
    inp['bl2'] = jnp.zeros((D,), dtype=jnp.float32)
    inp['Wr2'] = jax.random.normal(ks[6], (D, D), dtype=jnp.float32) * s
    inp['Wl3'] = jax.random.normal(ks[7], (D, D), dtype=jnp.float32) * s
    inp['bl3'] = jnp.zeros((D,), dtype=jnp.float32)
    inp['Wr3'] = jax.random.normal(ks[8], (D, D), dtype=jnp.float32) * s
    # classifier: Linear(D, NCLS)
    inp['W_cls'] = jax.random.normal(ks[9], (NCLS, D), dtype=jnp.float32) * s
    inp['b_cls'] = jnp.zeros((NCLS,), dtype=jnp.float32)
    return inp


def reference(x, edge_index, W_proj, b_proj, Wl1, bl1, Wr1, Wl2, bl2, Wr2, Wl3, bl3, Wr3, W_cls, b_cls):
    src = edge_index[0]
    dst = edge_index[1]
    relu = jax.nn.relu
    # dropout is identity in eval mode
    h = relu(x @ W_proj.T + b_proj)
    h = relu(_sage(h, src, dst, Wl1, bl1, Wr1))
    h = relu(_sage(h, src, dst, Wl2, bl2, Wr2))
    h = relu(_sage(h, src, dst, Wl3, bl3, Wr3))
    out = h @ W_cls.T + b_cls
    return out

if __name__ == "__main__":
    import jax
    _d = setup_inputs()
    print(jax.jit(kernel)(*tuple(_d.values())))

</pallas_src>

<mosaic_0001>
#map = affine_map<(d0, d1) -> (0, 0)>
#map1 = affine_map<(d0, d1) -> (0, 0, 0)>
module attributes {stable_mosaic.version = 14 : i64} {
  func.func @_sc_agg_body(%arg0: i32, %arg1: i32, %arg2: memref<10000x128xf32, #tpu.memory_space<hbm>>, %arg3: memref<32x160x64xi32, #tpu.memory_space<hbm>>, %arg4: memref<32x160x64xi32, #tpu.memory_space<hbm>>, %arg5: memref<10112x128xf32, #tpu.memory_space<hbm>>, %arg6: memref<2x10112x128xf32, #tpu.memory_space<hbm>>, %arg7: memref<10112x128xf32, #tpu.memory_space<vmem_shared>>, %arg8: memref<32x64xi32, #tpu.memory_space<vmem>>, %arg9: memref<32x64xi32, #tpu.memory_space<vmem>>, %arg10: memref<4x64x128xf32, #tpu.memory_space<vmem>>, %arg11: memref<!tpu.dma_semaphore, #tpu.memory_space<semaphore_mem>>, %arg12: memref<!tpu.dma_semaphore, #tpu.memory_space<semaphore_mem>>) attributes {dimension_semantics = [#tpu.dimension_semantics<core_parallel>, #tpu.dimension_semantics<subcore_parallel>], iteration_bounds = array<i64: 2, 16>, scalar_prefetch = 0 : i64, scratch_operands = 6 : i64, tpu.core_type = #tpu.core_type<sc_vector_subcore>, window_params = [{transform_indices = #map}, {transform_indices = #map1}, {transform_indices = #map1}, {transform_indices = #map}, {transform_indices = #map1}]} {
    %mul3A = arith.constant 16 : i32
    %mul3A_0 = arith.muli %arg0, %mul3A : i32
    %add3A = arith.addi %mul3A_0, %arg1 : i32
    %mul3A_1 = arith.constant 632 : i32
    %mul3A_2 = arith.muli %arg1, %mul3A_1 : i32
    "tpu.region"() ({
      %run_scoped3A = tpu.sem_alloc : memref<!tpu.dma_semaphore, #tpu.memory_space<semaphore_mem>>
      %dma_start3A = arith.constant 0 : i32
      %dma_start3A_13 = tpu.memref_slice %arg7[%mul3A_2, %dma_start3A] : memref<10112x128xf32, #tpu.memory_space<vmem_shared>> -> memref<632x128xf32, #tpu.memory_space<vmem_shared>>
      %dma_start3A_14 = arith.constant 0 : i32
      %dma_start3A_15 = tpu.memref_slice %arg5[%mul3A_2, %dma_start3A_14] : memref<10112x128xf32, #tpu.memory_space<hbm>> -> memref<632x128xf32, #tpu.memory_space<hbm>>
      tpu.enqueue_dma source(%dma_start3A_15 : memref<632x128xf32, #tpu.memory_space<hbm>>) target(%dma_start3A_13 : memref<632x128xf32, #tpu.memory_space<vmem_shared>>) target_semaphore(%run_scoped3A : memref<!tpu.dma_semaphore, #tpu.memory_space<semaphore_mem>>)
      %dma_wait3A = arith.constant 0 : i32
      %dma_wait3A_16 = tpu.memref_slice %arg7[%mul3A_2, %dma_wait3A] : memref<10112x128xf32, #tpu.memory_space<vmem_shared>> -> memref<632x128xf32, #tpu.memory_space<vmem_shared>>
      %dma_wait3A_17 = arith.constant 0 : i32
      %dma_wait3A_18 = tpu.memref_slice %arg5[%mul3A_2, %dma_wait3A_17] : memref<10112x128xf32, #tpu.memory_space<hbm>> -> memref<632x128xf32, #tpu.memory_space<hbm>>
      tpu.wait_dma2 semaphore(%run_scoped3A : memref<!tpu.dma_semaphore, #tpu.memory_space<semaphore_mem>>) src(%dma_wait3A_18 : memref<632x128xf32, #tpu.memory_space<hbm>>) dst(%dma_wait3A_16 : memref<632x128xf32, #tpu.memory_space<vmem_shared>>)
      tpu.yield
    }) : () -> ()
    %barrier3A = arith.constant 0 : index
    tpu.barrier barrier_id(%barrier3A)
    %scan3A = arith.constant 0 : i32
    %scan3A_3 = arith.constant 0 : i32
    %scan3A_4 = arith.constant 1 : i32
    %scan3A_5 = arith.constant 2 : i32
    %scan3A_6 = arith.constant 3 : i32
    %scan3A_7 = arith.constant 0 : i32
    %scan3A_8 = arith.constant 5 : i32
    %scan3A_9 = arith.addi %scan3A_7, %scan3A_8 : i32
    %scan3A_10 = arith.constant 1 : i32
    scf.for %scan3A_13 = %scan3A_7 to %scan3A_9 step %scan3A_10  : i32 {
      %mul3A_14 = arith.constant 32 : i32
      %mul3A_15 = arith.muli %scan3A_13, %mul3A_14 : i32
      "tpu.region"() ({
        %run_scoped3A = tpu.sem_alloc : memref<!tpu.dma_semaphore, #tpu.memory_space<semaphore_mem>>
        %dma_start3A_66 = arith.constant 0 : i32
        %dma_start3A_67 = tpu.memref_slice %arg3[%add3A, %mul3A_15, %dma_start3A_66] : memref<32x160x64xi32, #tpu.memory_space<hbm>> -> memref<1x32x64xi32, #tpu.memory_space<hbm>>
        %dma_start3A_68 = tpu.memref_squeeze %dma_start3A_67 : memref<1x32x64xi32, #tpu.memory_space<hbm>> -> memref<32x64xi32, #tpu.memory_space<hbm>>
        %dma_start3A_69 = arith.constant 0 : i32
        %dma_start3A_70 = tpu.memref_slice %arg3[%add3A, %mul3A_15, %dma_start3A_69] : memref<32x160x64xi32, #tpu.memory_space<hbm>> -> memref<1x32x64xi32, #tpu.memory_space<hbm>>
        %dma_start3A_71 = tpu.memref_squeeze %dma_start3A_70 : memref<1x32x64xi32, #tpu.memory_space<hbm>> -> memref<32x64xi32, #tpu.memory_space<hbm>>
        tpu.enqueue_dma source(%dma_start3A_71 : memref<32x64xi32, #tpu.memory_space<hbm>>) target(%arg8 : memref<32x64xi32, #tpu.memory_space<vmem>>) target_semaphore(%run_scoped3A : memref<!tpu.dma_semaphore, #tpu.memory_space<semaphore_mem>>)
        %dma_wait3A_72 = arith.constant 0 : i32
        %dma_wait3A_73 = tpu.memref_slice %arg3[%add3A, %mul3A_15, %dma_wait3A_72] : memref<32x160x64xi32, #tpu.memory_space<hbm>> -> memref<1x32x64xi32, #tpu.memory_space<hbm>>
        %dma_wait3A_74 = tpu.memref_squeeze %dma_wait3A_73 : memref<1x32x64xi32, #tpu.memory_space<hbm>> -> memref<32x64xi32, #tpu.memory_space<hbm>>
        %dma_wait3A_75 = arith.constant 0 : i32
        %dma_wait3A_76 = tpu.memref_slice %arg3[%add3A, %mul3A_15, %dma_wait3A_75] : memref<32x160x64xi32, #tpu.memory_space<hbm>> -> memref<1x32x64xi32, #tpu.memory_space<hbm>>
        %dma_wait3A_77 = tpu.memref_squeeze %dma_wait3A_76 : memref<1x32x64xi32, #tpu.memory_space<hbm>> -> memref<32x64xi32, #tpu.memory_space<hbm>>
        tpu.wait_dma2 semaphore(%run_scoped3A : memref<!tpu.dma_semaphore, #tpu.memory_space<semaphore_mem>>) src(%dma_wait3A_77 : memref<32x64xi32, #tpu.memory_space<hbm>>) dst(%arg8 : memref<32x64xi32, #tpu.memory_space<vmem>>)
        tpu.yield
      }) : () -> ()
      %mul3A_16 = arith.constant 32 : i32
      %mul3A_17 = arith.muli %scan3A_13, %mul3A_16 : i32
      "tpu.region"() ({
        %run_scoped3A = tpu.sem_alloc : memref<!tpu.dma_semaphore, #tpu.memory_space<semaphore_mem>>
        %dma_start3A_66 = arith.constant 0 : i32
        %dma_start3A_67 = tpu.memref_slice %arg4[%add3A, %mul3A_17, %dma_start3A_66] : memref<32x160x64xi32, #tpu.memory_space<hbm>> -> memref<1x32x64xi32, #tpu.memory_space<hbm>>
        %dma_start3A_68 = tpu.memref_squeeze %dma_start3A_67 : memref<1x32x64xi32, #tpu.memory_space<hbm>> -> memref<32x64xi32, #tpu.memory_space<hbm>>
        %dma_start3A_69 = arith.constant 0 : i32
        %dma_start3A_70 = tpu.memref_slice %arg4[%add3A, %mul3A_17, %dma_start3A_69] : memref<32x160x64xi32, #tpu.memory_space<hbm>> -> memref<1x32x64xi32, #tpu.memory_space<hbm>>
        %dma_start3A_71 = tpu.memref_squeeze %dma_start3A_70 : memref<1x32x64xi32, #tpu.memory_space<hbm>> -> memref<32x64xi32, #tpu.memory_space<hbm>>
        tpu.enqueue_dma source(%dma_start3A_71 : memref<32x64xi32, #tpu.memory_space<hbm>>) target(%arg9 : memref<32x64xi32, #tpu.memory_space<vmem>>) target_semaphore(%run_scoped3A : memref<!tpu.dma_semaphore, #tpu.memory_space<semaphore_mem>>)
        %dma_wait3A_72 = arith.constant 0 : i32
        %dma_wait3A_73 = tpu.memref_slice %arg4[%add3A, %mul3A_17, %dma_wait3A_72] : memref<32x160x64xi32, #tpu.memory_space<hbm>> -> memref<1x32x64xi32, #tpu.memory_space<hbm>>
        %dma_wait3A_74 = tpu.memref_squeeze %dma_wait3A_73 : memref<1x32x64xi32, #tpu.memory_space<hbm>> -> memref<32x64xi32, #tpu.memory_space<hbm>>
        %dma_wait3A_75 = arith.constant 0 : i32
        %dma_wait3A_76 = tpu.memref_slice %arg4[%add3A, %mul3A_17, %dma_wait3A_75] : memref<32x160x64xi32, #tpu.memory_space<hbm>> -> memref<1x32x64xi32, #tpu.memory_space<hbm>>
        %dma_wait3A_77 = tpu.memref_squeeze %dma_wait3A_76 : memref<1x32x64xi32, #tpu.memory_space<hbm>> -> memref<32x64xi32, #tpu.memory_space<hbm>>
        tpu.wait_dma2 semaphore(%run_scoped3A : memref<!tpu.dma_semaphore, #tpu.memory_space<semaphore_mem>>) src(%dma_wait3A_77 : memref<32x64xi32, #tpu.memory_space<hbm>>) dst(%arg9 : memref<32x64xi32, #tpu.memory_space<vmem>>)
        tpu.yield
      }) : () -> ()
      %dma_start3A = arith.constant 0 : i32
      %dma_start3A_18 = arith.constant 0 : i32
      %dma_start3A_19 = arith.constant 0 : i32
      %dma_start3A_20 = tpu.memref_slice %arg10[%scan3A_3, %dma_start3A_18, %dma_start3A_19] : memref<4x64x128xf32, #tpu.memory_space<vmem>> -> memref<1x64x128xf32, #tpu.memory_space<vmem>>
      %dma_start3A_21 = tpu.memref_squeeze %dma_start3A_20 : memref<1x64x128xf32, #tpu.memory_space<vmem>> -> memref<64x128xf32, #tpu.memory_space<vmem>>
      %dma_start3A_22 = arith.constant 0 : i32
      %dma_start3A_23 = tpu.memref_slice %arg8[%dma_start3A, %dma_start3A_22] : memref<32x64xi32, #tpu.memory_space<vmem>> -> memref<1x64xi32, #tpu.memory_space<vmem>>
      %dma_start3A_24 = tpu.memref_squeeze %dma_start3A_23 : memref<1x64xi32, #tpu.memory_space<vmem>> -> memref<64xi32, #tpu.memory_space<vmem>>
      %dma_start3A_25 = arith.constant 0 : i32
      %dma_start3A_26 = arith.constant 0 : i32
      %dma_start3A_27 = tpu.memref_slice %arg2[%dma_start3A_25, %dma_start3A_26] : memref<10000x128xf32, #tpu.memory_space<hbm>> -> memref<10000x128xf32, #tpu.memory_space<hbm>>
      tpu.enqueue_indirect_dma source(%dma_start3A_27 : memref<10000x128xf32, #tpu.memory_space<hbm>>) target(%dma_start3A_21 : memref<64x128xf32, #tpu.memory_space<vmem>>) offsets(%dma_start3A_24 : memref<64xi32, #tpu.memory_space<vmem>>) semaphore(%arg11 : memref<!tpu.dma_semaphore, #tpu.memory_space<semaphore_mem>>)
      %dma_start3A_28 = arith.constant 1 : i32
      %dma_start3A_29 = arith.constant 0 : i32
      %dma_start3A_30 = arith.constant 0 : i32
      %dma_start3A_31 = tpu.memref_slice %arg10[%scan3A_4, %dma_start3A_29, %dma_start3A_30] : memref<4x64x128xf32, #tpu.memory_space<vmem>> -> memref<1x64x128xf32, #tpu.memory_space<vmem>>
      %dma_start3A_32 = tpu.memref_squeeze %dma_start3A_31 : memref<1x64x128xf32, #tpu.memory_space<vmem>> -> memref<64x128xf32, #tpu.memory_space<vmem>>
      %dma_start3A_33 = arith.constant 0 : i32
      %dma_start3A_34 = tpu.memref_slice %arg8[%dma_start3A_28, %dma_start3A_33] : memref<32x64xi32, #tpu.memory_space<vmem>> -> memref<1x64xi32, #tpu.memory_space<vmem>>
      %dma_start3A_35 = tpu.memref_squeeze %dma_start3A_34 : memref<1x64xi32, #tpu.memory_space<vmem>> -> memref<64xi32, #tpu.memory_space<vmem>>
      %dma_start3A_36 = arith.constant 0 : i32
      %dma_start3A_37 = arith.constant 0 : i32
      %dma_start3A_38 = tpu.memref_slice %arg2[%dma_start3A_36, %dma_start3A_37] : memref<10000x128xf32, #tpu.memory_space<hbm>> -> memref<10000x128xf32, #tpu.memory_space<hbm>>
      tpu.enqueue_indirect_dma source(%dma_start3A_38 : memref<10000x128xf32, #tpu.memory_space<hbm>>) target(%dma_start3A_32 : memref<64x128xf32, #tpu.memory_space<vmem>>) offsets(%dma_start3A_35 : memref<64xi32, #tpu.memory_space<vmem>>) semaphore(%arg11 : memref<!tpu.dma_semaphore, #tpu.memory_space<semaphore_mem>>)
      %scan3A_39 = arith.constant 0 : i32
      %scan3A_40 = arith.constant 0 : i32
      %scan3A_41 = arith.constant 8 : i32
      %scan3A_42 = arith.addi %scan3A_40, %scan3A_41 : i32
      %scan3A_43 = arith.constant 1 : i32
      scf.for %scan3A_66 = %scan3A_40 to %scan3A_42 step %scan3A_43  : i32 {
        %mul3A_67 = arith.constant 4 : i32
        %mul3A_68 = arith.muli %mul3A_67, %scan3A_66 : i32
        %add3A_69 = arith.constant 0 : i32
        %add3A_70 = arith.addi %mul3A_68, %add3A_69 : i32
        %dma_wait3A_71 = arith.constant 0 : i32
        %dma_wait3A_72 = arith.constant 0 : i32
        %dma_wait3A_73 = tpu.memref_slice %arg10[%scan3A_3, %dma_wait3A_71, %dma_wait3A_72] : memref<4x64x128xf32, #tpu.memory_space<vmem>> -> memref<1x64x128xf32, #tpu.memory_space<vmem>>
        %dma_wait3A_74 = tpu.memref_squeeze %dma_wait3A_73 : memref<1x64x128xf32, #tpu.memory_space<vmem>> -> memref<64x128xf32, #tpu.memory_space<vmem>>
        %dma_wait3A_75 = arith.constant 0 : i32
        %dma_wait3A_76 = tpu.memref_slice %arg8[%add3A_70, %dma_wait3A_75] : memref<32x64xi32, #tpu.memory_space<vmem>> -> memref<1x64xi32, #tpu.memory_space<vmem>>
        %dma_wait3A_77 = tpu.memref_squeeze %dma_wait3A_76 : memref<1x64xi32, #tpu.memory_space<vmem>> -> memref<64xi32, #tpu.memory_space<vmem>>
        %dma_wait3A_78 = arith.constant 0 : i32
        %dma_wait3A_79 = arith.constant 0 : i32
        %dma_wait3A_80 = tpu.memref_slice %arg2[%dma_wait3A_78, %dma_wait3A_79] : memref<10000x128xf32, #tpu.memory_space<hbm>> -> memref<10000x128xf32, #tpu.memory_space<hbm>>
        tpu.wait_indirect_dma semaphore(%arg11 : memref<!tpu.dma_semaphore, #tpu.memory_space<semaphore_mem>>) src(%dma_wait3A_80 : memref<10000x128xf32, #tpu.memory_space<hbm>>) dst(%dma_wait3A_74 : memref<64x128xf32, #tpu.memory_space<vmem>>)
        %dma_start3A_81 = arith.constant 0 : i32
        %dma_start3A_82 = arith.constant 0 : i32
        %dma_start3A_83 = tpu.memref_slice %arg10[%scan3A_3, %dma_start3A_81, %dma_start3A_82] : memref<4x64x128xf32, #tpu.memory_space<vmem>> -> memref<1x64x128xf32, #tpu.memory_space<vmem>>
        %dma_start3A_84 = tpu.memref_squeeze %dma_start3A_83 : memref<1x64x128xf32, #tpu.memory_space<vmem>> -> memref<64x128xf32, #tpu.memory_space<vmem>>
        %dma_start3A_85 = arith.constant 0 : i32
        %dma_start3A_86 = tpu.memref_slice %arg9[%add3A_70, %dma_start3A_85] : memref<32x64xi32, #tpu.memory_space<vmem>> -> memref<1x64xi32, #tpu.memory_space<vmem>>
        %dma_start3A_87 = tpu.memref_squeeze %dma_start3A_86 : memref<1x64xi32, #tpu.memory_space<vmem>> -> memref<64xi32, #tpu.memory_space<vmem>>
        %dma_start3A_88 = arith.constant 0 : i32
        %dma_start3A_89 = arith.constant 0 : i32
        %dma_start3A_90 = tpu.memref_slice %arg7[%dma_start3A_88, %dma_start3A_89] : memref<10112x128xf32, #tpu.memory_space<vmem_shared>> -> memref<10112x128xf32, #tpu.memory_space<vmem_shared>>
        tpu.enqueue_indirect_dma source(%dma_start3A_84 : memref<64x128xf32, #tpu.memory_space<vmem>>) target(%dma_start3A_90 : memref<10112x128xf32, #tpu.memory_space<vmem_shared>>) offsets(%dma_start3A_87 : memref<64xi32, #tpu.memory_space<vmem>>) semaphore(%arg12 : memref<!tpu.dma_semaphore, #tpu.memory_space<semaphore_mem>>) {add = true}
        %ge3A = arith.constant 2 : i32
        %ge3A_91 = arith.cmpi sge, %add3A_70, %ge3A : i32
        %convert_element_type3A = arith.extui %ge3A_91 : i1 to i32
        %cond3A = arith.constant 0 : i32
        %cond3A_92 = arith.cmpi ne, %convert_element_type3A, %cond3A : i32
        scf.if %cond3A_92 {
          %dma_wait3A_201 = arith.constant 0 : i32
          %dma_wait3A_202 = arith.constant 0 : i32
          %dma_wait3A_203 = tpu.memref_slice %arg10[%scan3A_5, %dma_wait3A_201, %dma_wait3A_202] : memref<4x64x128xf32, #tpu.memory_space<vmem>> -> memref<1x64x128xf32, #tpu.memory_space<vmem>>
          %dma_wait3A_204 = tpu.memref_squeeze %dma_wait3A_203 : memref<1x64x128xf32, #tpu.memory_space<vmem>> -> memref<64x128xf32, #tpu.memory_space<vmem>>
          %dma_wait3A_205 = arith.constant 0 : i32
          %dma_wait3A_206 = tpu.memref_slice %arg9[%add3A_70, %dma_wait3A_205] : memref<32x64xi32, #tpu.memory_space<vmem>> -> memref<1x64xi32, #tpu.memory_space<vmem>>
          %dma_wait3A_207 = tpu.memref_squeeze %dma_wait3A_206 : memref<1x64xi32, #tpu.memory_space<vmem>> -> memref<64xi32, #tpu.memory_space<vmem>>
          %dma_wait3A_208 = arith.constant 0 : i32
          %dma_wait3A_209 = arith.constant 0 : i32
          %dma_wait3A_210 = tpu.memref_slice %arg7[%dma_wait3A_208, %dma_wait3A_209] : memref<10112x128xf32, #tpu.memory_space<vmem_shared>> -> memref<10112x128xf32, #tpu.memory_space<vmem_shared>>
          tpu.wait_indirect_dma semaphore(%arg12 : memref<!tpu.dma_semaphore, #tpu.memory_space<semaphore_mem>>) src(%dma_wait3A_204 : memref<64x128xf32, #tpu.memory_space<vmem>>) dst(%dma_wait3A_210 : memref<10112x128xf32, #tpu.memory_space<vmem_shared>>)
        } else {
        }
        %add3A_93 = arith.constant 2 : i32
        %add3A_94 = arith.addi %add3A_70, %add3A_93 : i32
        %lt3A = arith.constant 32 : i32
        %lt3A_95 = arith.cmpi slt, %add3A_94, %lt3A : i32
        %convert_element_type3A_96 = arith.extui %lt3A_95 : i1 to i32
        %cond3A_97 = arith.constant 0 : i32
        %cond3A_98 = arith.cmpi ne, %convert_element_type3A_96, %cond3A_97 : i32
        scf.if %cond3A_98 {
          %add3A_201 = arith.constant 2 : i32
          %add3A_202 = arith.addi %add3A_70, %add3A_201 : i32
          %dma_start3A_203 = arith.constant 0 : i32
          %dma_start3A_204 = arith.constant 0 : i32
          %dma_start3A_205 = tpu.memref_slice %arg10[%scan3A_5, %dma_start3A_203, %dma_start3A_204] : memref<4x64x128xf32, #tpu.memory_space<vmem>> -> memref<1x64x128xf32, #tpu.memory_space<vmem>>
          %dma_start3A_206 = tpu.memref_squeeze %dma_start3A_205 : memref<1x64x128xf32, #tpu.memory_space<vmem>> -> memref<64x128xf32, #tpu.memory_space<vmem>>
          %dma_start3A_207 = arith.constant 0 : i32
          %dma_start3A_208 = tpu.memref_slice %arg8[%add3A_202, %dma_start3A_207] : memref<32x64xi32, #tpu.memory_space<vmem>> -> memref<1x64xi32, #tpu.memory_space<vmem>>
          %dma_start3A_209 = tpu.memref_squeeze %dma_start3A_208 : memref<1x64xi32, #tpu.memory_space<vmem>> -> memref<64xi32, #tpu.memory_space<vmem>>
          %dma_start3A_210 = arith.constant 0 : i32
          %dma_start3A_211 = arith.constant 0 : i32
          %dma_start3A_212 = tpu.memref_slice %arg2[%dma_start3A_210, %dma_start3A_211] : memref<10000x128xf32, #tpu.memory_space<hbm>> -> memref<10000x128xf32, #tpu.memory_space<hbm>>
          tpu.enqueue_indirect_dma source(%dma_start3A_212 : memref<10000x128xf32, #tpu.memory_space<hbm>>) target(%dma_start3A_206 : memref<64x128xf32, #tpu.memory_space<vmem>>) offsets(%dma_start3A_209 : memref<64xi32, #tpu.memory_space<vmem>>) semaphore(%arg11 : memref<!tpu.dma_semaphore, #tpu.memory_space<semaphore_mem>>)
        } else {
        }
        %add3A_99 = arith.constant 1 : i32
        %add3A_100 = arith.addi %mul3A_68, %add3A_99 : i32
        %dma_wait3A_101 = arith.constant 0 : i32
        %dma_wait3A_102 = arith.constant 0 : i32
        %dma_wait3A_103 = tpu.memref_slice %arg10[%scan3A_4, %dma_wait3A_101, %dma_wait3A_102] : memref<4x64x128xf32, #tpu.memory_space<vmem>> -> memref<1x64x128xf32, #tpu.memory_space<vmem>>
        %dma_wait3A_104 = tpu.memref_squeeze %dma_wait3A_103 : memref<1x64x128xf32, #tpu.memory_space<vmem>> -> memref<64x128xf32, #tpu.memory_space<vmem>>
        %dma_wait3A_105 = arith.constant 0 : i32
        %dma_wait3A_106 = tpu.memref_slice %arg8[%add3A_100, %dma_wait3A_105] : memref<32x64xi32, #tpu.memory_space<vmem>> -> memref<1x64xi32, #tpu.memory_space<vmem>>
        %dma_wait3A_107 = tpu.memref_squeeze %dma_wait3A_106 : memref<1x64xi32, #tpu.memory_space<vmem>> -> memref<64xi32, #tpu.memory_space<vmem>>
        %dma_wait3A_108 = arith.constant 0 : i32
        %dma_wait3A_109 = arith.constant 0 : i32
        %dma_wait3A_110 = tpu.memref_slice %arg2[%dma_wait3A_108, %dma_wait3A_109] : memref<10000x128xf32, #tpu.memory_space<hbm>> -> memref<10000x128xf32, #tpu.memory_space<hbm>>
        tpu.wait_indirect_dma semaphore(%arg11 : memref<!tpu.dma_semaphore, #tpu.memory_space<semaphore_mem>>) src(%dma_wait3A_110 : memref<10000x128xf32, #tpu.memory_space<hbm>>) dst(%dma_wait3A_104 : memref<64x128xf32, #tpu.memory_space<vmem>>)
        %dma_start3A_111 = arith.constant 0 : i32
        %dma_start3A_112 = arith.constant 0 : i32
        %dma_start3A_113 = tpu.memref_slice %arg10[%scan3A_4, %dma_start3A_111, %dma_start3A_112] : memref<4x64x128xf32, #tpu.memory_space<vmem>> -> memref<1x64x128xf32, #tpu.memory_space<vmem>>
        %dma_start3A_114 = tpu.memref_squeeze %dma_start3A_113 : memref<1x64x128xf32, #tpu.memory_space<vmem>> -> memref<64x128xf32, #tpu.memory_space<vmem>>
        %dma_start3A_115 = arith.constant 0 : i32
        %dma_start3A_116 = tpu.memref_slice %arg9[%add3A_100, %dma_start3A_115] : memref<32x64xi32, #tpu.memory_space<vmem>> -> memref<1x64xi32, #tpu.memory_space<vmem>>
        %dma_start3A_117 = tpu.memref_squeeze %dma_start3A_116 : memref<1x64xi32, #tpu.memory_space<vmem>> -> memref<64xi32, #tpu.memory_space<vmem>>
        %dma_start3A_118 = arith.constant 0 : i32
        %dma_start3A_119 = arith.constant 0 : i32
        %dma_start3A_120 = tpu.memref_slice %arg7[%dma_start3A_118, %dma_start3A_119] : memref<10112x128xf32, #tpu.memory_space<vmem_shared>> -> memref<10112x128xf32, #tpu.memory_space<vmem_shared>>
        tpu.enqueue_indirect_dma source(%dma_start3A_114 : memref<64x128xf32, #tpu.memory_space<vmem>>) target(%dma_start3A_120 : memref<10112x128xf32, #tpu.memory_space<vmem_shared>>) offsets(%dma_start3A_117 : memref<64xi32, #tpu.memory_space<vmem>>) semaphore(%arg12 : memref<!tpu.dma_semaphore, #tpu.memory_space<semaphore_mem>>) {add = true}
        %ge3A_121 = arith.constant 2 : i32
        %ge3A_122 = arith.cmpi sge, %add3A_100, %ge3A_121 : i32
        %convert_element_type3A_123 = arith.extui %ge3A_122 : i1 to i32
        %cond3A_124 = arith.constant 0 : i32
        %cond3A_125 = arith.cmpi ne, %convert_element_type3A_123, %cond3A_124 : i32
        scf.if %cond3A_125 {
          %dma_wait3A_201 = arith.constant 0 : i32
          %dma_wait3A_202 = arith.constant 0 : i32
          %dma_wait3A_203 = tpu.memref_slice %arg10[%scan3A_6, %dma_wait3A_201, %dma_wait3A_202] : memref<4x64x128xf32, #tpu.memory_space<vmem>> -> memref<1x64x128xf32, #tpu.memory_space<vmem>>
          %dma_wait3A_204 = tpu.memref_squeeze %dma_wait3A_203 : memref<1x64x128xf32, #tpu.memory_space<vmem>> -> memref<64x128xf32, #tpu.memory_space<vmem>>
          %dma_wait3A_205 = arith.constant 0 : i32
          %dma_wait3A_206 = tpu.memref_slice %arg9[%add3A_100, %dma_wait3A_205] : memref<32x64xi32, #tpu.memory_space<vmem>> -> memref<1x64xi32, #tpu.memory_space<vmem>>
          %dma_wait3A_207 = tpu.memref_squeeze %dma_wait3A_206 : memref<1x64xi32, #tpu.memory_space<vmem>> -> memref<64xi32, #tpu.memory_space<vmem>>
          %dma_wait3A_208 = arith.constant 0 : i32
          %dma_wait3A_209 = arith.constant 0 : i32
          %dma_wait3A_210 = tpu.memref_slice %arg7[%dma_wait3A_208, %dma_wait3A_209] : memref<10112x128xf32, #tpu.memory_space<vmem_shared>> -> memref<10112x128xf32, #tpu.memory_space<vmem_shared>>
          tpu.wait_indirect_dma semaphore(%arg12 : memref<!tpu.dma_semaphore, #tpu.memory_space<semaphore_mem>>) src(%dma_wait3A_204 : memref<64x128xf32, #tpu.memory_space<vmem>>) dst(%dma_wait3A_210 : memref<10112x128xf32, #tpu.memory_space<vmem_shared>>)
        } else {
        }
        %add3A_126 = arith.constant 2 : i32
        %add3A_127 = arith.addi %add3A_100, %add3A_126 : i32
        %lt3A_128 = arith.constant 32 : i32
        %lt3A_129 = arith.cmpi slt, %add3A_127, %lt3A_128 : i32
        %convert_element_type3A_130 = arith.extui %lt3A_129 : i1 to i32
        %cond3A_131 = arith.constant 0 : i32
        %cond3A_132 = arith.cmpi ne, %convert_element_type3A_130, %cond3A_131 : i32
        scf.if %cond3A_132 {
          %add3A_201 = arith.constant 2 : i32
          %add3A_202 = arith.addi %add3A_100, %add3A_201 : i32
          %dma_start3A_203 = arith.constant 0 : i32
          %dma_start3A_204 = arith.constant 0 : i32
          %dma_start3A_205 = tpu.memref_slice %arg10[%scan3A_6, %dma_start3A_203, %dma_start3A_204] : memref<4x64x128xf32, #tpu.memory_space<vmem>> -> memref<1x64x128xf32, #tpu.memory_space<vmem>>
          %dma_start3A_206 = tpu.memref_squeeze %dma_start3A_205 : memref<1x64x128xf32, #tpu.memory_space<vmem>> -> memref<64x128xf32, #tpu.memory_space<vmem>>
          %dma_start3A_207 = arith.constant 0 : i32
          %dma_start3A_208 = tpu.memref_slice %arg8[%add3A_202, %dma_start3A_207] : memref<32x64xi32, #tpu.memory_space<vmem>> -> memref<1x64xi32, #tpu.memory_space<vmem>>
          %dma_start3A_209 = tpu.memref_squeeze %dma_start3A_208 : memref<1x64xi32, #tpu.memory_space<vmem>> -> memref<64xi32, #tpu.memory_space<vmem>>
          %dma_start3A_210 = arith.constant 0 : i32
          %dma_start3A_211 = arith.constant 0 : i32
          %dma_start3A_212 = tpu.memref_slice %arg2[%dma_start3A_210, %dma_start3A_211] : memref<10000x128xf32, #tpu.memory_space<hbm>> -> memref<10000x128xf32, #tpu.memory_space<hbm>>
          tpu.enqueue_indirect_dma source(%dma_start3A_212 : memref<10000x128xf32, #tpu.memory_space<hbm>>) target(%dma_start3A_206 : memref<64x128xf32, #tpu.memory_space<vmem>>) offsets(%dma_start3A_209 : memref<64xi32, #tpu.memory_space<vmem>>) semaphore(%arg11 : memref<!tpu.dma_semaphore, #tpu.memory_space<semaphore_mem>>)
        } else {
        }
        %add3A_133 = arith.constant 2 : i32
        %add3A_134 = arith.addi %mul3A_68, %add3A_133 : i32
        %dma_wait3A_135 = arith.constant 0 : i32
        %dma_wait3A_136 = arith.constant 0 : i32
        %dma_wait3A_137 = tpu.memref_slice %arg10[%scan3A_5, %dma_wait3A_135, %dma_wait3A_136] : memref<4x64x128xf32, #tpu.memory_space<vmem>> -> memref<1x64x128xf32, #tpu.memory_space<vmem>>
        %dma_wait3A_138 = tpu.memref_squeeze %dma_wait3A_137 : memref<1x64x128xf32, #tpu.memory_space<vmem>> -> memref<64x128xf32, #tpu.memory_space<vmem>>
        %dma_wait3A_139 = arith.constant 0 : i32
        %dma_wait3A_140 = tpu.memref_slice %arg8[%add3A_134, %dma_wait3A_139] : memref<32x64xi32, #tpu.memory_space<vmem>> -> memref<1x64xi32, #tpu.memory_space<vmem>>
        %dma_wait3A_141 = tpu.memref_squeeze %dma_wait3A_140 : memref<1x64xi32, #tpu.memory_space<vmem>> -> memref<64xi32, #tpu.memory_space<vmem>>
        %dma_wait3A_142 = arith.constant 0 : i32
        %dma_wait3A_143 = arith.constant 0 : i32
        %dma_wait3A_144 = tpu.memref_slice %arg2[%dma_wait3A_142, %dma_wait3A_143] : memref<10000x128xf32, #tpu.memory_space<hbm>> -> memref<10000x128xf32, #tpu.memory_space<hbm>>
        tpu.wait_indirect_dma semaphore(%arg11 : memref<!tpu.dma_semaphore, #tpu.memory_space<semaphore_mem>>) src(%dma_wait3A_144 : memref<10000x128xf32, #tpu.memory_space<hbm>>) dst(%dma_wait3A_138 : memref<64x128xf32, #tpu.memory_space<vmem>>)
        %dma_start3A_145 = arith.constant 0 : i32
        %dma_start3A_146 = arith.constant 0 : i32
        %dma_start3A_147 = tpu.memref_slice %arg10[%scan3A_5, %dma_start3A_145, %dma_start3A_146] : memref<4x64x128xf32, #tpu.memory_space<vmem>> -> memref<1x64x128xf32, #tpu.memory_space<vmem>>
        %dma_start3A_148 = tpu.memref_squeeze %dma_start3A_147 : memref<1x64x128xf32, #tpu.memory_space<vmem>> -> memref<64x128xf32, #tpu.memory_space<vmem>>
        %dma_start3A_149 = arith.constant 0 : i32
        %dma_start3A_150 = tpu.memref_slice %arg9[%add3A_134, %dma_start3A_149] : memref<32x64xi32, #tpu.memory_space<vmem>> -> memref<1x64xi32, #tpu.memory_space<vmem>>
        %dma_start3A_151 = tpu.memref_squeeze %dma_start3A_150 : memref<1x64xi32, #tpu.memory_space<vmem>> -> memref<64xi32, #tpu.memory_space<vmem>>
        %dma_start3A_152 = arith.constant 0 : i32
        %dma_start3A_153 = arith.constant 0 : i32
        %dma_start3A_154 = tpu.memref_slice %arg7[%dma_start3A_152, %dma_start3A_153] : memref<10112x128xf32, #tpu.memory_space<vmem_shared>> -> memref<10112x128xf32, #tpu.memory_space<vmem_shared>>
        tpu.enqueue_indirect_dma source(%dma_start3A_148 : memref<64x128xf32, #tpu.memory_space<vmem>>) target(%dma_start3A_154 : memref<10112x128xf32, #tpu.memory_space<vmem_shared>>) offsets(%dma_start3A_151 : memref<64xi32, #tpu.memory_space<vmem>>) semaphore(%arg12 : memref<!tpu.dma_semaphore, #tpu.memory_space<semaphore_mem>>) {add = true}
        %ge3A_155 = arith.constant 2 : i32
        %ge3A_156 = arith.cmpi sge, %add3A_134, %ge3A_155 : i32
        %convert_element_type3A_157 = arith.extui %ge3A_156 : i1 to i32
        %cond3A_158 = arith.constant 0 : i32
        %cond3A_159 = arith.cmpi ne, %convert_element_type3A_157, %cond3A_158 : i32
        scf.if %cond3A_159 {
          %dma_wait3A_201 = arith.constant 0 : i32
          %dma_wait3A_202 = arith.constant 0 : i32
          %dma_wait3A_203 = tpu.memref_slice %arg10[%scan3A_3, %dma_wait3A_201, %dma_wait3A_202] : memref<4x64x128xf32, #tpu.memory_space<vmem>> -> memref<1x64x128xf32, #tpu.memory_space<vmem>>
          %dma_wait3A_204 = tpu.memref_squeeze %dma_wait3A_203 : memref<1x64x128xf32, #tpu.memory_space<vmem>> -> memref<64x128xf32, #tpu.memory_space<vmem>>
          %dma_wait3A_205 = arith.constant 0 : i32
          %dma_wait3A_206 = tpu.memref_slice %arg9[%add3A_134, %dma_wait3A_205] : memref<32x64xi32, #tpu.memory_space<vmem>> -> memref<1x64xi32, #tpu.memory_space<vmem>>
          %dma_wait3A_207 = tpu.memref_squeeze %dma_wait3A_206 : memref<1x64xi32, #tpu.memory_space<vmem>> -> memref<64xi32, #tpu.memory_space<vmem>>
          %dma_wait3A_208 = arith.constant 0 : i32
          %dma_wait3A_209 = arith.constant 0 : i32
          %dma_wait3A_210 = tpu.memref_slice %arg7[%dma_wait3A_208, %dma_wait3A_209] : memref<10112x128xf32, #tpu.memory_space<vmem_shared>> -> memref<10112x128xf32, #tpu.memory_space<vmem_shared>>
          tpu.wait_indirect_dma semaphore(%arg12 : memref<!tpu.dma_semaphore, #tpu.memory_space<semaphore_mem>>) src(%dma_wait3A_204 : memref<64x128xf32, #tpu.memory_space<vmem>>) dst(%dma_wait3A_210 : memref<10112x128xf32, #tpu.memory_space<vmem_shared>>)
        } else {
        }
        %add3A_160 = arith.constant 2 : i32
        %add3A_161 = arith.addi %add3A_134, %add3A_160 : i32
        %lt3A_162 = arith.constant 32 : i32
        %lt3A_163 = arith.cmpi slt, %add3A_161, %lt3A_162 : i32
        %convert_element_type3A_164 = arith.extui %lt3A_163 : i1 to i32
        %cond3A_165 = arith.constant 0 : i32
        %cond3A_166 = arith.cmpi ne, %convert_element_type3A_164, %cond3A_165 : i32
        scf.if %cond3A_166 {
          %add3A_201 = arith.constant 2 : i32
          %add3A_202 = arith.addi %add3A_134, %add3A_201 : i32
          %dma_start3A_203 = arith.constant 0 : i32
          %dma_start3A_204 = arith.constant 0 : i32
          %dma_start3A_205 = tpu.memref_slice %arg10[%scan3A_3, %dma_start3A_203, %dma_start3A_204] : memref<4x64x128xf32, #tpu.memory_space<vmem>> -> memref<1x64x128xf32, #tpu.memory_space<vmem>>
          %dma_start3A_206 = tpu.memref_squeeze %dma_start3A_205 : memref<1x64x128xf32, #tpu.memory_space<vmem>> -> memref<64x128xf32, #tpu.memory_space<vmem>>
          %dma_start3A_207 = arith.constant 0 : i32
          %dma_start3A_208 = tpu.memref_slice %arg8[%add3A_202, %dma_start3A_207] : memref<32x64xi32, #tpu.memory_space<vmem>> -> memref<1x64xi32, #tpu.memory_space<vmem>>
          %dma_start3A_209 = tpu.memref_squeeze %dma_start3A_208 : memref<1x64xi32, #tpu.memory_space<vmem>> -> memref<64xi32, #tpu.memory_space<vmem>>
          %dma_start3A_210 = arith.constant 0 : i32
          %dma_start3A_211 = arith.constant 0 : i32
          %dma_start3A_212 = tpu.memref_slice %arg2[%dma_start3A_210, %dma_start3A_211] : memref<10000x128xf32, #tpu.memory_space<hbm>> -> memref<10000x128xf32, #tpu.memory_space<hbm>>
          tpu.enqueue_indirect_dma source(%dma_start3A_212 : memref<10000x128xf32, #tpu.memory_space<hbm>>) target(%dma_start3A_206 : memref<64x128xf32, #tpu.memory_space<vmem>>) offsets(%dma_start3A_209 : memref<64xi32, #tpu.memory_space<vmem>>) semaphore(%arg11 : memref<!tpu.dma_semaphore, #tpu.memory_space<semaphore_mem>>)
        } else {
        }
        %add3A_167 = arith.constant 3 : i32
        %add3A_168 = arith.addi %mul3A_68, %add3A_167 : i32
        %dma_wait3A_169 = arith.constant 0 : i32
        %dma_wait3A_170 = arith.constant 0 : i32
        %dma_wait3A_171 = tpu.memref_slice %arg10[%scan3A_6, %dma_wait3A_169, %dma_wait3A_170] : memref<4x64x128xf32, #tpu.memory_space<vmem>> -> memref<1x64x128xf32, #tpu.memory_space<vmem>>
        %dma_wait3A_172 = tpu.memref_squeeze %dma_wait3A_171 : memref<1x64x128xf32, #tpu.memory_space<vmem>> -> memref<64x128xf32, #tpu.memory_space<vmem>>
        %dma_wait3A_173 = arith.constant 0 : i32
        %dma_wait3A_174 = tpu.memref_slice %arg8[%add3A_168, %dma_wait3A_173] : memref<32x64xi32, #tpu.memory_space<vmem>> -> memref<1x64xi32, #tpu.memory_space<vmem>>
        %dma_wait3A_175 = tpu.memref_squeeze %dma_wait3A_174 : memref<1x64xi32, #tpu.memory_space<vmem>> -> memref<64xi32, #tpu.memory_space<vmem>>
        %dma_wait3A_176 = arith.constant 0 : i32
        %dma_wait3A_177 = arith.constant 0 : i32
        %dma_wait3A_178 = tpu.memref_slice %arg2[%dma_wait3A_176, %dma_wait3A_177] : memref<10000x128xf32, #tpu.memory_space<hbm>> -> memref<10000x128xf32, #tpu.memory_space<hbm>>
        tpu.wait_indirect_dma semaphore(%arg11 : memref<!tpu.dma_semaphore, #tpu.memory_space<semaphore_mem>>) src(%dma_wait3A_178 : memref<10000x128xf32, #tpu.memory_space<hbm>>) dst(%dma_wait3A_172 : memref<64x128xf32, #tpu.memory_space<vmem>>)
        %dma_start3A_179 = arith.constant 0 : i32
        %dma_start3A_180 = arith.constant 0 : i32
        %dma_start3A_181 = tpu.memref_slice %arg10[%scan3A_6, %dma_start3A_179, %dma_start3A_180] : memref<4x64x128xf32, #tpu.memory_space<vmem>> -> memref<1x64x128xf32, #tpu.memory_space<vmem>>
        %dma_start3A_182 = tpu.memref_squeeze %dma_start3A_181 : memref<1x64x128xf32, #tpu.memory_space<vmem>> -> memref<64x128xf32, #tpu.memory_space<vmem>>
        %dma_start3A_183 = arith.constant 0 : i32
        %dma_start3A_184 = tpu.memref_slice %arg9[%add3A_168, %dma_start3A_183] : memref<32x64xi32, #tpu.memory_space<vmem>> -> memref<1x64xi32, #tpu.memory_space<vmem>>
        %dma_start3A_185 = tpu.memref_squeeze %dma_start3A_184 : memref<1x64xi32, #tpu.memory_space<vmem>> -> memref<64xi32, #tpu.memory_space<vmem>>
        %dma_start3A_186 = arith.constant 0 : i32
        %dma_start3A_187 = arith.constant 0 : i32
        %dma_start3A_188 = tpu.memref_slice %arg7[%dma_start3A_186, %dma_start3A_187] : memref<10112x128xf32, #tpu.memory_space<vmem_shared>> -> memref<10112x128xf32, #tpu.memory_space<vmem_shared>>
        tpu.enqueue_indirect_dma source(%dma_start3A_182 : memref<64x128xf32, #tpu.memory_space<vmem>>) target(%dma_start3A_188 : memref<10112x128xf32, #tpu.memory_space<vmem_shared>>) offsets(%dma_start3A_185 : memref<64xi32, #tpu.memory_space<vmem>>) semaphore(%arg12 : memref<!tpu.dma_semaphore, #tpu.memory_space<semaphore_mem>>) {add = true}
        %ge3A_189 = arith.constant 2 : i32
        %ge3A_190 = arith.cmpi sge, %add3A_168, %ge3A_189 : i32
        %convert_element_type3A_191 = arith.extui %ge3A_190 : i1 to i32
        %cond3A_192 = arith.constant 0 : i32
        %cond3A_193 = arith.cmpi ne, %convert_element_type3A_191, %cond3A_192 : i32
        scf.if %cond3A_193 {
          %dma_wait3A_201 = arith.constant 0 : i32
          %dma_wait3A_202 = arith.constant 0 : i32
          %dma_wait3A_203 = tpu.memref_slice %arg10[%scan3A_4, %dma_wait3A_201, %dma_wait3A_202] : memref<4x64x128xf32, #tpu.memory_space<vmem>> -> memref<1x64x128xf32, #tpu.memory_space<vmem>>
          %dma_wait3A_204 = tpu.memref_squeeze %dma_wait3A_203 : memref<1x64x128xf32, #tpu.memory_space<vmem>> -> memref<64x128xf32, #tpu.memory_space<vmem>>
          %dma_wait3A_205 = arith.constant 0 : i32
          %dma_wait3A_206 = tpu.memref_slice %arg9[%add3A_168, %dma_wait3A_205] : memref<32x64xi32, #tpu.memory_space<vmem>> -> memref<1x64xi32, #tpu.memory_space<vmem>>
          %dma_wait3A_207 = tpu.memref_squeeze %dma_wait3A_206 : memref<1x64xi32, #tpu.memory_space<vmem>> -> memref<64xi32, #tpu.memory_space<vmem>>
          %dma_wait3A_208 = arith.constant 0 : i32
          %dma_wait3A_209 = arith.constant 0 : i32
          %dma_wait3A_210 = tpu.memref_slice %arg7[%dma_wait3A_208, %dma_wait3A_209] : memref<10112x128xf32, #tpu.memory_space<vmem_shared>> -> memref<10112x128xf32, #tpu.memory_space<vmem_shared>>
          tpu.wait_indirect_dma semaphore(%arg12 : memref<!tpu.dma_semaphore, #tpu.memory_space<semaphore_mem>>) src(%dma_wait3A_204 : memref<64x128xf32, #tpu.memory_space<vmem>>) dst(%dma_wait3A_210 : memref<10112x128xf32, #tpu.memory_space<vmem_shared>>)
        } else {
        }
        %add3A_194 = arith.constant 2 : i32
        %add3A_195 = arith.addi %add3A_168, %add3A_194 : i32
        %lt3A_196 = arith.constant 32 : i32
        %lt3A_197 = arith.cmpi slt, %add3A_195, %lt3A_196 : i32
        %convert_element_type3A_198 = arith.extui %lt3A_197 : i1 to i32
        %cond3A_199 = arith.constant 0 : i32
        %cond3A_200 = arith.cmpi ne, %convert_element_type3A_198, %cond3A_199 : i32
        scf.if %cond3A_200 {
          %add3A_201 = arith.constant 2 : i32
          %add3A_202 = arith.addi %add3A_168, %add3A_201 : i32
          %dma_start3A_203 = arith.constant 0 : i32
          %dma_start3A_204 = arith.constant 0 : i32
          %dma_start3A_205 = tpu.memref_slice %arg10[%scan3A_4, %dma_start3A_203, %dma_start3A_204] : memref<4x64x128xf32, #tpu.memory_space<vmem>> -> memref<1x64x128xf32, #tpu.memory_space<vmem>>
          %dma_start3A_206 = tpu.memref_squeeze %dma_start3A_205 : memref<1x64x128xf32, #tpu.memory_space<vmem>> -> memref<64x128xf32, #tpu.memory_space<vmem>>
          %dma_start3A_207 = arith.constant 0 : i32
          %dma_start3A_208 = tpu.memref_slice %arg8[%add3A_202, %dma_start3A_207] : memref<32x64xi32, #tpu.memory_space<vmem>> -> memref<1x64xi32, #tpu.memory_space<vmem>>
          %dma_start3A_209 = tpu.memref_squeeze %dma_start3A_208 : memref<1x64xi32, #tpu.memory_space<vmem>> -> memref<64xi32, #tpu.memory_space<vmem>>
          %dma_start3A_210 = arith.constant 0 : i32
          %dma_start3A_211 = arith.constant 0 : i32
          %dma_start3A_212 = tpu.memref_slice %arg2[%dma_start3A_210, %dma_start3A_211] : memref<10000x128xf32, #tpu.memory_space<hbm>> -> memref<10000x128xf32, #tpu.memory_space<hbm>>
          tpu.enqueue_indirect_dma source(%dma_start3A_212 : memref<10000x128xf32, #tpu.memory_space<hbm>>) target(%dma_start3A_206 : memref<64x128xf32, #tpu.memory_space<vmem>>) offsets(%dma_start3A_209 : memref<64xi32, #tpu.memory_space<vmem>>) semaphore(%arg11 : memref<!tpu.dma_semaphore, #tpu.memory_space<semaphore_mem>>)
        } else {
        }
      }
      %scan3A_44 = arith.constant 8 : i32
      %dma_wait3A = arith.constant 31 : i32
      %dma_wait3A_45 = arith.constant 0 : i32
      %dma_wait3A_46 = arith.constant 0 : i32
      %dma_wait3A_47 = tpu.memref_slice %arg10[%scan3A_5, %dma_wait3A_45, %dma_wait3A_46] : memref<4x64x128xf32, #tpu.memory_space<vmem>> -> memref<1x64x128xf32, #tpu.memory_space<vmem>>
      %dma_wait3A_48 = tpu.memref_squeeze %dma_wait3A_47 : memref<1x64x128xf32, #tpu.memory_space<vmem>> -> memref<64x128xf32, #tpu.memory_space<vmem>>
      %dma_wait3A_49 = arith.constant 0 : i32
      %dma_wait3A_50 = tpu.memref_slice %arg9[%dma_wait3A, %dma_wait3A_49] : memref<32x64xi32, #tpu.memory_space<vmem>> -> memref<1x64xi32, #tpu.memory_space<vmem>>
      %dma_wait3A_51 = tpu.memref_squeeze %dma_wait3A_50 : memref<1x64xi32, #tpu.memory_space<vmem>> -> memref<64xi32, #tpu.memory_space<vmem>>
      %dma_wait3A_52 = arith.constant 0 : i32
      %dma_wait3A_53 = arith.constant 0 : i32
      %dma_wait3A_54 = tpu.memref_slice %arg7[%dma_wait3A_52, %dma_wait3A_53] : memref<10112x128xf32, #tpu.memory_space<vmem_shared>> -> memref<10112x128xf32, #tpu.memory_space<vmem_shared>>
      tpu.wait_indirect_dma semaphore(%arg12 : memref<!tpu.dma_semaphore, #tpu.memory_space<semaphore_mem>>) src(%dma_wait3A_48 : memref<64x128xf32, #tpu.memory_space<vmem>>) dst(%dma_wait3A_54 : memref<10112x128xf32, #tpu.memory_space<vmem_shared>>)
      %dma_wait3A_55 = arith.constant 31 : i32
      %dma_wait3A_56 = arith.constant 0 : i32
      %dma_wait3A_57 = arith.constant 0 : i32
      %dma_wait3A_58 = tpu.memref_slice %arg10[%scan3A_6, %dma_wait3A_56, %dma_wait3A_57] : memref<4x64x128xf32, #tpu.memory_space<vmem>> -> memref<1x64x128xf32, #tpu.memory_space<vmem>>
      %dma_wait3A_59 = tpu.memref_squeeze %dma_wait3A_58 : memref<1x64x128xf32, #tpu.memory_space<vmem>> -> memref<64x128xf32, #tpu.memory_space<vmem>>
      %dma_wait3A_60 = arith.constant 0 : i32
      %dma_wait3A_61 = tpu.memref_slice %arg9[%dma_wait3A_55, %dma_wait3A_60] : memref<32x64xi32, #tpu.memory_space<vmem>> -> memref<1x64xi32, #tpu.memory_space<vmem>>
      %dma_wait3A_62 = tpu.memref_squeeze %dma_wait3A_61 : memref<1x64xi32, #tpu.memory_space<vmem>> -> memref<64xi32, #tpu.memory_space<vmem>>
      %dma_wait3A_63 = arith.constant 0 : i32
      %dma_wait3A_64 = arith.constant 0 : i32
      %dma_wait3A_65 = tpu.memref_slice %arg7[%dma_wait3A_63, %dma_wait3A_64] : memref<10112x128xf32, #tpu.memory_space<vmem_shared>> -> memref<10112x128xf32, #tpu.memory_space<vmem_shared>>
      tpu.wait_indirect_dma semaphore(%arg12 : memref<!tpu.dma_semaphore, #tpu.memory_space<semaphore_mem>>) src(%dma_wait3A_59 : memref<64x128xf32, #tpu.memory_space<vmem>>) dst(%dma_wait3A_65 : memref<10112x128xf32, #tpu.memory_space<vmem_shared>>)
    }
    %scan3A_11 = arith.constant 5 : i32
    %barrier3A_12 = arith.constant 0 : index
    tpu.barrier barrier_id(%barrier3A_12)
    "tpu.region"() ({
      %run_scoped3A = tpu.sem_alloc : memref<!tpu.dma_semaphore, #tpu.memory_space<semaphore_mem>>
      %dma_start3A = arith.constant 0 : i32
      %dma_start3A_13 = tpu.memref_slice %arg6[%arg0, %mul3A_2, %dma_start3A] : memref<2x10112x128xf32, #tpu.memory_space<hbm>> -> memref<1x632x128xf32, #tpu.memory_space<hbm>>
      %dma_start3A_14 = tpu.memref_squeeze %dma_start3A_13 : memref<1x632x128xf32, #tpu.memory_space<hbm>> -> memref<632x128xf32, #tpu.memory_space<hbm>>
      %dma_start3A_15 = arith.constant 0 : i32
      %dma_start3A_16 = tpu.memref_slice %arg7[%mul3A_2, %dma_start3A_15] : memref<10112x128xf32, #tpu.memory_space<vmem_shared>> -> memref<632x128xf32, #tpu.memory_space<vmem_shared>>
      tpu.enqueue_dma source(%dma_start3A_16 : memref<632x128xf32, #tpu.memory_space<vmem_shared>>) target(%dma_start3A_14 : memref<632x128xf32, #tpu.memory_space<hbm>>) target_semaphore(%run_scoped3A : memref<!tpu.dma_semaphore, #tpu.memory_space<semaphore_mem>>)
      %dma_wait3A = arith.constant 0 : i32
      %dma_wait3A_17 = tpu.memref_slice %arg6[%arg0, %mul3A_2, %dma_wait3A] : memref<2x10112x128xf32, #tpu.memory_space<hbm>> -> memref<1x632x128xf32, #tpu.memory_space<hbm>>
      %dma_wait3A_18 = tpu.memref_squeeze %dma_wait3A_17 : memref<1x632x128xf32, #tpu.memory_space<hbm>> -> memref<632x128xf32, #tpu.memory_space<hbm>>
      %dma_wait3A_19 = arith.constant 0 : i32
      %dma_wait3A_20 = tpu.memref_slice %arg7[%mul3A_2, %dma_wait3A_19] : memref<10112x128xf32, #tpu.memory_space<vmem_shared>> -> memref<632x128xf32, #tpu.memory_space<vmem_shared>>
      tpu.wait_dma2 semaphore(%run_scoped3A : memref<!tpu.dma_semaphore, #tpu.memory_space<semaphore_mem>>) src(%dma_wait3A_20 : memref<632x128xf32, #tpu.memory_space<vmem_shared>>) dst(%dma_wait3A_18 : memref<632x128xf32, #tpu.memory_space<hbm>>)
      tpu.yield
    }) : () -> ()
    return
  }
}

#map = affine_map<(d0, d1) -> (0, 0, 0)>
#map1 = affine_map<(d0, d1) -> (0, 0)>
module attributes {stable_mosaic.version = 14 : i64} {
  func.func @_sc_cnt_body(%arg0: i32, %arg1: i32, %arg2: memref<32x80x128xi32, #tpu.memory_space<hbm>>, %arg3: memref<10112x128xf32, #tpu.memory_space<hbm>>, %arg4: memref<128x128xf32, #tpu.memory_space<hbm>>, %arg5: memref<2x10112x128xf32, #tpu.memory_space<hbm>>, %arg6: memref<10112x128xf32, #tpu.memory_space<vmem_shared>>, %arg7: memref<16x128xi32, #tpu.memory_space<vmem>>, %arg8: memref<128x128xf32, #tpu.memory_space<vmem>>) attributes {dimension_semantics = [#tpu.dimension_semantics<core_parallel>, #tpu.dimension_semantics<subcore_parallel>], iteration_bounds = array<i64: 2, 16>, scalar_prefetch = 0 : i64, scratch_operands = 3 : i64, tpu.core_type = #tpu.core_type<sc_vector_subcore>, window_params = [{transform_indices = #map}, {transform_indices = #map1}, {transform_indices = #map1}, {transform_indices = #map}]} {
    %mul3A = arith.constant 16 : i32
    %mul3A_0 = arith.muli %arg0, %mul3A : i32
    %add3A = arith.addi %mul3A_0, %arg1 : i32
    %mul3A_1 = arith.constant 632 : i32
    %mul3A_2 = arith.muli %arg1, %mul3A_1 : i32
    "tpu.region"() ({
      %run_scoped3A = tpu.sem_alloc : memref<!tpu.dma_semaphore, #tpu.memory_space<semaphore_mem>>
      %dma_start3A = arith.constant 0 : i32
      %dma_start3A_9 = tpu.memref_slice %arg6[%mul3A_2, %dma_start3A] : memref<10112x128xf32, #tpu.memory_space<vmem_shared>> -> memref<632x128xf32, #tpu.memory_space<vmem_shared>>
      %dma_start3A_10 = arith.constant 0 : i32
      %dma_start3A_11 = tpu.memref_slice %arg3[%mul3A_2, %dma_start3A_10] : memref<10112x128xf32, #tpu.memory_space<hbm>> -> memref<632x128xf32, #tpu.memory_space<hbm>>
      tpu.enqueue_dma source(%dma_start3A_11 : memref<632x128xf32, #tpu.memory_space<hbm>>) target(%dma_start3A_9 : memref<632x128xf32, #tpu.memory_space<vmem_shared>>) target_semaphore(%run_scoped3A : memref<!tpu.dma_semaphore, #tpu.memory_space<semaphore_mem>>)
      %dma_wait3A = arith.constant 0 : i32
      %dma_wait3A_12 = tpu.memref_slice %arg6[%mul3A_2, %dma_wait3A] : memref<10112x128xf32, #tpu.memory_space<vmem_shared>> -> memref<632x128xf32, #tpu.memory_space<vmem_shared>>
      %dma_wait3A_13 = arith.constant 0 : i32
      %dma_wait3A_14 = tpu.memref_slice %arg3[%mul3A_2, %dma_wait3A_13] : memref<10112x128xf32, #tpu.memory_space<hbm>> -> memref<632x128xf32, #tpu.memory_space<hbm>>
      tpu.wait_dma2 semaphore(%run_scoped3A : memref<!tpu.dma_semaphore, #tpu.memory_space<semaphore_mem>>) src(%dma_wait3A_14 : memref<632x128xf32, #tpu.memory_space<hbm>>) dst(%dma_wait3A_12 : memref<632x128xf32, #tpu.memory_space<vmem_shared>>)
      tpu.yield
    }) : () -> ()
    "tpu.region"() ({
      %run_scoped3A = tpu.sem_alloc : memref<!tpu.dma_semaphore, #tpu.memory_space<semaphore_mem>>
      tpu.enqueue_dma source(%arg4 : memref<128x128xf32, #tpu.memory_space<hbm>>) target(%arg8 : memref<128x128xf32, #tpu.memory_space<vmem>>) target_semaphore(%run_scoped3A : memref<!tpu.dma_semaphore, #tpu.memory_space<semaphore_mem>>)
      tpu.wait_dma2 semaphore(%run_scoped3A : memref<!tpu.dma_semaphore, #tpu.memory_space<semaphore_mem>>) src(%arg4 : memref<128x128xf32, #tpu.memory_space<hbm>>) dst(%arg8 : memref<128x128xf32, #tpu.memory_space<vmem>>)
      tpu.yield
    }) : () -> ()
    %barrier3A = arith.constant 0 : index
    tpu.barrier barrier_id(%barrier3A)
    %scan3A = arith.constant 0 : i32
    %scan3A_3 = arith.constant 0 : i32
    %scan3A_4 = arith.constant 5 : i32
    %scan3A_5 = arith.addi %scan3A_3, %scan3A_4 : i32
    %scan3A_6 = arith.constant 1 : i32
    scf.for %scan3A_9 = %scan3A_3 to %scan3A_5 step %scan3A_6  : i32 {
      %mul3A_10 = arith.constant 16 : i32
      %mul3A_11 = arith.muli %scan3A_9, %mul3A_10 : i32
      "tpu.region"() ({
        %run_scoped3A = tpu.sem_alloc : memref<!tpu.dma_semaphore, #tpu.memory_space<semaphore_mem>>
        %dma_start3A = arith.constant 0 : i32
        %dma_start3A_18 = tpu.memref_slice %arg2[%add3A, %mul3A_11, %dma_start3A] : memref<32x80x128xi32, #tpu.memory_space<hbm>> -> memref<1x16x128xi32, #tpu.memory_space<hbm>>
        %dma_start3A_19 = tpu.memref_squeeze %dma_start3A_18 : memref<1x16x128xi32, #tpu.memory_space<hbm>> -> memref<16x128xi32, #tpu.memory_space<hbm>>
        %dma_start3A_20 = arith.constant 0 : i32
        %dma_start3A_21 = tpu.memref_slice %arg2[%add3A, %mul3A_11, %dma_start3A_20] : memref<32x80x128xi32, #tpu.memory_space<hbm>> -> memref<1x16x128xi32, #tpu.memory_space<hbm>>
        %dma_start3A_22 = tpu.memref_squeeze %dma_start3A_21 : memref<1x16x128xi32, #tpu.memory_space<hbm>> -> memref<16x128xi32, #tpu.memory_space<hbm>>
        tpu.enqueue_dma source(%dma_start3A_22 : memref<16x128xi32, #tpu.memory_space<hbm>>) target(%arg7 : memref<16x128xi32, #tpu.memory_space<vmem>>) target_semaphore(%run_scoped3A : memref<!tpu.dma_semaphore, #tpu.memory_space<semaphore_mem>>)
        %dma_wait3A = arith.constant 0 : i32
        %dma_wait3A_23 = tpu.memref_slice %arg2[%add3A, %mul3A_11, %dma_wait3A] : memref<32x80x128xi32, #tpu.memory_space<hbm>> -> memref<1x16x128xi32, #tpu.memory_space<hbm>>
        %dma_wait3A_24 = tpu.memref_squeeze %dma_wait3A_23 : memref<1x16x128xi32, #tpu.memory_space<hbm>> -> memref<16x128xi32, #tpu.memory_space<hbm>>
        %dma_wait3A_25 = arith.constant 0 : i32
        %dma_wait3A_26 = tpu.memref_slice %arg2[%add3A, %mul3A_11, %dma_wait3A_25] : memref<32x80x128xi32, #tpu.memory_space<hbm>> -> memref<1x16x128xi32, #tpu.memory_space<hbm>>
        %dma_wait3A_27 = tpu.memref_squeeze %dma_wait3A_26 : memref<1x16x128xi32, #tpu.memory_space<hbm>> -> memref<16x128xi32, #tpu.memory_space<hbm>>
        tpu.wait_dma2 semaphore(%run_scoped3A : memref<!tpu.dma_semaphore, #tpu.memory_space<semaphore_mem>>) src(%dma_wait3A_27 : memref<16x128xi32, #tpu.memory_space<hbm>>) dst(%arg7 : memref<16x128xi32, #tpu.memory_space<vmem>>)
        tpu.yield
      }) : () -> ()
      %scan3A_12 = arith.constant 0 : i32
      %scan3A_13 = arith.constant 0 : i32
      %scan3A_14 = arith.constant 16 : i32
      %scan3A_15 = arith.addi %scan3A_13, %scan3A_14 : i32
      %scan3A_16 = arith.constant 1 : i32
      scf.for %scan3A_18 = %scan3A_13 to %scan3A_15 step %scan3A_16  : i32 {
        "tpu.region"() ({
          %run_scoped3A = tpu.sem_alloc : memref<!tpu.dma_semaphore, #tpu.memory_space<semaphore_mem>>
          %dma_start3A = arith.constant 0 : i32
          %dma_start3A_19 = tpu.memref_slice %arg7[%scan3A_18, %dma_start3A] : memref<16x128xi32, #tpu.memory_space<vmem>> -> memref<1x128xi32, #tpu.memory_space<vmem>>
          %dma_start3A_20 = tpu.memref_squeeze %dma_start3A_19 : memref<1x128xi32, #tpu.memory_space<vmem>> -> memref<128xi32, #tpu.memory_space<vmem>>
          %dma_start3A_21 = arith.constant 0 : i32
          %dma_start3A_22 = arith.constant 0 : i32
          %dma_start3A_23 = tpu.memref_slice %arg6[%dma_start3A_21, %dma_start3A_22] : memref<10112x128xf32, #tpu.memory_space<vmem_shared>> -> memref<10112x128xf32, #tpu.memory_space<vmem_shared>>
          tpu.enqueue_indirect_dma source(%arg8 : memref<128x128xf32, #tpu.memory_space<vmem>>) target(%dma_start3A_23 : memref<10112x128xf32, #tpu.memory_space<vmem_shared>>) offsets(%dma_start3A_20 : memref<128xi32, #tpu.memory_space<vmem>>) semaphore(%run_scoped3A : memref<!tpu.dma_semaphore, #tpu.memory_space<semaphore_mem>>) {add = true}
          %dma_wait3A = arith.constant 0 : i32
          %dma_wait3A_24 = tpu.memref_slice %arg7[%scan3A_18, %dma_wait3A] : memref<16x128xi32, #tpu.memory_space<vmem>> -> memref<1x128xi32, #tpu.memory_space<vmem>>
          %dma_wait3A_25 = tpu.memref_squeeze %dma_wait3A_24 : memref<1x128xi32, #tpu.memory_space<vmem>> -> memref<128xi32, #tpu.memory_space<vmem>>
          %dma_wait3A_26 = arith.constant 0 : i32
          %dma_wait3A_27 = arith.constant 0 : i32
          %dma_wait3A_28 = tpu.memref_slice %arg6[%dma_wait3A_26, %dma_wait3A_27] : memref<10112x128xf32, #tpu.memory_space<vmem_shared>> -> memref<10112x128xf32, #tpu.memory_space<vmem_shared>>
          tpu.wait_indirect_dma semaphore(%run_scoped3A : memref<!tpu.dma_semaphore, #tpu.memory_space<semaphore_mem>>) src(%arg8 : memref<128x128xf32, #tpu.memory_space<vmem>>) dst(%dma_wait3A_28 : memref<10112x128xf32, #tpu.memory_space<vmem_shared>>)
          tpu.yield
        }) : () -> ()
      }
      %scan3A_17 = arith.constant 16 : i32
    }
    %scan3A_7 = arith.constant 5 : i32
    %barrier3A_8 = arith.constant 0 : index
    tpu.barrier barrier_id(%barrier3A_8)
    "tpu.region"() ({
      %run_scoped3A = tpu.sem_alloc : memref<!tpu.dma_semaphore, #tpu.memory_space<semaphore_mem>>
      %dma_start3A = arith.constant 0 : i32
      %dma_start3A_9 = tpu.memref_slice %arg5[%arg0, %mul3A_2, %dma_start3A] : memref<2x10112x128xf32, #tpu.memory_space<hbm>> -> memref<1x632x128xf32, #tpu.memory_space<hbm>>
      %dma_start3A_10 = tpu.memref_squeeze %dma_start3A_9 : memref<1x632x128xf32, #tpu.memory_space<hbm>> -> memref<632x128xf32, #tpu.memory_space<hbm>>
      %dma_start3A_11 = arith.constant 0 : i32
      %dma_start3A_12 = tpu.memref_slice %arg6[%mul3A_2, %dma_start3A_11] : memref<10112x128xf32, #tpu.memory_space<vmem_shared>> -> memref<632x128xf32, #tpu.memory_space<vmem_shared>>
      tpu.enqueue_dma source(%dma_start3A_12 : memref<632x128xf32, #tpu.memory_space<vmem_shared>>) target(%dma_start3A_10 : memref<632x128xf32, #tpu.memory_space<hbm>>) target_semaphore(%run_scoped3A : memref<!tpu.dma_semaphore, #tpu.memory_space<semaphore_mem>>)
      %dma_wait3A = arith.constant 0 : i32
      %dma_wait3A_13 = tpu.memref_slice %arg5[%arg0, %mul3A_2, %dma_wait3A] : memref<2x10112x128xf32, #tpu.memory_space<hbm>> -> memref<1x632x128xf32, #tpu.memory_space<hbm>>
      %dma_wait3A_14 = tpu.memref_squeeze %dma_wait3A_13 : memref<1x632x128xf32, #tpu.memory_space<hbm>> -> memref<632x128xf32, #tpu.memory_space<hbm>>
      %dma_wait3A_15 = arith.constant 0 : i32
      %dma_wait3A_16 = tpu.memref_slice %arg6[%mul3A_2, %dma_wait3A_15] : memref<10112x128xf32, #tpu.memory_space<vmem_shared>> -> memref<632x128xf32, #tpu.memory_space<vmem_shared>>
      tpu.wait_dma2 semaphore(%run_scoped3A : memref<!tpu.dma_semaphore, #tpu.memory_space<semaphore_mem>>) src(%dma_wait3A_16 : memref<632x128xf32, #tpu.memory_space<vmem_shared>>) dst(%dma_wait3A_14 : memref<632x128xf32, #tpu.memory_space<hbm>>)
      tpu.yield
    }) : () -> ()
    return
  }
}

#map = affine_map<(d0, d1) -> (0, 0)>
#map1 = affine_map<(d0, d1) -> (0, 0, 0)>
module attributes {stable_mosaic.version = 14 : i64} {
  func.func @_sc_agg_body(%arg0: i32, %arg1: i32, %arg2: memref<10000x128xf32, #tpu.memory_space<hbm>>, %arg3: memref<32x160x64xi32, #tpu.memory_space<hbm>>, %arg4: memref<32x160x64xi32, #tpu.memory_space<hbm>>, %arg5: memref<10112x128xf32, #tpu.memory_space<hbm>>, %arg6: memref<2x10112x128xf32, #tpu.memory_space<hbm>>, %arg7: memref<10112x128xf32, #tpu.memory_space<vmem_shared>>, %arg8: memref<32x64xi32, #tpu.memory_space<vmem>>, %arg9: memref<32x64xi32, #tpu.memory_space<vmem>>, %arg10: memref<4x64x128xf32, #tpu.memory_space<vmem>>, %arg11: memref<!tpu.dma_semaphore, #tpu.memory_space<semaphore_mem>>, %arg12: memref<!tpu.dma_semaphore, #tpu.memory_space<semaphore_mem>>) attributes {dimension_semantics = [#tpu.dimension_semantics<core_parallel>, #tpu.dimension_semantics<subcore_parallel>], iteration_bounds = array<i64: 2, 16>, scalar_prefetch = 0 : i64, scratch_operands = 6 : i64, tpu.core_type = #tpu.core_type<sc_vector_subcore>, window_params = [{transform_indices = #map}, {transform_indices = #map1}, {transform_indices = #map1}, {transform_indices = #map}, {transform_indices = #map1}]} {
    %mul3A = arith.constant 16 : i32
    %mul3A_0 = arith.muli %arg0, %mul3A : i32
    %add3A = arith.addi %mul3A_0, %arg1 : i32
    %mul3A_1 = arith.constant 632 : i32
    %mul3A_2 = arith.muli %arg1, %mul3A_1 : i32
    "tpu.region"() ({
      %run_scoped3A = tpu.sem_alloc : memref<!tpu.dma_semaphore, #tpu.memory_space<semaphore_mem>>
      %dma_start3A = arith.constant 0 : i32
      %dma_start3A_13 = tpu.memref_slice %arg7[%mul3A_2, %dma_start3A] : memref<10112x128xf32, #tpu.memory_space<vmem_shared>> -> memref<632x128xf32, #tpu.memory_space<vmem_shared>>
      %dma_start3A_14 = arith.constant 0 : i32
      %dma_start3A_15 = tpu.memref_slice %arg5[%mul3A_2, %dma_start3A_14] : memref<10112x128xf32, #tpu.memory_space<hbm>> -> memref<632x128xf32, #tpu.memory_space<hbm>>
      tpu.enqueue_dma source(%dma_start3A_15 : memref<632x128xf32, #tpu.memory_space<hbm>>) target(%dma_start3A_13 : memref<632x128xf32, #tpu.memory_space<vmem_shared>>) target_semaphore(%run_scoped3A : memref<!tpu.dma_semaphore, #tpu.memory_space<semaphore_mem>>)
      %dma_wait3A = arith.constant 0 : i32
      %dma_wait3A_16 = tpu.memref_slice %arg7[%mul3A_2, %dma_wait3A] : memref<10112x128xf32, #tpu.memory_space<vmem_shared>> -> memref<632x128xf32, #tpu.memory_space<vmem_shared>>
      %dma_wait3A_17 = arith.constant 0 : i32
      %dma_wait3A_18 = tpu.memref_slice %arg5[%mul3A_2, %dma_wait3A_17] : memref<10112x128xf32, #tpu.memory_space<hbm>> -> memref<632x128xf32, #tpu.memory_space<hbm>>
      tpu.wait_dma2 semaphore(%run_scoped3A : memref<!tpu.dma_semaphore, #tpu.memory_space<semaphore_mem>>) src(%dma_wait3A_18 : memref<632x128xf32, #tpu.memory_space<hbm>>) dst(%dma_wait3A_16 : memref<632x128xf32, #tpu.memory_space<vmem_shared>>)
      tpu.yield
    }) : () -> ()
    %barrier3A = arith.constant 0 : index
    tpu.barrier barrier_id(%barrier3A)
    %scan3A = arith.constant 0 : i32
    %scan3A_3 = arith.constant 0 : i32
    %scan3A_4 = arith.constant 1 : i32
    %scan3A_5 = arith.constant 2 : i32
    %scan3A_6 = arith.constant 3 : i32
    %scan3A_7 = arith.constant 0 : i32
    %scan3A_8 = arith.constant 5 : i32
    %scan3A_9 = arith.addi %scan3A_7, %scan3A_8 : i32
    %scan3A_10 = arith.constant 1 : i32
    scf.for %scan3A_13 = %scan3A_7 to %scan3A_9 step %scan3A_10  : i32 {
      %mul3A_14 = arith.constant 32 : i32
      %mul3A_15 = arith.muli %scan3A_13, %mul3A_14 : i32
      "tpu.region"() ({
        %run_scoped3A = tpu.sem_alloc : memref<!tpu.dma_semaphore, #tpu.memory_space<semaphore_mem>>
        %dma_start3A_66 = arith.constant 0 : i32
        %dma_start3A_67 = tpu.memref_slice %arg3[%add3A, %mul3A_15, %dma_start3A_66] : memref<32x160x64xi32, #tpu.memory_space<hbm>> -> memref<1x32x64xi32, #tpu.memory_space<hbm>>
        %dma_start3A_68 = tpu.memref_squeeze %dma_start3A_67 : memref<1x32x64xi32, #tpu.memory_space<hbm>> -> memref<32x64xi32, #tpu.memory_space<hbm>>
        %dma_start3A_69 = arith.constant 0 : i32
        %dma_start3A_70 = tpu.memref_slice %arg3[%add3A, %mul3A_15, %dma_start3A_69] : memref<32x160x64xi32, #tpu.memory_space<hbm>> -> memref<1x32x64xi32, #tpu.memory_space<hbm>>
        %dma_start3A_71 = tpu.memref_squeeze %dma_start3A_70 : memref<1x32x64xi32, #tpu.memory_space<hbm>> -> memref<32x64xi32, #tpu.memory_space<hbm>>
        tpu.enqueue_dma source(%dma_start3A_71 : memref<32x64xi32, #tpu.memory_space<hbm>>) target(%arg8 : memref<32x64xi32, #tpu.memory_space<vmem>>) target_semaphore(%run_scoped3A : memref<!tpu.dma_semaphore, #tpu.memory_space<semaphore_mem>>)
        %dma_wait3A_72 = arith.constant 0 : i32
        %dma_wait3A_73 = tpu.memref_slice %arg3[%add3A, %mul3A_15, %dma_wait3A_72] : memref<32x160x64xi32, #tpu.memory_space<hbm>> -> memref<1x32x64xi32, #tpu.memory_space<hbm>>
        %dma_wait3A_74 = tpu.memref_squeeze %dma_wait3A_73 : memref<1x32x64xi32, #tpu.memory_space<hbm>> -> memref<32x64xi32, #tpu.memory_space<hbm>>
        %dma_wait3A_75 = arith.constant 0 : i32
        %dma_wait3A_76 = tpu.memref_slice %arg3[%add3A, %mul3A_15, %dma_wait3A_75] : memref<32x160x64xi32, #tpu.memory_space<hbm>> -> memref<1x32x64xi32, #tpu.memory_space<hbm>>
        %dma_wait3A_77 = tpu.memref_squeeze %dma_wait3A_76 : memref<1x32x64xi32, #tpu.memory_space<hbm>> -> memref<32x64xi32, #tpu.memory_space<hbm>>
        tpu.wait_dma2 semaphore(%run_scoped3A : memref<!tpu.dma_semaphore, #tpu.memory_space<semaphore_mem>>) src(%dma_wait3A_77 : memref<32x64xi32, #tpu.memory_space<hbm>>) dst(%arg8 : memref<32x64xi32, #tpu.memory_space<vmem>>)
        tpu.yield
      }) : () -> ()
      %mul3A_16 = arith.constant 32 : i32
      %mul3A_17 = arith.muli %scan3A_13, %mul3A_16 : i32
      "tpu.region"() ({
        %run_scoped3A = tpu.sem_alloc : memref<!tpu.dma_semaphore, #tpu.memory_space<semaphore_mem>>
        %dma_start3A_66 = arith.constant 0 : i32
        %dma_start3A_67 = tpu.memref_slice %arg4[%add3A, %mul3A_17, %dma_start3A_66] : memref<32x160x64xi32, #tpu.memory_space<hbm>> -> memref<1x32x64xi32, #tpu.memory_space<hbm>>
        %dma_start3A_68 = tpu.memref_squeeze %dma_start3A_67 : memref<1x32x64xi32, #tpu.memory_space<hbm>> -> memref<32x64xi32, #tpu.memory_space<hbm>>
        %dma_start3A_69 = arith.constant 0 : i32
        %dma_start3A_70 = tpu.memref_slice %arg4[%add3A, %mul3A_17, %dma_start3A_69] : memref<32x160x64xi32, #tpu.memory_space<hbm>> -> memref<1x32x64xi32, #tpu.memory_space<hbm>>
        %dma_start3A_71 = tpu.memref_squeeze %dma_start3A_70 : memref<1x32x64xi32, #tpu.memory_space<hbm>> -> memref<32x64xi32, #tpu.memory_space<hbm>>
        tpu.enqueue_dma source(%dma_start3A_71 : memref<32x64xi32, #tpu.memory_space<hbm>>) target(%arg9 : memref<32x64xi32, #tpu.memory_space<vmem>>) target_semaphore(%run_scoped3A : memref<!tpu.dma_semaphore, #tpu.memory_space<semaphore_mem>>)
        %dma_wait3A_72 = arith.constant 0 : i32
        %dma_wait3A_73 = tpu.memref_slice %arg4[%add3A, %mul3A_17, %dma_wait3A_72] : memref<32x160x64xi32, #tpu.memory_space<hbm>> -> memref<1x32x64xi32, #tpu.memory_space<hbm>>
        %dma_wait3A_74 = tpu.memref_squeeze %dma_wait3A_73 : memref<1x32x64xi32, #tpu.memory_space<hbm>> -> memref<32x64xi32, #tpu.memory_space<hbm>>
        %dma_wait3A_75 = arith.constant 0 : i32
        %dma_wait3A_76 = tpu.memref_slice %arg4[%add3A, %mul3A_17, %dma_wait3A_75] : memref<32x160x64xi32, #tpu.memory_space<hbm>> -> memref<1x32x64xi32, #tpu.memory_space<hbm>>
        %dma_wait3A_77 = tpu.memref_squeeze %dma_wait3A_76 : memref<1x32x64xi32, #tpu.memory_space<hbm>> -> memref<32x64xi32, #tpu.memory_space<hbm>>
        tpu.wait_dma2 semaphore(%run_scoped3A : memref<!tpu.dma_semaphore, #tpu.memory_space<semaphore_mem>>) src(%dma_wait3A_77 : memref<32x64xi32, #tpu.memory_space<hbm>>) dst(%arg9 : memref<32x64xi32, #tpu.memory_space<vmem>>)
        tpu.yield
      }) : () -> ()
      %dma_start3A = arith.constant 0 : i32
      %dma_start3A_18 = arith.constant 0 : i32
      %dma_start3A_19 = arith.constant 0 : i32
      %dma_start3A_20 = tpu.memref_slice %arg10[%scan3A_3, %dma_start3A_18, %dma_start3A_19] : memref<4x64x128xf32, #tpu.memory_space<vmem>> -> memref<1x64x128xf32, #tpu.memory_space<vmem>>
      %dma_start3A_21 = tpu.memref_squeeze %dma_start3A_20 : memref<1x64x128xf32, #tpu.memory_space<vmem>> -> memref<64x128xf32, #tpu.memory_space<vmem>>
      %dma_start3A_22 = arith.constant 0 : i32
      %dma_start3A_23 = tpu.memref_slice %arg8[%dma_start3A, %dma_start3A_22] : memref<32x64xi32, #tpu.memory_space<vmem>> -> memref<1x64xi32, #tpu.memory_space<vmem>>
      %dma_start3A_24 = tpu.memref_squeeze %dma_start3A_23 : memref<1x64xi32, #tpu.memory_space<vmem>> -> memref<64xi32, #tpu.memory_space<vmem>>
      %dma_start3A_25 = arith.constant 0 : i32
      %dma_start3A_26 = arith.constant 0 : i32
      %dma_start3A_27 = tpu.memref_slice %arg2[%dma_start3A_25, %dma_start3A_26] : memref<10000x128xf32, #tpu.memory_space<hbm>> -> memref<10000x128xf32, #tpu.memory_space<hbm>>
      tpu.enqueue_indirect_dma source(%dma_start3A_27 : memref<10000x128xf32, #tpu.memory_space<hbm>>) target(%dma_start3A_21 : memref<64x128xf32, #tpu.memory_space<vmem>>) offsets(%dma_start3A_24 : memref<64xi32, #tpu.memory_space<vmem>>) semaphore(%arg11 : memref<!tpu.dma_semaphore, #tpu.memory_space<semaphore_mem>>)
      %dma_start3A_28 = arith.constant 1 : i32
      %dma_start3A_29 = arith.constant 0 : i32
      %dma_start3A_30 = arith.constant 0 : i32
      %dma_start3A_31 = tpu.memref_slice %arg10[%scan3A_4, %dma_start3A_29, %dma_start3A_30] : memref<4x64x128xf32, #tpu.memory_space<vmem>> -> memref<1x64x128xf32, #tpu.memory_space<vmem>>
      %dma_start3A_32 = tpu.memref_squeeze %dma_start3A_31 : memref<1x64x128xf32, #tpu.memory_space<vmem>> -> memref<64x128xf32, #tpu.memory_space<vmem>>
      %dma_start3A_33 = arith.constant 0 : i32
      %dma_start3A_34 = tpu.memref_slice %arg8[%dma_start3A_28, %dma_start3A_33] : memref<32x64xi32, #tpu.memory_space<vmem>> -> memref<1x64xi32, #tpu.memory_space<vmem>>
      %dma_start3A_35 = tpu.memref_squeeze %dma_start3A_34 : memref<1x64xi32, #tpu.memory_space<vmem>> -> memref<64xi32, #tpu.memory_space<vmem>>
      %dma_start3A_36 = arith.constant 0 : i32
      %dma_start3A_37 = arith.constant 0 : i32
      %dma_start3A_38 = tpu.memref_slice %arg2[%dma_start3A_36, %dma_start3A_37] : memref<10000x128xf32, #tpu.memory_space<hbm>> -> memref<10000x128xf32, #tpu.memory_space<hbm>>
      tpu.enqueue_indirect_dma source(%dma_start3A_38 : memref<10000x128xf32, #tpu.memory_space<hbm>>) target(%dma_start3A_32 : memref<64x128xf32, #tpu.memory_space<vmem>>) offsets(%dma_start3A_35 : memref<64xi32, #tpu.memory_space<vmem>>) semaphore(%arg11 : memref<!tpu.dma_semaphore, #tpu.memory_space<semaphore_mem>>)
      %scan3A_39 = arith.constant 0 : i32
      %scan3A_40 = arith.constant 0 : i32
      %scan3A_41 = arith.constant 8 : i32
      %scan3A_42 = arith.addi %scan3A_40, %scan3A_41 : i32
      %scan3A_43 = arith.constant 1 : i32
      scf.for %scan3A_66 = %scan3A_40 to %scan3A_42 step %scan3A_43  : i32 {
        %mul3A_67 = arith.constant 4 : i32
        %mul3A_68 = arith.muli %mul3A_67, %scan3A_66 : i32
        %add3A_69 = arith.constant 0 : i32
        %add3A_70 = arith.addi %mul3A_68, %add3A_69 : i32
        %dma_wait3A_71 = arith.constant 0 : i32
        %dma_wait3A_72 = arith.constant 0 : i32
        %dma_wait3A_73 = tpu.memref_slice %arg10[%scan3A_3, %dma_wait3A_71, %dma_wait3A_72] : memref<4x64x128xf32, #tpu.memory_space<vmem>> -> memref<1x64x128xf32, #tpu.memory_space<vmem>>
        %dma_wait3A_74 = tpu.memref_squeeze %dma_wait3A_73 : memref<1x64x128xf32, #tpu.memory_space<vmem>> -> memref<64x128xf32, #tpu.memory_space<vmem>>
        %dma_wait3A_75 = arith.constant 0 : i32
        %dma_wait3A_76 = tpu.memref_slice %arg8[%add3A_70, %dma_wait3A_75] : memref<32x64xi32, #tpu.memory_space<vmem>> -> memref<1x64xi32, #tpu.memory_space<vmem>>
        %dma_wait3A_77 = tpu.memref_squeeze %dma_wait3A_76 : memref<1x64xi32, #tpu.memory_space<vmem>> -> memref<64xi32, #tpu.memory_space<vmem>>
        %dma_wait3A_78 = arith.constant 0 : i32
        %dma_wait3A_79 = arith.constant 0 : i32
        %dma_wait3A_80 = tpu.memref_slice %arg2[%dma_wait3A_78, %dma_wait3A_79] : memref<10000x128xf32, #tpu.memory_space<hbm>> -> memref<10000x128xf32, #tpu.memory_space<hbm>>
        tpu.wait_indirect_dma semaphore(%arg11 : memref<!tpu.dma_semaphore, #tpu.memory_space<semaphore_mem>>) src(%dma_wait3A_80 : memref<10000x128xf32, #tpu.memory_space<hbm>>) dst(%dma_wait3A_74 : memref<64x128xf32, #tpu.memory_space<vmem>>)
        %dma_start3A_81 = arith.constant 0 : i32
        %dma_start3A_82 = arith.constant 0 : i32
        %dma_start3A_83 = tpu.memref_slice %arg10[%scan3A_3, %dma_start3A_81, %dma_start3A_82] : memref<4x64x128xf32, #tpu.memory_space<vmem>> -> memref<1x64x128xf32, #tpu.memory_space<vmem>>
        %dma_start3A_84 = tpu.memref_squeeze %dma_start3A_83 : memref<1x64x128xf32, #tpu.memory_space<vmem>> -> memref<64x128xf32, #tpu.memory_space<vmem>>
        %dma_start3A_85 = arith.constant 0 : i32
        %dma_start3A_86 = tpu.memref_slice %arg9[%add3A_70, %dma_start3A_85] : memref<32x64xi32, #tpu.memory_space<vmem>> -> memref<1x64xi32, #tpu.memory_space<vmem>>
        %dma_start3A_87 = tpu.memref_squeeze %dma_start3A_86 : memref<1x64xi32, #tpu.memory_space<vmem>> -> memref<64xi32, #tpu.memory_space<vmem>>
        %dma_start3A_88 = arith.constant 0 : i32
        %dma_start3A_89 = arith.constant 0 : i32
        %dma_start3A_90 = tpu.memref_slice %arg7[%dma_start3A_88, %dma_start3A_89] : memref<10112x128xf32, #tpu.memory_space<vmem_shared>> -> memref<10112x128xf32, #tpu.memory_space<vmem_shared>>
        tpu.enqueue_indirect_dma source(%dma_start3A_84 : memref<64x128xf32, #tpu.memory_space<vmem>>) target(%dma_start3A_90 : memref<10112x128xf32, #tpu.memory_space<vmem_shared>>) offsets(%dma_start3A_87 : memref<64xi32, #tpu.memory_space<vmem>>) semaphore(%arg12 : memref<!tpu.dma_semaphore, #tpu.memory_space<semaphore_mem>>) {add = true}
        %ge3A = arith.constant 2 : i32
        %ge3A_91 = arith.cmpi sge, %add3A_70, %ge3A : i32
        %convert_element_type3A = arith.extui %ge3A_91 : i1 to i32
        %cond3A = arith.constant 0 : i32
        %cond3A_92 = arith.cmpi ne, %convert_element_type3A, %cond3A : i32
        scf.if %cond3A_92 {
          %dma_wait3A_201 = arith.constant 0 : i32
          %dma_wait3A_202 = arith.constant 0 : i32
          %dma_wait3A_203 = tpu.memref_slice %arg10[%scan3A_5, %dma_wait3A_201, %dma_wait3A_202] : memref<4x64x128xf32, #tpu.memory_space<vmem>> -> memref<1x64x128xf32, #tpu.memory_space<vmem>>
          %dma_wait3A_204 = tpu.memref_squeeze %dma_wait3A_203 : memref<1x64x128xf32, #tpu.memory_space<vmem>> -> memref<64x128xf32, #tpu.memory_space<vmem>>
          %dma_wait3A_205 = arith.constant 0 : i32
          %dma_wait3A_206 = tpu.memref_slice %arg9[%add3A_70, %dma_wait3A_205] : memref<32x64xi32, #tpu.memory_space<vmem>> -> memref<1x64xi32, #tpu.memory_space<vmem>>
          %dma_wait3A_207 = tpu.memref_squeeze %dma_wait3A_206 : memref<1x64xi32, #tpu.memory_space<vmem>> -> memref<64xi32, #tpu.memory_space<vmem>>
          %dma_wait3A_208 = arith.constant 0 : i32
          %dma_wait3A_209 = arith.constant 0 : i32
          %dma_wait3A_210 = tpu.memref_slice %arg7[%dma_wait3A_208, %dma_wait3A_209] : memref<10112x128xf32, #tpu.memory_space<vmem_shared>> -> memref<10112x128xf32, #tpu.memory_space<vmem_shared>>
          tpu.wait_indirect_dma semaphore(%arg12 : memref<!tpu.dma_semaphore, #tpu.memory_space<semaphore_mem>>) src(%dma_wait3A_204 : memref<64x128xf32, #tpu.memory_space<vmem>>) dst(%dma_wait3A_210 : memref<10112x128xf32, #tpu.memory_space<vmem_shared>>)
        } else {
        }
        %add3A_93 = arith.constant 2 : i32
        %add3A_94 = arith.addi %add3A_70, %add3A_93 : i32
        %lt3A = arith.constant 32 : i32
        %lt3A_95 = arith.cmpi slt, %add3A_94, %lt3A : i32
        %convert_element_type3A_96 = arith.extui %lt3A_95 : i1 to i32
        %cond3A_97 = arith.constant 0 : i32
        %cond3A_98 = arith.cmpi ne, %convert_element_type3A_96, %cond3A_97 : i32
        scf.if %cond3A_98 {
          %add3A_201 = arith.constant 2 : i32
          %add3A_202 = arith.addi %add3A_70, %add3A_201 : i32
          %dma_start3A_203 = arith.constant 0 : i32
          %dma_start3A_204 = arith.constant 0 : i32
          %dma_start3A_205 = tpu.memref_slice %arg10[%scan3A_5, %dma_start3A_203, %dma_start3A_204] : memref<4x64x128xf32, #tpu.memory_space<vmem>> -> memref<1x64x128xf32, #tpu.memory_space<vmem>>
          %dma_start3A_206 = tpu.memref_squeeze %dma_start3A_205 : memref<1x64x128xf32, #tpu.memory_space<vmem>> -> memref<64x128xf32, #tpu.memory_space<vmem>>
          %dma_start3A_207 = arith.constant 0 : i32
          %dma_start3A_208 = tpu.memref_slice %arg8[%add3A_202, %dma_start3A_207] : memref<32x64xi32, #tpu.memory_space<vmem>> -> memref<1x64xi32, #tpu.memory_space<vmem>>
          %dma_start3A_209 = tpu.memref_squeeze %dma_start3A_208 : memref<1x64xi32, #tpu.memory_space<vmem>> -> memref<64xi32, #tpu.memory_space<vmem>>
          %dma_start3A_210 = arith.constant 0 : i32
          %dma_start3A_211 = arith.constant 0 : i32
          %dma_start3A_212 = tpu.memref_slice %arg2[%dma_start3A_210, %dma_start3A_211] : memref<10000x128xf32, #tpu.memory_space<hbm>> -> memref<10000x128xf32, #tpu.memory_space<hbm>>
          tpu.enqueue_indirect_dma source(%dma_start3A_212 : memref<10000x128xf32, #tpu.memory_space<hbm>>) target(%dma_start3A_206 : memref<64x128xf32, #tpu.memory_space<vmem>>) offsets(%dma_start3A_209 : memref<64xi32, #tpu.memory_space<vmem>>) semaphore(%arg11 : memref<!tpu.dma_semaphore, #tpu.memory_space<semaphore_mem>>)
        } else {
        }
        %add3A_99 = arith.constant 1 : i32
        %add3A_100 = arith.addi %mul3A_68, %add3A_99 : i32
        %dma_wait3A_101 = arith.constant 0 : i32
        %dma_wait3A_102 = arith.constant 0 : i32
        %dma_wait3A_103 = tpu.memref_slice %arg10[%scan3A_4, %dma_wait3A_101, %dma_wait3A_102] : memref<4x64x128xf32, #tpu.memory_space<vmem>> -> memref<1x64x128xf32, #tpu.memory_space<vmem>>
        %dma_wait3A_104 = tpu.memref_squeeze %dma_wait3A_103 : memref<1x64x128xf32, #tpu.memory_space<vmem>> -> memref<64x128xf32, #tpu.memory_space<vmem>>
        %dma_wait3A_105 = arith.constant 0 : i32
        %dma_wait3A_106 = tpu.memref_slice %arg8[%add3A_100, %dma_wait3A_105] : memref<32x64xi32, #tpu.memory_space<vmem>> -> memref<1x64xi32, #tpu.memory_space<vmem>>
        %dma_wait3A_107 = tpu.memref_squeeze %dma_wait3A_106 : memref<1x64xi32, #tpu.memory_space<vmem>> -> memref<64xi32, #tpu.memory_space<vmem>>
        %dma_wait3A_108 = arith.constant 0 : i32
        %dma_wait3A_109 = arith.constant 0 : i32
        %dma_wait3A_110 = tpu.memref_slice %arg2[%dma_wait3A_108, %dma_wait3A_109] : memref<10000x128xf32, #tpu.memory_space<hbm>> -> memref<10000x128xf32, #tpu.memory_space<hbm>>
        tpu.wait_indirect_dma semaphore(%arg11 : memref<!tpu.dma_semaphore, #tpu.memory_space<semaphore_mem>>) src(%dma_wait3A_110 : memref<10000x128xf32, #tpu.memory_space<hbm>>) dst(%dma_wait3A_104 : memref<64x128xf32, #tpu.memory_space<vmem>>)
        %dma_start3A_111 = arith.constant 0 : i32
        %dma_start3A_112 = arith.constant 0 : i32
        %dma_start3A_113 = tpu.memref_slice %arg10[%scan3A_4, %dma_start3A_111, %dma_start3A_112] : memref<4x64x128xf32, #tpu.memory_space<vmem>> -> memref<1x64x128xf32, #tpu.memory_space<vmem>>
        %dma_start3A_114 = tpu.memref_squeeze %dma_start3A_113 : memref<1x64x128xf32, #tpu.memory_space<vmem>> -> memref<64x128xf32, #tpu.memory_space<vmem>>
        %dma_start3A_115 = arith.constant 0 : i32
        %dma_start3A_116 = tpu.memref_slice %arg9[%add3A_100, %dma_start3A_115] : memref<32x64xi32, #tpu.memory_space<vmem>> -> memref<1x64xi32, #tpu.memory_space<vmem>>
        %dma_start3A_117 = tpu.memref_squeeze %dma_start3A_116 : memref<1x64xi32, #tpu.memory_space<vmem>> -> memref<64xi32, #tpu.memory_space<vmem>>
        %dma_start3A_118 = arith.constant 0 : i32
        %dma_start3A_119 = arith.constant 0 : i32
        %dma_start3A_120 = tpu.memref_slice %arg7[%dma_start3A_118, %dma_start3A_119] : memref<10112x128xf32, #tpu.memory_space<vmem_shared>> -> memref<10112x128xf32, #tpu.memory_space<vmem_shared>>
        tpu.enqueue_indirect_dma source(%dma_start3A_114 : memref<64x128xf32, #tpu.memory_space<vmem>>) target(%dma_start3A_120 : memref<10112x128xf32, #tpu.memory_space<vmem_shared>>) offsets(%dma_start3A_117 : memref<64xi32, #tpu.memory_space<vmem>>) semaphore(%arg12 : memref<!tpu.dma_semaphore, #tpu.memory_space<semaphore_mem>>) {add = true}
        %ge3A_121 = arith.constant 2 : i32
        %ge3A_122 = arith.cmpi sge, %add3A_100, %ge3A_121 : i32
        %convert_element_type3A_123 = arith.extui %ge3A_122 : i1 to i32
        %cond3A_124 = arith.constant 0 : i32
        %cond3A_125 = arith.cmpi ne, %convert_element_type3A_123, %cond3A_124 : i32
        scf.if %cond3A_125 {
          %dma_wait3A_201 = arith.constant 0 : i32
          %dma_wait3A_202 = arith.constant 0 : i32
          %dma_wait3A_203 = tpu.memref_slice %arg10[%scan3A_6, %dma_wait3A_201, %dma_wait3A_202] : memref<4x64x128xf32, #tpu.memory_space<vmem>> -> memref<1x64x128xf32, #tpu.memory_space<vmem>>
          %dma_wait3A_204 = tpu.memref_squeeze %dma_wait3A_203 : memref<1x64x128xf32, #tpu.memory_space<vmem>> -> memref<64x128xf32, #tpu.memory_space<vmem>>
          %dma_wait3A_205 = arith.constant 0 : i32
          %dma_wait3A_206 = tpu.memref_slice %arg9[%add3A_100, %dma_wait3A_205] : memref<32x64xi32, #tpu.memory_space<vmem>> -> memref<1x64xi32, #tpu.memory_space<vmem>>
          %dma_wait3A_207 = tpu.memref_squeeze %dma_wait3A_206 : memref<1x64xi32, #tpu.memory_space<vmem>> -> memref<64xi32, #tpu.memory_space<vmem>>
          %dma_wait3A_208 = arith.constant 0 : i32
          %dma_wait3A_209 = arith.constant 0 : i32
          %dma_wait3A_210 = tpu.memref_slice %arg7[%dma_wait3A_208, %dma_wait3A_209] : memref<10112x128xf32, #tpu.memory_space<vmem_shared>> -> memref<10112x128xf32, #tpu.memory_space<vmem_shared>>
          tpu.wait_indirect_dma semaphore(%arg12 : memref<!tpu.dma_semaphore, #tpu.memory_space<semaphore_mem>>) src(%dma_wait3A_204 : memref<64x128xf32, #tpu.memory_space<vmem>>) dst(%dma_wait3A_210 : memref<10112x128xf32, #tpu.memory_space<vmem_shared>>)
        } else {
        }
        %add3A_126 = arith.constant 2 : i32
        %add3A_127 = arith.addi %add3A_100, %add3A_126 : i32
        %lt3A_128 = arith.constant 32 : i32
        %lt3A_129 = arith.cmpi slt, %add3A_127, %lt3A_128 : i32
        %convert_element_type3A_130 = arith.extui %lt3A_129 : i1 to i32
        %cond3A_131 = arith.constant 0 : i32
        %cond3A_132 = arith.cmpi ne, %convert_element_type3A_130, %cond3A_131 : i32
        scf.if %cond3A_132 {
          %add3A_201 = arith.constant 2 : i32
          %add3A_202 = arith.addi %add3A_100, %add3A_201 : i32
          %dma_start3A_203 = arith.constant 0 : i32
          %dma_start3A_204 = arith.constant 0 : i32
          %dma_start3A_205 = tpu.memref_slice %arg10[%scan3A_6, %dma_start3A_203, %dma_start3A_204] : memref<4x64x128xf32, #tpu.memory_space<vmem>> -> memref<1x64x128xf32, #tpu.memory_space<vmem>>
          %dma_start3A_206 = tpu.memref_squeeze %dma_start3A_205 : memref<1x64x128xf32, #tpu.memory_space<vmem>> -> memref<64x128xf32, #tpu.memory_space<vmem>>
          %dma_start3A_207 = arith.constant 0 : i32
          %dma_start3A_208 = tpu.memref_slice %arg8[%add3A_202, %dma_start3A_207] : memref<32x64xi32, #tpu.memory_space<vmem>> -> memref<1x64xi32, #tpu.memory_space<vmem>>
          %dma_start3A_209 = tpu.memref_squeeze %dma_start3A_208 : memref<1x64xi32, #tpu.memory_space<vmem>> -> memref<64xi32, #tpu.memory_space<vmem>>
          %dma_start3A_210 = arith.constant 0 : i32
          %dma_start3A_211 = arith.constant 0 : i32
          %dma_start3A_212 = tpu.memref_slice %arg2[%dma_start3A_210, %dma_start3A_211] : memref<10000x128xf32, #tpu.memory_space<hbm>> -> memref<10000x128xf32, #tpu.memory_space<hbm>>
          tpu.enqueue_indirect_dma source(%dma_start3A_212 : memref<10000x128xf32, #tpu.memory_space<hbm>>) target(%dma_start3A_206 : memref<64x128xf32, #tpu.memory_space<vmem>>) offsets(%dma_start3A_209 : memref<64xi32, #tpu.memory_space<vmem>>) semaphore(%arg11 : memref<!tpu.dma_semaphore, #tpu.memory_space<semaphore_mem>>)
        } else {
        }
        %add3A_133 = arith.constant 2 : i32
        %add3A_134 = arith.addi %mul3A_68, %add3A_133 : i32
        %dma_wait3A_135 = arith.constant 0 : i32
        %dma_wait3A_136 = arith.constant 0 : i32
        %dma_wait3A_137 = tpu.memref_slice %arg10[%scan3A_5, %dma_wait3A_135, %dma_wait3A_136] : memref<4x64x128xf32, #tpu.memory_space<vmem>> -> memref<1x64x128xf32, #tpu.memory_space<vmem>>
        %dma_wait3A_138 = tpu.memref_squeeze %dma_wait3A_137 : memref<1x64x128xf32, #tpu.memory_space<vmem>> -> memref<64x128xf32, #tpu.memory_space<vmem>>
        %dma_wait3A_139 = arith.constant 0 : i32
        %dma_wait3A_140 = tpu.memref_slice %arg8[%add3A_134, %dma_wait3A_139] : memref<32x64xi32, #tpu.memory_space<vmem>> -> memref<1x64xi32, #tpu.memory_space<vmem>>
        %dma_wait3A_141 = tpu.memref_squeeze %dma_wait3A_140 : memref<1x64xi32, #tpu.memory_space<vmem>> -> memref<64xi32, #tpu.memory_space<vmem>>
        %dma_wait3A_142 = arith.constant 0 : i32
        %dma_wait3A_143 = arith.constant 0 : i32
        %dma_wait3A_144 = tpu.memref_slice %arg2[%dma_wait3A_142, %dma_wait3A_143] : memref<10000x128xf32, #tpu.memory_space<hbm>> -> memref<10000x128xf32, #tpu.memory_space<hbm>>
        tpu.wait_indirect_dma semaphore(%arg11 : memref<!tpu.dma_semaphore, #tpu.memory_space<semaphore_mem>>) src(%dma_wait3A_144 : memref<10000x128xf32, #tpu.memory_space<hbm>>) dst(%dma_wait3A_138 : memref<64x128xf32, #tpu.memory_space<vmem>>)
        %dma_start3A_145 = arith.constant 0 : i32
        %dma_start3A_146 = arith.constant 0 : i32
        %dma_start3A_147 = tpu.memref_slice %arg10[%scan3A_5, %dma_start3A_145, %dma_start3A_146] : memref<4x64x128xf32, #tpu.memory_space<vmem>> -> memref<1x64x128xf32, #tpu.memory_space<vmem>>
        %dma_start3A_148 = tpu.memref_squeeze %dma_start3A_147 : memref<1x64x128xf32, #tpu.memory_space<vmem>> -> memref<64x128xf32, #tpu.memory_space<vmem>>
        %dma_start3A_149 = arith.constant 0 : i32
        %dma_start3A_150 = tpu.memref_slice %arg9[%add3A_134, %dma_start3A_149] : memref<32x64xi32, #tpu.memory_space<vmem>> -> memref<1x64xi32, #tpu.memory_space<vmem>>
        %dma_start3A_151 = tpu.memref_squeeze %dma_start3A_150 : memref<1x64xi32, #tpu.memory_space<vmem>> -> memref<64xi32, #tpu.memory_space<vmem>>
        %dma_start3A_152 = arith.constant 0 : i32
        %dma_start3A_153 = arith.constant 0 : i32
        %dma_start3A_154 = tpu.memref_slice %arg7[%dma_start3A_152, %dma_start3A_153] : memref<10112x128xf32, #tpu.memory_space<vmem_shared>> -> memref<10112x128xf32, #tpu.memory_space<vmem_shared>>
        tpu.enqueue_indirect_dma source(%dma_start3A_148 : memref<64x128xf32, #tpu.memory_space<vmem>>) target(%dma_start3A_154 : memref<10112x128xf32, #tpu.memory_space<vmem_shared>>) offsets(%dma_start3A_151 : memref<64xi32, #tpu.memory_space<vmem>>) semaphore(%arg12 : memref<!tpu.dma_semaphore, #tpu.memory_space<semaphore_mem>>) {add = true}
        %ge3A_155 = arith.constant 2 : i32
        %ge3A_156 = arith.cmpi sge, %add3A_134, %ge3A_155 : i32
        %convert_element_type3A_157 = arith.extui %ge3A_156 : i1 to i32
        %cond3A_158 = arith.constant 0 : i32
        %cond3A_159 = arith.cmpi ne, %convert_element_type3A_157, %cond3A_158 : i32
        scf.if %cond3A_159 {
          %dma_wait3A_201 = arith.constant 0 : i32
          %dma_wait3A_202 = arith.constant 0 : i32
          %dma_wait3A_203 = tpu.memref_slice %arg10[%scan3A_3, %dma_wait3A_201, %dma_wait3A_202] : memref<4x64x128xf32, #tpu.memory_space<vmem>> -> memref<1x64x128xf32, #tpu.memory_space<vmem>>
          %dma_wait3A_204 = tpu.memref_squeeze %dma_wait3A_203 : memref<1x64x128xf32, #tpu.memory_space<vmem>> -> memref<64x128xf32, #tpu.memory_space<vmem>>
          %dma_wait3A_205 = arith.constant 0 : i32
          %dma_wait3A_206 = tpu.memref_slice %arg9[%add3A_134, %dma_wait3A_205] : memref<32x64xi32, #tpu.memory_space<vmem>> -> memref<1x64xi32, #tpu.memory_space<vmem>>
          %dma_wait3A_207 = tpu.memref_squeeze %dma_wait3A_206 : memref<1x64xi32, #tpu.memory_space<vmem>> -> memref<64xi32, #tpu.memory_space<vmem>>
          %dma_wait3A_208 = arith.constant 0 : i32
          %dma_wait3A_209 = arith.constant 0 : i32
          %dma_wait3A_210 = tpu.memref_slice %arg7[%dma_wait3A_208, %dma_wait3A_209] : memref<10112x128xf32, #tpu.memory_space<vmem_shared>> -> memref<10112x128xf32, #tpu.memory_space<vmem_shared>>
          tpu.wait_indirect_dma semaphore(%arg12 : memref<!tpu.dma_semaphore, #tpu.memory_space<semaphore_mem>>) src(%dma_wait3A_204 : memref<64x128xf32, #tpu.memory_space<vmem>>) dst(%dma_wait3A_210 : memref<10112x128xf32, #tpu.memory_space<vmem_shared>>)
        } else {
        }
        %add3A_160 = arith.constant 2 : i32
        %add3A_161 = arith.addi %add3A_134, %add3A_160 : i32
        %lt3A_162 = arith.constant 32 : i32
        %lt3A_163 = arith.cmpi slt, %add3A_161, %lt3A_162 : i32
        %convert_element_type3A_164 = arith.extui %lt3A_163 : i1 to i32
        %cond3A_165 = arith.constant 0 : i32
        %cond3A_166 = arith.cmpi ne, %convert_element_type3A_164, %cond3A_165 : i32
        scf.if %cond3A_166 {
          %add3A_201 = arith.constant 2 : i32
          %add3A_202 = arith.addi %add3A_134, %add3A_201 : i32
          %dma_start3A_203 = arith.constant 0 : i32
          %dma_start3A_204 = arith.constant 0 : i32
          %dma_start3A_205 = tpu.memref_slice %arg10[%scan3A_3, %dma_start3A_203, %dma_start3A_204] : memref<4x64x128xf32, #tpu.memory_space<vmem>> -> memref<1x64x128xf32, #tpu.memory_space<vmem>>
          %dma_start3A_206 = tpu.memref_squeeze %dma_start3A_205 : memref<1x64x128xf32, #tpu.memory_space<vmem>> -> memref<64x128xf32, #tpu.memory_space<vmem>>
          %dma_start3A_207 = arith.constant 0 : i32
          %dma_start3A_208 = tpu.memref_slice %arg8[%add3A_202, %dma_start3A_207] : memref<32x64xi32, #tpu.memory_space<vmem>> -> memref<1x64xi32, #tpu.memory_space<vmem>>
          %dma_start3A_209 = tpu.memref_squeeze %dma_start3A_208 : memref<1x64xi32, #tpu.memory_space<vmem>> -> memref<64xi32, #tpu.memory_space<vmem>>
          %dma_start3A_210 = arith.constant 0 : i32
          %dma_start3A_211 = arith.constant 0 : i32
          %dma_start3A_212 = tpu.memref_slice %arg2[%dma_start3A_210, %dma_start3A_211] : memref<10000x128xf32, #tpu.memory_space<hbm>> -> memref<10000x128xf32, #tpu.memory_space<hbm>>
          tpu.enqueue_indirect_dma source(%dma_start3A_212 : memref<10000x128xf32, #tpu.memory_space<hbm>>) target(%dma_start3A_206 : memref<64x128xf32, #tpu.memory_space<vmem>>) offsets(%dma_start3A_209 : memref<64xi32, #tpu.memory_space<vmem>>) semaphore(%arg11 : memref<!tpu.dma_semaphore, #tpu.memory_space<semaphore_mem>>)
        } else {
        }
        %add3A_167 = arith.constant 3 : i32
        %add3A_168 = arith.addi %mul3A_68, %add3A_167 : i32
        %dma_wait3A_169 = arith.constant 0 : i32
        %dma_wait3A_170 = arith.constant 0 : i32
        %dma_wait3A_171 = tpu.memref_slice %arg10[%scan3A_6, %dma_wait3A_169, %dma_wait3A_170] : memref<4x64x128xf32, #tpu.memory_space<vmem>> -> memref<1x64x128xf32, #tpu.memory_space<vmem>>
        %dma_wait3A_172 = tpu.memref_squeeze %dma_wait3A_171 : memref<1x64x128xf32, #tpu.memory_space<vmem>> -> memref<64x128xf32, #tpu.memory_space<vmem>>
        %dma_wait3A_173 = arith.constant 0 : i32
        %dma_wait3A_174 = tpu.memref_slice %arg8[%add3A_168, %dma_wait3A_173] : memref<32x64xi32, #tpu.memory_space<vmem>> -> memref<1x64xi32, #tpu.memory_space<vmem>>
        %dma_wait3A_175 = tpu.memref_squeeze %dma_wait3A_174 : memref<1x64xi32, #tpu.memory_space<vmem>> -> memref<64xi32, #tpu.memory_space<vmem>>
        %dma_wait3A_176 = arith.constant 0 : i32
        %dma_wait3A_177 = arith.constant 0 : i32
        %dma_wait3A_178 = tpu.memref_slice %arg2[%dma_wait3A_176, %dma_wait3A_177] : memref<10000x128xf32, #tpu.memory_space<hbm>> -> memref<10000x128xf32, #tpu.memory_space<hbm>>
        tpu.wait_indirect_dma semaphore(%arg11 : memref<!tpu.dma_semaphore, #tpu.memory_space<semaphore_mem>>) src(%dma_wait3A_178 : memref<10000x128xf32, #tpu.memory_space<hbm>>) dst(%dma_wait3A_172 : memref<64x128xf32, #tpu.memory_space<vmem>>)
        %dma_start3A_179 = arith.constant 0 : i32
        %dma_start3A_180 = arith.constant 0 : i32
        %dma_start3A_181 = tpu.memref_slice %arg10[%scan3A_6, %dma_start3A_179, %dma_start3A_180] : memref<4x64x128xf32, #tpu.memory_space<vmem>> -> memref<1x64x128xf32, #tpu.memory_space<vmem>>
        %dma_start3A_182 = tpu.memref_squeeze %dma_start3A_181 : memref<1x64x128xf32, #tpu.memory_space<vmem>> -> memref<64x128xf32, #tpu.memory_space<vmem>>
        %dma_start3A_183 = arith.constant 0 : i32
        %dma_start3A_184 = tpu.memref_slice %arg9[%add3A_168, %dma_start3A_183] : memref<32x64xi32, #tpu.memory_space<vmem>> -> memref<1x64xi32, #tpu.memory_space<vmem>>
        %dma_start3A_185 = tpu.memref_squeeze %dma_start3A_184 : memref<1x64xi32, #tpu.memory_space<vmem>> -> memref<64xi32, #tpu.memory_space<vmem>>
        %dma_start3A_186 = arith.constant 0 : i32
        %dma_start3A_187 = arith.constant 0 : i32
        %dma_start3A_188 = tpu.memref_slice %arg7[%dma_start3A_186, %dma_start3A_187] : memref<10112x128xf32, #tpu.memory_space<vmem_shared>> -> memref<10112x128xf32, #tpu.memory_space<vmem_shared>>
        tpu.enqueue_indirect_dma source(%dma_start3A_182 : memref<64x128xf32, #tpu.memory_space<vmem>>) target(%dma_start3A_188 : memref<10112x128xf32, #tpu.memory_space<vmem_shared>>) offsets(%dma_start3A_185 : memref<64xi32, #tpu.memory_space<vmem>>) semaphore(%arg12 : memref<!tpu.dma_semaphore, #tpu.memory_space<semaphore_mem>>) {add = true}
        %ge3A_189 = arith.constant 2 : i32
        %ge3A_190 = arith.cmpi sge, %add3A_168, %ge3A_189 : i32
        %convert_element_type3A_191 = arith.extui %ge3A_190 : i1 to i32
        %cond3A_192 = arith.constant 0 : i32
        %cond3A_193 = arith.cmpi ne, %convert_element_type3A_191, %cond3A_192 : i32
        scf.if %cond3A_193 {
          %dma_wait3A_201 = arith.constant 0 : i32
          %dma_wait3A_202 = arith.constant 0 : i32
          %dma_wait3A_203 = tpu.memref_slice %arg10[%scan3A_4, %dma_wait3A_201, %dma_wait3A_202] : memref<4x64x128xf32, #tpu.memory_space<vmem>> -> memref<1x64x128xf32, #tpu.memory_space<vmem>>
          %dma_wait3A_204 = tpu.memref_squeeze %dma_wait3A_203 : memref<1x64x128xf32, #tpu.memory_space<vmem>> -> memref<64x128xf32, #tpu.memory_space<vmem>>
          %dma_wait3A_205 = arith.constant 0 : i32
          %dma_wait3A_206 = tpu.memref_slice %arg9[%add3A_168, %dma_wait3A_205] : memref<32x64xi32, #tpu.memory_space<vmem>> -> memref<1x64xi32, #tpu.memory_space<vmem>>
          %dma_wait3A_207 = tpu.memref_squeeze %dma_wait3A_206 : memref<1x64xi32, #tpu.memory_space<vmem>> -> memref<64xi32, #tpu.memory_space<vmem>>
          %dma_wait3A_208 = arith.constant 0 : i32
          %dma_wait3A_209 = arith.constant 0 : i32
          %dma_wait3A_210 = tpu.memref_slice %arg7[%dma_wait3A_208, %dma_wait3A_209] : memref<10112x128xf32, #tpu.memory_space<vmem_shared>> -> memref<10112x128xf32, #tpu.memory_space<vmem_shared>>
          tpu.wait_indirect_dma semaphore(%arg12 : memref<!tpu.dma_semaphore, #tpu.memory_space<semaphore_mem>>) src(%dma_wait3A_204 : memref<64x128xf32, #tpu.memory_space<vmem>>) dst(%dma_wait3A_210 : memref<10112x128xf32, #tpu.memory_space<vmem_shared>>)
        } else {
        }
        %add3A_194 = arith.constant 2 : i32
        %add3A_195 = arith.addi %add3A_168, %add3A_194 : i32
        %lt3A_196 = arith.constant 32 : i32
        %lt3A_197 = arith.cmpi slt, %add3A_195, %lt3A_196 : i32
        %convert_element_type3A_198 = arith.extui %lt3A_197 : i1 to i32
        %cond3A_199 = arith.constant 0 : i32
        %cond3A_200 = arith.cmpi ne, %convert_element_type3A_198, %cond3A_199 : i32
        scf.if %cond3A_200 {
          %add3A_201 = arith.constant 2 : i32
          %add3A_202 = arith.addi %add3A_168, %add3A_201 : i32
          %dma_start3A_203 = arith.constant 0 : i32
          %dma_start3A_204 = arith.constant 0 : i32
          %dma_start3A_205 = tpu.memref_slice %arg10[%scan3A_4, %dma_start3A_203, %dma_start3A_204] : memref<4x64x128xf32, #tpu.memory_space<vmem>> -> memref<1x64x128xf32, #tpu.memory_space<vmem>>
          %dma_start3A_206 = tpu.memref_squeeze %dma_start3A_205 : memref<1x64x128xf32, #tpu.memory_space<vmem>> -> memref<64x128xf32, #tpu.memory_space<vmem>>
          %dma_start3A_207 = arith.constant 0 : i32
          %dma_start3A_208 = tpu.memref_slice %arg8[%add3A_202, %dma_start3A_207] : memref<32x64xi32, #tpu.memory_space<vmem>> -> memref<1x64xi32, #tpu.memory_space<vmem>>
          %dma_start3A_209 = tpu.memref_squeeze %dma_start3A_208 : memref<1x64xi32, #tpu.memory_space<vmem>> -> memref<64xi32, #tpu.memory_space<vmem>>
          %dma_start3A_210 = arith.constant 0 : i32
          %dma_start3A_211 = arith.constant 0 : i32
          %dma_start3A_212 = tpu.memref_slice %arg2[%dma_start3A_210, %dma_start3A_211] : memref<10000x128xf32, #tpu.memory_space<hbm>> -> memref<10000x128xf32, #tpu.memory_space<hbm>>
          tpu.enqueue_indirect_dma source(%dma_start3A_212 : memref<10000x128xf32, #tpu.memory_space<hbm>>) target(%dma_start3A_206 : memref<64x128xf32, #tpu.memory_space<vmem>>) offsets(%dma_start3A_209 : memref<64xi32, #tpu.memory_space<vmem>>) semaphore(%arg11 : memref<!tpu.dma_semaphore, #tpu.memory_space<semaphore_mem>>)
        } else {
        }
      }
      %scan3A_44 = arith.constant 8 : i32
      %dma_wait3A = arith.constant 31 : i32
      %dma_wait3A_45 = arith.constant 0 : i32
      %dma_wait3A_46 = arith.constant 0 : i32
      %dma_wait3A_47 = tpu.memref_slice %arg10[%scan3A_5, %dma_wait3A_45, %dma_wait3A_46] : memref<4x64x128xf32, #tpu.memory_space<vmem>> -> memref<1x64x128xf32, #tpu.memory_space<vmem>>
      %dma_wait3A_48 = tpu.memref_squeeze %dma_wait3A_47 : memref<1x64x128xf32, #tpu.memory_space<vmem>> -> memref<64x128xf32, #tpu.memory_space<vmem>>
      %dma_wait3A_49 = arith.constant 0 : i32
      %dma_wait3A_50 = tpu.memref_slice %arg9[%dma_wait3A, %dma_wait3A_49] : memref<32x64xi32, #tpu.memory_space<vmem>> -> memref<1x64xi32, #tpu.memory_space<vmem>>
      %dma_wait3A_51 = tpu.memref_squeeze %dma_wait3A_50 : memref<1x64xi32, #tpu.memory_space<vmem>> -> memref<64xi32, #tpu.memory_space<vmem>>
      %dma_wait3A_52 = arith.constant 0 : i32
      %dma_wait3A_53 = arith.constant 0 : i32
      %dma_wait3A_54 = tpu.memref_slice %arg7[%dma_wait3A_52, %dma_wait3A_53] : memref<10112x128xf32, #tpu.memory_space<vmem_shared>> -> memref<10112x128xf32, #tpu.memory_space<vmem_shared>>
      tpu.wait_indirect_dma semaphore(%arg12 : memref<!tpu.dma_semaphore, #tpu.memory_space<semaphore_mem>>) src(%dma_wait3A_48 : memref<64x128xf32, #tpu.memory_space<vmem>>) dst(%dma_wait3A_54 : memref<10112x128xf32, #tpu.memory_space<vmem_shared>>)
      %dma_wait3A_55 = arith.constant 31 : i32
      %dma_wait3A_56 = arith.constant 0 : i32
      %dma_wait3A_57 = arith.constant 0 : i32
      %dma_wait3A_58 = tpu.memref_slice %arg10[%scan3A_6, %dma_wait3A_56, %dma_wait3A_57] : memref<4x64x128xf32, #tpu.memory_space<vmem>> -> memref<1x64x128xf32, #tpu.memory_space<vmem>>
      %dma_wait3A_59 = tpu.memref_squeeze %dma_wait3A_58 : memref<1x64x128xf32, #tpu.memory_space<vmem>> -> memref<64x128xf32, #tpu.memory_space<vmem>>
      %dma_wait3A_60 = arith.constant 0 : i32
      %dma_wait3A_61 = tpu.memref_slice %arg9[%dma_wait3A_55, %dma_wait3A_60] : memref<32x64xi32, #tpu.memory_space<vmem>> -> memref<1x64xi32, #tpu.memory_space<vmem>>
      %dma_wait3A_62 = tpu.memref_squeeze %dma_wait3A_61 : memref<1x64xi32, #tpu.memory_space<vmem>> -> memref<64xi32, #tpu.memory_space<vmem>>
      %dma_wait3A_63 = arith.constant 0 : i32
      %dma_wait3A_64 = arith.constant 0 : i32
      %dma_wait3A_65 = tpu.memref_slice %arg7[%dma_wait3A_63, %dma_wait3A_64] : memref<10112x128xf32, #tpu.memory_space<vmem_shared>> -> memref<10112x128xf32, #tpu.memory_space<vmem_shared>>
      tpu.wait_indirect_dma semaphore(%arg12 : memref<!tpu.dma_semaphore, #tpu.memory_space<semaphore_mem>>) src(%dma_wait3A_59 : memref<64x128xf32, #tpu.memory_space<vmem>>) dst(%dma_wait3A_65 : memref<10112x128xf32, #tpu.memory_space<vmem_shared>>)
    }
    %scan3A_11 = arith.constant 5 : i32
    %barrier3A_12 = arith.constant 0 : index
    tpu.barrier barrier_id(%barrier3A_12)
    "tpu.region"() ({
      %run_scoped3A = tpu.sem_alloc : memref<!tpu.dma_semaphore, #tpu.memory_space<semaphore_mem>>
      %dma_start3A = arith.constant 0 : i32
      %dma_start3A_13 = tpu.memref_slice %arg6[%arg0, %mul3A_2, %dma_start3A] : memref<2x10112x128xf32, #tpu.memory_space<hbm>> -> memref<1x632x128xf32, #tpu.memory_space<hbm>>
      %dma_start3A_14 = tpu.memref_squeeze %dma_start3A_13 : memref<1x632x128xf32, #tpu.memory_space<hbm>> -> memref<632x128xf32, #tpu.memory_space<hbm>>
      %dma_start3A_15 = arith.constant 0 : i32
      %dma_start3A_16 = tpu.memref_slice %arg7[%mul3A_2, %dma_start3A_15] : memref<10112x128xf32, #tpu.memory_space<vmem_shared>> -> memref<632x128xf32, #tpu.memory_space<vmem_shared>>
      tpu.enqueue_dma source(%dma_start3A_16 : memref<632x128xf32, #tpu.memory_space<vmem_shared>>) target(%dma_start3A_14 : memref<632x128xf32, #tpu.memory_space<hbm>>) target_semaphore(%run_scoped3A : memref<!tpu.dma_semaphore, #tpu.memory_space<semaphore_mem>>)
      %dma_wait3A = arith.constant 0 : i32
      %dma_wait3A_17 = tpu.memref_slice %arg6[%arg0, %mul3A_2, %dma_wait3A] : memref<2x10112x128xf32, #tpu.memory_space<hbm>> -> memref<1x632x128xf32, #tpu.memory_space<hbm>>
      %dma_wait3A_18 = tpu.memref_squeeze %dma_wait3A_17 : memref<1x632x128xf32, #tpu.memory_space<hbm>> -> memref<632x128xf32, #tpu.memory_space<hbm>>
      %dma_wait3A_19 = arith.constant 0 : i32
      %dma_wait3A_20 = tpu.memref_slice %arg7[%mul3A_2, %dma_wait3A_19] : memref<10112x128xf32, #tpu.memory_space<vmem_shared>> -> memref<632x128xf32, #tpu.memory_space<vmem_shared>>
      tpu.wait_dma2 semaphore(%run_scoped3A : memref<!tpu.dma_semaphore, #tpu.memory_space<semaphore_mem>>) src(%dma_wait3A_20 : memref<632x128xf32, #tpu.memory_space<vmem_shared>>) dst(%dma_wait3A_18 : memref<632x128xf32, #tpu.memory_space<hbm>>)
      tpu.yield
    }) : () -> ()
    return
  }
}

#map = affine_map<(d0, d1) -> (0, 0)>
#map1 = affine_map<(d0, d1) -> (0, 0, 0)>
module attributes {stable_mosaic.version = 14 : i64} {
  func.func @_sc_agg_body(%arg0: i32, %arg1: i32, %arg2: memref<10000x128xf32, #tpu.memory_space<hbm>>, %arg3: memref<32x160x64xi32, #tpu.memory_space<hbm>>, %arg4: memref<32x160x64xi32, #tpu.memory_space<hbm>>, %arg5: memref<10112x128xf32, #tpu.memory_space<hbm>>, %arg6: memref<2x10112x128xf32, #tpu.memory_space<hbm>>, %arg7: memref<10112x128xf32, #tpu.memory_space<vmem_shared>>, %arg8: memref<32x64xi32, #tpu.memory_space<vmem>>, %arg9: memref<32x64xi32, #tpu.memory_space<vmem>>, %arg10: memref<4x64x128xf32, #tpu.memory_space<vmem>>, %arg11: memref<!tpu.dma_semaphore, #tpu.memory_space<semaphore_mem>>, %arg12: memref<!tpu.dma_semaphore, #tpu.memory_space<semaphore_mem>>) attributes {dimension_semantics = [#tpu.dimension_semantics<core_parallel>, #tpu.dimension_semantics<subcore_parallel>], iteration_bounds = array<i64: 2, 16>, scalar_prefetch = 0 : i64, scratch_operands = 6 : i64, tpu.core_type = #tpu.core_type<sc_vector_subcore>, window_params = [{transform_indices = #map}, {transform_indices = #map1}, {transform_indices = #map1}, {transform_indices = #map}, {transform_indices = #map1}]} {
    %mul3A = arith.constant 16 : i32
    %mul3A_0 = arith.muli %arg0, %mul3A : i32
    %add3A = arith.addi %mul3A_0, %arg1 : i32
    %mul3A_1 = arith.constant 632 : i32
    %mul3A_2 = arith.muli %arg1, %mul3A_1 : i32
    "tpu.region"() ({
      %run_scoped3A = tpu.sem_alloc : memref<!tpu.dma_semaphore, #tpu.memory_space<semaphore_mem>>
      %dma_start3A = arith.constant 0 : i32
      %dma_start3A_13 = tpu.memref_slice %arg7[%mul3A_2, %dma_start3A] : memref<10112x128xf32, #tpu.memory_space<vmem_shared>> -> memref<632x128xf32, #tpu.memory_space<vmem_shared>>
      %dma_start3A_14 = arith.constant 0 : i32
      %dma_start3A_15 = tpu.memref_slice %arg5[%mul3A_2, %dma_start3A_14] : memref<10112x128xf32, #tpu.memory_space<hbm>> -> memref<632x128xf32, #tpu.memory_space<hbm>>
      tpu.enqueue_dma source(%dma_start3A_15 : memref<632x128xf32, #tpu.memory_space<hbm>>) target(%dma_start3A_13 : memref<632x128xf32, #tpu.memory_space<vmem_shared>>) target_semaphore(%run_scoped3A : memref<!tpu.dma_semaphore, #tpu.memory_space<semaphore_mem>>)
      %dma_wait3A = arith.constant 0 : i32
      %dma_wait3A_16 = tpu.memref_slice %arg7[%mul3A_2, %dma_wait3A] : memref<10112x128xf32, #tpu.memory_space<vmem_shared>> -> memref<632x128xf32, #tpu.memory_space<vmem_shared>>
      %dma_wait3A_17 = arith.constant 0 : i32
      %dma_wait3A_18 = tpu.memref_slice %arg5[%mul3A_2, %dma_wait3A_17] : memref<10112x128xf32, #tpu.memory_space<hbm>> -> memref<632x128xf32, #tpu.memory_space<hbm>>
      tpu.wait_dma2 semaphore(%run_scoped3A : memref<!tpu.dma_semaphore, #tpu.memory_space<semaphore_mem>>) src(%dma_wait3A_18 : memref<632x128xf32, #tpu.memory_space<hbm>>) dst(%dma_wait3A_16 : memref<632x128xf32, #tpu.memory_space<vmem_shared>>)
      tpu.yield
    }) : () -> ()
    %barrier3A = arith.constant 0 : index
    tpu.barrier barrier_id(%barrier3A)
    %scan3A = arith.constant 0 : i32
    %scan3A_3 = arith.constant 0 : i32
    %scan3A_4 = arith.constant 1 : i32
    %scan3A_5 = arith.constant 2 : i32
    %scan3A_6 = arith.constant 3 : i32
    %scan3A_7 = arith.constant 0 : i32
    %scan3A_8 = arith.constant 5 : i32
    %scan3A_9 = arith.addi %scan3A_7, %scan3A_8 : i32
    %scan3A_10 = arith.constant 1 : i32
    scf.for %scan3A_13 = %scan3A_7 to %scan3A_9 step %scan3A_10  : i32 {
      %mul3A_14 = arith.constant 32 : i32
      %mul3A_15 = arith.muli %scan3A_13, %mul3A_14 : i32
      "tpu.region"() ({
        %run_scoped3A = tpu.sem_alloc : memref<!tpu.dma_semaphore, #tpu.memory_space<semaphore_mem>>
        %dma_start3A_66 = arith.constant 0 : i32
        %dma_start3A_67 = tpu.memref_slice %arg3[%add3A, %mul3A_15, %dma_start3A_66] : memref<32x160x64xi32, #tpu.memory_space<hbm>> -> memref<1x32x64xi32, #tpu.memory_space<hbm>>
        %dma_start3A_68 = tpu.memref_squeeze %dma_start3A_67 : memref<1x32x64xi32, #tpu.memory_space<hbm>> -> memref<32x64xi32, #tpu.memory_space<hbm>>
        %dma_start3A_69 = arith.constant 0 : i32
        %dma_start3A_70 = tpu.memref_slice %arg3[%add3A, %mul3A_15, %dma_start3A_69] : memref<32x160x64xi32, #tpu.memory_space<hbm>> -> memref<1x32x64xi32, #tpu.memory_space<hbm>>
        %dma_start3A_71 = tpu.memref_squeeze %dma_start3A_70 : memref<1x32x64xi32, #tpu.memory_space<hbm>> -> memref<32x64xi32, #tpu.memory_space<hbm>>
        tpu.enqueue_dma source(%dma_start3A_71 : memref<32x64xi32, #tpu.memory_space<hbm>>) target(%arg8 : memref<32x64xi32, #tpu.memory_space<vmem>>) target_semaphore(%run_scoped3A : memref<!tpu.dma_semaphore, #tpu.memory_space<semaphore_mem>>)
        %dma_wait3A_72 = arith.constant 0 : i32
        %dma_wait3A_73 = tpu.memref_slice %arg3[%add3A, %mul3A_15, %dma_wait3A_72] : memref<32x160x64xi32, #tpu.memory_space<hbm>> -> memref<1x32x64xi32, #tpu.memory_space<hbm>>
        %dma_wait3A_74 = tpu.memref_squeeze %dma_wait3A_73 : memref<1x32x64xi32, #tpu.memory_space<hbm>> -> memref<32x64xi32, #tpu.memory_space<hbm>>
        %dma_wait3A_75 = arith.constant 0 : i32
        %dma_wait3A_76 = tpu.memref_slice %arg3[%add3A, %mul3A_15, %dma_wait3A_75] : memref<32x160x64xi32, #tpu.memory_space<hbm>> -> memref<1x32x64xi32, #tpu.memory_space<hbm>>
        %dma_wait3A_77 = tpu.memref_squeeze %dma_wait3A_76 : memref<1x32x64xi32, #tpu.memory_space<hbm>> -> memref<32x64xi32, #tpu.memory_space<hbm>>
        tpu.wait_dma2 semaphore(%run_scoped3A : memref<!tpu.dma_semaphore, #tpu.memory_space<semaphore_mem>>) src(%dma_wait3A_77 : memref<32x64xi32, #tpu.memory_space<hbm>>) dst(%arg8 : memref<32x64xi32, #tpu.memory_space<vmem>>)
        tpu.yield
      }) : () -> ()
      %mul3A_16 = arith.constant 32 : i32
      %mul3A_17 = arith.muli %scan3A_13, %mul3A_16 : i32
      "tpu.region"() ({
        %run_scoped3A = tpu.sem_alloc : memref<!tpu.dma_semaphore, #tpu.memory_space<semaphore_mem>>
        %dma_start3A_66 = arith.constant 0 : i32
        %dma_start3A_67 = tpu.memref_slice %arg4[%add3A, %mul3A_17, %dma_start3A_66] : memref<32x160x64xi32, #tpu.memory_space<hbm>> -> memref<1x32x64xi32, #tpu.memory_space<hbm>>
        %dma_start3A_68 = tpu.memref_squeeze %dma_start3A_67 : memref<1x32x64xi32, #tpu.memory_space<hbm>> -> memref<32x64xi32, #tpu.memory_space<hbm>>
        %dma_start3A_69 = arith.constant 0 : i32
        %dma_start3A_70 = tpu.memref_slice %arg4[%add3A, %mul3A_17, %dma_start3A_69] : memref<32x160x64xi32, #tpu.memory_space<hbm>> -> memref<1x32x64xi32, #tpu.memory_space<hbm>>
        %dma_start3A_71 = tpu.memref_squeeze %dma_start3A_70 : memref<1x32x64xi32, #tpu.memory_space<hbm>> -> memref<32x64xi32, #tpu.memory_space<hbm>>
        tpu.enqueue_dma source(%dma_start3A_71 : memref<32x64xi32, #tpu.memory_space<hbm>>) target(%arg9 : memref<32x64xi32, #tpu.memory_space<vmem>>) target_semaphore(%run_scoped3A : memref<!tpu.dma_semaphore, #tpu.memory_space<semaphore_mem>>)
        %dma_wait3A_72 = arith.constant 0 : i32
        %dma_wait3A_73 = tpu.memref_slice %arg4[%add3A, %mul3A_17, %dma_wait3A_72] : memref<32x160x64xi32, #tpu.memory_space<hbm>> -> memref<1x32x64xi32, #tpu.memory_space<hbm>>
        %dma_wait3A_74 = tpu.memref_squeeze %dma_wait3A_73 : memref<1x32x64xi32, #tpu.memory_space<hbm>> -> memref<32x64xi32, #tpu.memory_space<hbm>>
        %dma_wait3A_75 = arith.constant 0 : i32
        %dma_wait3A_76 = tpu.memref_slice %arg4[%add3A, %mul3A_17, %dma_wait3A_75] : memref<32x160x64xi32, #tpu.memory_space<hbm>> -> memref<1x32x64xi32, #tpu.memory_space<hbm>>
        %dma_wait3A_77 = tpu.memref_squeeze %dma_wait3A_76 : memref<1x32x64xi32, #tpu.memory_space<hbm>> -> memref<32x64xi32, #tpu.memory_space<hbm>>
        tpu.wait_dma2 semaphore(%run_scoped3A : memref<!tpu.dma_semaphore, #tpu.memory_space<semaphore_mem>>) src(%dma_wait3A_77 : memref<32x64xi32, #tpu.memory_space<hbm>>) dst(%arg9 : memref<32x64xi32, #tpu.memory_space<vmem>>)
        tpu.yield
      }) : () -> ()
      %dma_start3A = arith.constant 0 : i32
      %dma_start3A_18 = arith.constant 0 : i32
      %dma_start3A_19 = arith.constant 0 : i32
      %dma_start3A_20 = tpu.memref_slice %arg10[%scan3A_3, %dma_start3A_18, %dma_start3A_19] : memref<4x64x128xf32, #tpu.memory_space<vmem>> -> memref<1x64x128xf32, #tpu.memory_space<vmem>>
      %dma_start3A_21 = tpu.memref_squeeze %dma_start3A_20 : memref<1x64x128xf32, #tpu.memory_space<vmem>> -> memref<64x128xf32, #tpu.memory_space<vmem>>
      %dma_start3A_22 = arith.constant 0 : i32
      %dma_start3A_23 = tpu.memref_slice %arg8[%dma_start3A, %dma_start3A_22] : memref<32x64xi32, #tpu.memory_space<vmem>> -> memref<1x64xi32, #tpu.memory_space<vmem>>
      %dma_start3A_24 = tpu.memref_squeeze %dma_start3A_23 : memref<1x64xi32, #tpu.memory_space<vmem>> -> memref<64xi32, #tpu.memory_space<vmem>>
      %dma_start3A_25 = arith.constant 0 : i32
      %dma_start3A_26 = arith.constant 0 : i32
      %dma_start3A_27 = tpu.memref_slice %arg2[%dma_start3A_25, %dma_start3A_26] : memref<10000x128xf32, #tpu.memory_space<hbm>> -> memref<10000x128xf32, #tpu.memory_space<hbm>>
      tpu.enqueue_indirect_dma source(%dma_start3A_27 : memref<10000x128xf32, #tpu.memory_space<hbm>>) target(%dma_start3A_21 : memref<64x128xf32, #tpu.memory_space<vmem>>) offsets(%dma_start3A_24 : memref<64xi32, #tpu.memory_space<vmem>>) semaphore(%arg11 : memref<!tpu.dma_semaphore, #tpu.memory_space<semaphore_mem>>)
      %dma_start3A_28 = arith.constant 1 : i32
      %dma_start3A_29 = arith.constant 0 : i32
      %dma_start3A_30 = arith.constant 0 : i32
      %dma_start3A_31 = tpu.memref_slice %arg10[%scan3A_4, %dma_start3A_29, %dma_start3A_30] : memref<4x64x128xf32, #tpu.memory_space<vmem>> -> memref<1x64x128xf32, #tpu.memory_space<vmem>>
      %dma_start3A_32 = tpu.memref_squeeze %dma_start3A_31 : memref<1x64x128xf32, #tpu.memory_space<vmem>> -> memref<64x128xf32, #tpu.memory_space<vmem>>
      %dma_start3A_33 = arith.constant 0 : i32
      %dma_start3A_34 = tpu.memref_slice %arg8[%dma_start3A_28, %dma_start3A_33] : memref<32x64xi32, #tpu.memory_space<vmem>> -> memref<1x64xi32, #tpu.memory_space<vmem>>
      %dma_start3A_35 = tpu.memref_squeeze %dma_start3A_34 : memref<1x64xi32, #tpu.memory_space<vmem>> -> memref<64xi32, #tpu.memory_space<vmem>>
      %dma_start3A_36 = arith.constant 0 : i32
      %dma_start3A_37 = arith.constant 0 : i32
      %dma_start3A_38 = tpu.memref_slice %arg2[%dma_start3A_36, %dma_start3A_37] : memref<10000x128xf32, #tpu.memory_space<hbm>> -> memref<10000x128xf32, #tpu.memory_space<hbm>>
      tpu.enqueue_indirect_dma source(%dma_start3A_38 : memref<10000x128xf32, #tpu.memory_space<hbm>>) target(%dma_start3A_32 : memref<64x128xf32, #tpu.memory_space<vmem>>) offsets(%dma_start3A_35 : memref<64xi32, #tpu.memory_space<vmem>>) semaphore(%arg11 : memref<!tpu.dma_semaphore, #tpu.memory_space<semaphore_mem>>)
      %scan3A_39 = arith.constant 0 : i32
      %scan3A_40 = arith.constant 0 : i32
      %scan3A_41 = arith.constant 8 : i32
      %scan3A_42 = arith.addi %scan3A_40, %scan3A_41 : i32
      %scan3A_43 = arith.constant 1 : i32
      scf.for %scan3A_66 = %scan3A_40 to %scan3A_42 step %scan3A_43  : i32 {
        %mul3A_67 = arith.constant 4 : i32
        %mul3A_68 = arith.muli %mul3A_67, %scan3A_66 : i32
        %add3A_69 = arith.constant 0 : i32
        %add3A_70 = arith.addi %mul3A_68, %add3A_69 : i32
        %dma_wait3A_71 = arith.constant 0 : i32
        %dma_wait3A_72 = arith.constant 0 : i32
        %dma_wait3A_73 = tpu.memref_slice %arg10[%scan3A_3, %dma_wait3A_71, %dma_wait3A_72] : memref<4x64x128xf32, #tpu.memory_space<vmem>> -> memref<1x64x128xf32, #tpu.memory_space<vmem>>
        %dma_wait3A_74 = tpu.memref_squeeze %dma_wait3A_73 : memref<1x64x128xf32, #tpu.memory_space<vmem>> -> memref<64x128xf32, #tpu.memory_space<vmem>>
        %dma_wait3A_75 = arith.constant 0 : i32
        %dma_wait3A_76 = tpu.memref_slice %arg8[%add3A_70, %dma_wait3A_75] : memref<32x64xi32, #tpu.memory_space<vmem>> -> memref<1x64xi32, #tpu.memory_space<vmem>>
        %dma_wait3A_77 = tpu.memref_squeeze %dma_wait3A_76 : memref<1x64xi32, #tpu.memory_space<vmem>> -> memref<64xi32, #tpu.memory_space<vmem>>
        %dma_wait3A_78 = arith.constant 0 : i32
        %dma_wait3A_79 = arith.constant 0 : i32
        %dma_wait3A_80 = tpu.memref_slice %arg2[%dma_wait3A_78, %dma_wait3A_79] : memref<10000x128xf32, #tpu.memory_space<hbm>> -> memref<10000x128xf32, #tpu.memory_space<hbm>>
        tpu.wait_indirect_dma semaphore(%arg11 : memref<!tpu.dma_semaphore, #tpu.memory_space<semaphore_mem>>) src(%dma_wait3A_80 : memref<10000x128xf32, #tpu.memory_space<hbm>>) dst(%dma_wait3A_74 : memref<64x128xf32, #tpu.memory_space<vmem>>)
        %dma_start3A_81 = arith.constant 0 : i32
        %dma_start3A_82 = arith.constant 0 : i32
        %dma_start3A_83 = tpu.memref_slice %arg10[%scan3A_3, %dma_start3A_81, %dma_start3A_82] : memref<4x64x128xf32, #tpu.memory_space<vmem>> -> memref<1x64x128xf32, #tpu.memory_space<vmem>>
        %dma_start3A_84 = tpu.memref_squeeze %dma_start3A_83 : memref<1x64x128xf32, #tpu.memory_space<vmem>> -> memref<64x128xf32, #tpu.memory_space<vmem>>
        %dma_start3A_85 = arith.constant 0 : i32
        %dma_start3A_86 = tpu.memref_slice %arg9[%add3A_70, %dma_start3A_85] : memref<32x64xi32, #tpu.memory_space<vmem>> -> memref<1x64xi32, #tpu.memory_space<vmem>>
        %dma_start3A_87 = tpu.memref_squeeze %dma_start3A_86 : memref<1x64xi32, #tpu.memory_space<vmem>> -> memref<64xi32, #tpu.memory_space<vmem>>
        %dma_start3A_88 = arith.constant 0 : i32
        %dma_start3A_89 = arith.constant 0 : i32
        %dma_start3A_90 = tpu.memref_slice %arg7[%dma_start3A_88, %dma_start3A_89] : memref<10112x128xf32, #tpu.memory_space<vmem_shared>> -> memref<10112x128xf32, #tpu.memory_space<vmem_shared>>
        tpu.enqueue_indirect_dma source(%dma_start3A_84 : memref<64x128xf32, #tpu.memory_space<vmem>>) target(%dma_start3A_90 : memref<10112x128xf32, #tpu.memory_space<vmem_shared>>) offsets(%dma_start3A_87 : memref<64xi32, #tpu.memory_space<vmem>>) semaphore(%arg12 : memref<!tpu.dma_semaphore, #tpu.memory_space<semaphore_mem>>) {add = true}
        %ge3A = arith.constant 2 : i32
        %ge3A_91 = arith.cmpi sge, %add3A_70, %ge3A : i32
        %convert_element_type3A = arith.extui %ge3A_91 : i1 to i32
        %cond3A = arith.constant 0 : i32
        %cond3A_92 = arith.cmpi ne, %convert_element_type3A, %cond3A : i32
        scf.if %cond3A_92 {
          %dma_wait3A_201 = arith.constant 0 : i32
          %dma_wait3A_202 = arith.constant 0 : i32
          %dma_wait3A_203 = tpu.memref_slice %arg10[%scan3A_5, %dma_wait3A_201, %dma_wait3A_202] : memref<4x64x128xf32, #tpu.memory_space<vmem>> -> memref<1x64x128xf32, #tpu.memory_space<vmem>>
          %dma_wait3A_204 = tpu.memref_squeeze %dma_wait3A_203 : memref<1x64x128xf32, #tpu.memory_space<vmem>> -> memref<64x128xf32, #tpu.memory_space<vmem>>
          %dma_wait3A_205 = arith.constant 0 : i32
          %dma_wait3A_206 = tpu.memref_slice %arg9[%add3A_70, %dma_wait3A_205] : memref<32x64xi32, #tpu.memory_space<vmem>> -> memref<1x64xi32, #tpu.memory_space<vmem>>
          %dma_wait3A_207 = tpu.memref_squeeze %dma_wait3A_206 : memref<1x64xi32, #tpu.memory_space<vmem>> -> memref<64xi32, #tpu.memory_space<vmem>>
          %dma_wait3A_208 = arith.constant 0 : i32
          %dma_wait3A_209 = arith.constant 0 : i32
          %dma_wait3A_210 = tpu.memref_slice %arg7[%dma_wait3A_208, %dma_wait3A_209] : memref<10112x128xf32, #tpu.memory_space<vmem_shared>> -> memref<10112x128xf32, #tpu.memory_space<vmem_shared>>
          tpu.wait_indirect_dma semaphore(%arg12 : memref<!tpu.dma_semaphore, #tpu.memory_space<semaphore_mem>>) src(%dma_wait3A_204 : memref<64x128xf32, #tpu.memory_space<vmem>>) dst(%dma_wait3A_210 : memref<10112x128xf32, #tpu.memory_space<vmem_shared>>)
        } else {
        }
        %add3A_93 = arith.constant 2 : i32
        %add3A_94 = arith.addi %add3A_70, %add3A_93 : i32
        %lt3A = arith.constant 32 : i32
        %lt3A_95 = arith.cmpi slt, %add3A_94, %lt3A : i32
        %convert_element_type3A_96 = arith.extui %lt3A_95 : i1 to i32
        %cond3A_97 = arith.constant 0 : i32
        %cond3A_98 = arith.cmpi ne, %convert_element_type3A_96, %cond3A_97 : i32
        scf.if %cond3A_98 {
          %add3A_201 = arith.constant 2 : i32
          %add3A_202 = arith.addi %add3A_70, %add3A_201 : i32
          %dma_start3A_203 = arith.constant 0 : i32
          %dma_start3A_204 = arith.constant 0 : i32
          %dma_start3A_205 = tpu.memref_slice %arg10[%scan3A_5, %dma_start3A_203, %dma_start3A_204] : memref<4x64x128xf32, #tpu.memory_space<vmem>> -> memref<1x64x128xf32, #tpu.memory_space<vmem>>
          %dma_start3A_206 = tpu.memref_squeeze %dma_start3A_205 : memref<1x64x128xf32, #tpu.memory_space<vmem>> -> memref<64x128xf32, #tpu.memory_space<vmem>>
          %dma_start3A_207 = arith.constant 0 : i32
          %dma_start3A_208 = tpu.memref_slice %arg8[%add3A_202, %dma_start3A_207] : memref<32x64xi32, #tpu.memory_space<vmem>> -> memref<1x64xi32, #tpu.memory_space<vmem>>
          %dma_start3A_209 = tpu.memref_squeeze %dma_start3A_208 : memref<1x64xi32, #tpu.memory_space<vmem>> -> memref<64xi32, #tpu.memory_space<vmem>>
          %dma_start3A_210 = arith.constant 0 : i32
          %dma_start3A_211 = arith.constant 0 : i32
          %dma_start3A_212 = tpu.memref_slice %arg2[%dma_start3A_210, %dma_start3A_211] : memref<10000x128xf32, #tpu.memory_space<hbm>> -> memref<10000x128xf32, #tpu.memory_space<hbm>>
          tpu.enqueue_indirect_dma source(%dma_start3A_212 : memref<10000x128xf32, #tpu.memory_space<hbm>>) target(%dma_start3A_206 : memref<64x128xf32, #tpu.memory_space<vmem>>) offsets(%dma_start3A_209 : memref<64xi32, #tpu.memory_space<vmem>>) semaphore(%arg11 : memref<!tpu.dma_semaphore, #tpu.memory_space<semaphore_mem>>)
        } else {
        }
        %add3A_99 = arith.constant 1 : i32
        %add3A_100 = arith.addi %mul3A_68, %add3A_99 : i32
        %dma_wait3A_101 = arith.constant 0 : i32
        %dma_wait3A_102 = arith.constant 0 : i32
        %dma_wait3A_103 = tpu.memref_slice %arg10[%scan3A_4, %dma_wait3A_101, %dma_wait3A_102] : memref<4x64x128xf32, #tpu.memory_space<vmem>> -> memref<1x64x128xf32, #tpu.memory_space<vmem>>
        %dma_wait3A_104 = tpu.memref_squeeze %dma_wait3A_103 : memref<1x64x128xf32, #tpu.memory_space<vmem>> -> memref<64x128xf32, #tpu.memory_space<vmem>>
        %dma_wait3A_105 = arith.constant 0 : i32
        %dma_wait3A_106 = tpu.memref_slice %arg8[%add3A_100, %dma_wait3A_105] : memref<32x64xi32, #tpu.memory_space<vmem>> -> memref<1x64xi32, #tpu.memory_space<vmem>>
        %dma_wait3A_107 = tpu.memref_squeeze %dma_wait3A_106 : memref<1x64xi32, #tpu.memory_space<vmem>> -> memref<64xi32, #tpu.memory_space<vmem>>
        %dma_wait3A_108 = arith.constant 0 : i32
        %dma_wait3A_109 = arith.constant 0 : i32
        %dma_wait3A_110 = tpu.memref_slice %arg2[%dma_wait3A_108, %dma_wait3A_109] : memref<10000x128xf32, #tpu.memory_space<hbm>> -> memref<10000x128xf32, #tpu.memory_space<hbm>>
        tpu.wait_indirect_dma semaphore(%arg11 : memref<!tpu.dma_semaphore, #tpu.memory_space<semaphore_mem>>) src(%dma_wait3A_110 : memref<10000x128xf32, #tpu.memory_space<hbm>>) dst(%dma_wait3A_104 : memref<64x128xf32, #tpu.memory_space<vmem>>)
        %dma_start3A_111 = arith.constant 0 : i32
        %dma_start3A_112 = arith.constant 0 : i32
        %dma_start3A_113 = tpu.memref_slice %arg10[%scan3A_4, %dma_start3A_111, %dma_start3A_112] : memref<4x64x128xf32, #tpu.memory_space<vmem>> -> memref<1x64x128xf32, #tpu.memory_space<vmem>>
        %dma_start3A_114 = tpu.memref_squeeze %dma_start3A_113 : memref<1x64x128xf32, #tpu.memory_space<vmem>> -> memref<64x128xf32, #tpu.memory_space<vmem>>
        %dma_start3A_115 = arith.constant 0 : i32
        %dma_start3A_116 = tpu.memref_slice %arg9[%add3A_100, %dma_start3A_115] : memref<32x64xi32, #tpu.memory_space<vmem>> -> memref<1x64xi32, #tpu.memory_space<vmem>>
        %dma_start3A_117 = tpu.memref_squeeze %dma_start3A_116 : memref<1x64xi32, #tpu.memory_space<vmem>> -> memref<64xi32, #tpu.memory_space<vmem>>
        %dma_start3A_118 = arith.constant 0 : i32
        %dma_start3A_119 = arith.constant 0 : i32
        %dma_start3A_120 = tpu.memref_slice %arg7[%dma_start3A_118, %dma_start3A_119] : memref<10112x128xf32, #tpu.memory_space<vmem_shared>> -> memref<10112x128xf32, #tpu.memory_space<vmem_shared>>
        tpu.enqueue_indirect_dma source(%dma_start3A_114 : memref<64x128xf32, #tpu.memory_space<vmem>>) target(%dma_start3A_120 : memref<10112x128xf32, #tpu.memory_space<vmem_shared>>) offsets(%dma_start3A_117 : memref<64xi32, #tpu.memory_space<vmem>>) semaphore(%arg12 : memref<!tpu.dma_semaphore, #tpu.memory_space<semaphore_mem>>) {add = true}
        %ge3A_121 = arith.constant 2 : i32
        %ge3A_122 = arith.cmpi sge, %add3A_100, %ge3A_121 : i32
        %convert_element_type3A_123 = arith.extui %ge3A_122 : i1 to i32
        %cond3A_124 = arith.constant 0 : i32
        %cond3A_125 = arith.cmpi ne, %convert_element_type3A_123, %cond3A_124 : i32
        scf.if %cond3A_125 {
          %dma_wait3A_201 = arith.constant 0 : i32
          %dma_wait3A_202 = arith.constant 0 : i32
          %dma_wait3A_203 = tpu.memref_slice %arg10[%scan3A_6, %dma_wait3A_201, %dma_wait3A_202] : memref<4x64x128xf32, #tpu.memory_space<vmem>> -> memref<1x64x128xf32, #tpu.memory_space<vmem>>
          %dma_wait3A_204 = tpu.memref_squeeze %dma_wait3A_203 : memref<1x64x128xf32, #tpu.memory_space<vmem>> -> memref<64x128xf32, #tpu.memory_space<vmem>>
          %dma_wait3A_205 = arith.constant 0 : i32
          %dma_wait3A_206 = tpu.memref_slice %arg9[%add3A_100, %dma_wait3A_205] : memref<32x64xi32, #tpu.memory_space<vmem>> -> memref<1x64xi32, #tpu.memory_space<vmem>>
          %dma_wait3A_207 = tpu.memref_squeeze %dma_wait3A_206 : memref<1x64xi32, #tpu.memory_space<vmem>> -> memref<64xi32, #tpu.memory_space<vmem>>
          %dma_wait3A_208 = arith.constant 0 : i32
          %dma_wait3A_209 = arith.constant 0 : i32
          %dma_wait3A_210 = tpu.memref_slice %arg7[%dma_wait3A_208, %dma_wait3A_209] : memref<10112x128xf32, #tpu.memory_space<vmem_shared>> -> memref<10112x128xf32, #tpu.memory_space<vmem_shared>>
          tpu.wait_indirect_dma semaphore(%arg12 : memref<!tpu.dma_semaphore, #tpu.memory_space<semaphore_mem>>) src(%dma_wait3A_204 : memref<64x128xf32, #tpu.memory_space<vmem>>) dst(%dma_wait3A_210 : memref<10112x128xf32, #tpu.memory_space<vmem_shared>>)
        } else {
        }
        %add3A_126 = arith.constant 2 : i32
        %add3A_127 = arith.addi %add3A_100, %add3A_126 : i32
        %lt3A_128 = arith.constant 32 : i32
        %lt3A_129 = arith.cmpi slt, %add3A_127, %lt3A_128 : i32
        %convert_element_type3A_130 = arith.extui %lt3A_129 : i1 to i32
        %cond3A_131 = arith.constant 0 : i32
        %cond3A_132 = arith.cmpi ne, %convert_element_type3A_130, %cond3A_131 : i32
        scf.if %cond3A_132 {
          %add3A_201 = arith.constant 2 : i32
          %add3A_202 = arith.addi %add3A_100, %add3A_201 : i32
          %dma_start3A_203 = arith.constant 0 : i32
          %dma_start3A_204 = arith.constant 0 : i32
          %dma_start3A_205 = tpu.memref_slice %arg10[%scan3A_6, %dma_start3A_203, %dma_start3A_204] : memref<4x64x128xf32, #tpu.memory_space<vmem>> -> memref<1x64x128xf32, #tpu.memory_space<vmem>>
          %dma_start3A_206 = tpu.memref_squeeze %dma_start3A_205 : memref<1x64x128xf32, #tpu.memory_space<vmem>> -> memref<64x128xf32, #tpu.memory_space<vmem>>
          %dma_start3A_207 = arith.constant 0 : i32
          %dma_start3A_208 = tpu.memref_slice %arg8[%add3A_202, %dma_start3A_207] : memref<32x64xi32, #tpu.memory_space<vmem>> -> memref<1x64xi32, #tpu.memory_space<vmem>>
          %dma_start3A_209 = tpu.memref_squeeze %dma_start3A_208 : memref<1x64xi32, #tpu.memory_space<vmem>> -> memref<64xi32, #tpu.memory_space<vmem>>
          %dma_start3A_210 = arith.constant 0 : i32
          %dma_start3A_211 = arith.constant 0 : i32
          %dma_start3A_212 = tpu.memref_slice %arg2[%dma_start3A_210, %dma_start3A_211] : memref<10000x128xf32, #tpu.memory_space<hbm>> -> memref<10000x128xf32, #tpu.memory_space<hbm>>
          tpu.enqueue_indirect_dma source(%dma_start3A_212 : memref<10000x128xf32, #tpu.memory_space<hbm>>) target(%dma_start3A_206 : memref<64x128xf32, #tpu.memory_space<vmem>>) offsets(%dma_start3A_209 : memref<64xi32, #tpu.memory_space<vmem>>) semaphore(%arg11 : memref<!tpu.dma_semaphore, #tpu.memory_space<semaphore_mem>>)
        } else {
        }
        %add3A_133 = arith.constant 2 : i32
        %add3A_134 = arith.addi %mul3A_68, %add3A_133 : i32
        %dma_wait3A_135 = arith.constant 0 : i32
        %dma_wait3A_136 = arith.constant 0 : i32
        %dma_wait3A_137 = tpu.memref_slice %arg10[%scan3A_5, %dma_wait3A_135, %dma_wait3A_136] : memref<4x64x128xf32, #tpu.memory_space<vmem>> -> memref<1x64x128xf32, #tpu.memory_space<vmem>>
        %dma_wait3A_138 = tpu.memref_squeeze %dma_wait3A_137 : memref<1x64x128xf32, #tpu.memory_space<vmem>> -> memref<64x128xf32, #tpu.memory_space<vmem>>
        %dma_wait3A_139 = arith.constant 0 : i32
        %dma_wait3A_140 = tpu.memref_slice %arg8[%add3A_134, %dma_wait3A_139] : memref<32x64xi32, #tpu.memory_space<vmem>> -> memref<1x64xi32, #tpu.memory_space<vmem>>
        %dma_wait3A_141 = tpu.memref_squeeze %dma_wait3A_140 : memref<1x64xi32, #tpu.memory_space<vmem>> -> memref<64xi32, #tpu.memory_space<vmem>>
        %dma_wait3A_142 = arith.constant 0 : i32
        %dma_wait3A_143 = arith.constant 0 : i32
        %dma_wait3A_144 = tpu.memref_slice %arg2[%dma_wait3A_142, %dma_wait3A_143] : memref<10000x128xf32, #tpu.memory_space<hbm>> -> memref<10000x128xf32, #tpu.memory_space<hbm>>
        tpu.wait_indirect_dma semaphore(%arg11 : memref<!tpu.dma_semaphore, #tpu.memory_space<semaphore_mem>>) src(%dma_wait3A_144 : memref<10000x128xf32, #tpu.memory_space<hbm>>) dst(%dma_wait3A_138 : memref<64x128xf32, #tpu.memory_space<vmem>>)
        %dma_start3A_145 = arith.constant 0 : i32
        %dma_start3A_146 = arith.constant 0 : i32
        %dma_start3A_147 = tpu.memref_slice %arg10[%scan3A_5, %dma_start3A_145, %dma_start3A_146] : memref<4x64x128xf32, #tpu.memory_space<vmem>> -> memref<1x64x128xf32, #tpu.memory_space<vmem>>
        %dma_start3A_148 = tpu.memref_squeeze %dma_start3A_147 : memref<1x64x128xf32, #tpu.memory_space<vmem>> -> memref<64x128xf32, #tpu.memory_space<vmem>>
        %dma_start3A_149 = arith.constant 0 : i32
        %dma_start3A_150 = tpu.memref_slice %arg9[%add3A_134, %dma_start3A_149] : memref<32x64xi32, #tpu.memory_space<vmem>> -> memref<1x64xi32, #tpu.memory_space<vmem>>
        %dma_start3A_151 = tpu.memref_squeeze %dma_start3A_150 : memref<1x64xi32, #tpu.memory_space<vmem>> -> memref<64xi32, #tpu.memory_space<vmem>>
        %dma_start3A_152 = arith.constant 0 : i32
        %dma_start3A_153 = arith.constant 0 : i32
        %dma_start3A_154 = tpu.memref_slice %arg7[%dma_start3A_152, %dma_start3A_153] : memref<10112x128xf32, #tpu.memory_space<vmem_shared>> -> memref<10112x128xf32, #tpu.memory_space<vmem_shared>>
        tpu.enqueue_indirect_dma source(%dma_start3A_148 : memref<64x128xf32, #tpu.memory_space<vmem>>) target(%dma_start3A_154 : memref<10112x128xf32, #tpu.memory_space<vmem_shared>>) offsets(%dma_start3A_151 : memref<64xi32, #tpu.memory_space<vmem>>) semaphore(%arg12 : memref<!tpu.dma_semaphore, #tpu.memory_space<semaphore_mem>>) {add = true}
        %ge3A_155 = arith.constant 2 : i32
        %ge3A_156 = arith.cmpi sge, %add3A_134, %ge3A_155 : i32
        %convert_element_type3A_157 = arith.extui %ge3A_156 : i1 to i32
        %cond3A_158 = arith.constant 0 : i32
        %cond3A_159 = arith.cmpi ne, %convert_element_type3A_157, %cond3A_158 : i32
        scf.if %cond3A_159 {
          %dma_wait3A_201 = arith.constant 0 : i32
          %dma_wait3A_202 = arith.constant 0 : i32
          %dma_wait3A_203 = tpu.memref_slice %arg10[%scan3A_3, %dma_wait3A_201, %dma_wait3A_202] : memref<4x64x128xf32, #tpu.memory_space<vmem>> -> memref<1x64x128xf32, #tpu.memory_space<vmem>>
          %dma_wait3A_204 = tpu.memref_squeeze %dma_wait3A_203 : memref<1x64x128xf32, #tpu.memory_space<vmem>> -> memref<64x128xf32, #tpu.memory_space<vmem>>
          %dma_wait3A_205 = arith.constant 0 : i32
          %dma_wait3A_206 = tpu.memref_slice %arg9[%add3A_134, %dma_wait3A_205] : memref<32x64xi32, #tpu.memory_space<vmem>> -> memref<1x64xi32, #tpu.memory_space<vmem>>
          %dma_wait3A_207 = tpu.memref_squeeze %dma_wait3A_206 : memref<1x64xi32, #tpu.memory_space<vmem>> -> memref<64xi32, #tpu.memory_space<vmem>>
          %dma_wait3A_208 = arith.constant 0 : i32
          %dma_wait3A_209 = arith.constant 0 : i32
          %dma_wait3A_210 = tpu.memref_slice %arg7[%dma_wait3A_208, %dma_wait3A_209] : memref<10112x128xf32, #tpu.memory_space<vmem_shared>> -> memref<10112x128xf32, #tpu.memory_space<vmem_shared>>
          tpu.wait_indirect_dma semaphore(%arg12 : memref<!tpu.dma_semaphore, #tpu.memory_space<semaphore_mem>>) src(%dma_wait3A_204 : memref<64x128xf32, #tpu.memory_space<vmem>>) dst(%dma_wait3A_210 : memref<10112x128xf32, #tpu.memory_space<vmem_shared>>)
        } else {
        }
        %add3A_160 = arith.constant 2 : i32
        %add3A_161 = arith.addi %add3A_134, %add3A_160 : i32
        %lt3A_162 = arith.constant 32 : i32
        %lt3A_163 = arith.cmpi slt, %add3A_161, %lt3A_162 : i32
        %convert_element_type3A_164 = arith.extui %lt3A_163 : i1 to i32
        %cond3A_165 = arith.constant 0 : i32
        %cond3A_166 = arith.cmpi ne, %convert_element_type3A_164, %cond3A_165 : i32
        scf.if %cond3A_166 {
          %add3A_201 = arith.constant 2 : i32
          %add3A_202 = arith.addi %add3A_134, %add3A_201 : i32
          %dma_start3A_203 = arith.constant 0 : i32
          %dma_start3A_204 = arith.constant 0 : i32
          %dma_start3A_205 = tpu.memref_slice %arg10[%scan3A_3, %dma_start3A_203, %dma_start3A_204] : memref<4x64x128xf32, #tpu.memory_space<vmem>> -> memref<1x64x128xf32, #tpu.memory_space<vmem>>
          %dma_start3A_206 = tpu.memref_squeeze %dma_start3A_205 : memref<1x64x128xf32, #tpu.memory_space<vmem>> -> memref<64x128xf32, #tpu.memory_space<vmem>>
          %dma_start3A_207 = arith.constant 0 : i32
          %dma_start3A_208 = tpu.memref_slice %arg8[%add3A_202, %dma_start3A_207] : memref<32x64xi32, #tpu.memory_space<vmem>> -> memref<1x64xi32, #tpu.memory_space<vmem>>
          %dma_start3A_209 = tpu.memref_squeeze %dma_start3A_208 : memref<1x64xi32, #tpu.memory_space<vmem>> -> memref<64xi32, #tpu.memory_space<vmem>>
          %dma_start3A_210 = arith.constant 0 : i32
          %dma_start3A_211 = arith.constant 0 : i32
          %dma_start3A_212 = tpu.memref_slice %arg2[%dma_start3A_210, %dma_start3A_211] : memref<10000x128xf32, #tpu.memory_space<hbm>> -> memref<10000x128xf32, #tpu.memory_space<hbm>>
          tpu.enqueue_indirect_dma source(%dma_start3A_212 : memref<10000x128xf32, #tpu.memory_space<hbm>>) target(%dma_start3A_206 : memref<64x128xf32, #tpu.memory_space<vmem>>) offsets(%dma_start3A_209 : memref<64xi32, #tpu.memory_space<vmem>>) semaphore(%arg11 : memref<!tpu.dma_semaphore, #tpu.memory_space<semaphore_mem>>)
        } else {
        }
        %add3A_167 = arith.constant 3 : i32
        %add3A_168 = arith.addi %mul3A_68, %add3A_167 : i32
        %dma_wait3A_169 = arith.constant 0 : i32
        %dma_wait3A_170 = arith.constant 0 : i32
        %dma_wait3A_171 = tpu.memref_slice %arg10[%scan3A_6, %dma_wait3A_169, %dma_wait3A_170] : memref<4x64x128xf32, #tpu.memory_space<vmem>> -> memref<1x64x128xf32, #tpu.memory_space<vmem>>
        %dma_wait3A_172 = tpu.memref_squeeze %dma_wait3A_171 : memref<1x64x128xf32, #tpu.memory_space<vmem>> -> memref<64x128xf32, #tpu.memory_space<vmem>>
        %dma_wait3A_173 = arith.constant 0 : i32
        %dma_wait3A_174 = tpu.memref_slice %arg8[%add3A_168, %dma_wait3A_173] : memref<32x64xi32, #tpu.memory_space<vmem>> -> memref<1x64xi32, #tpu.memory_space<vmem>>
        %dma_wait3A_175 = tpu.memref_squeeze %dma_wait3A_174 : memref<1x64xi32, #tpu.memory_space<vmem>> -> memref<64xi32, #tpu.memory_space<vmem>>
        %dma_wait3A_176 = arith.constant 0 : i32
        %dma_wait3A_177 = arith.constant 0 : i32
        %dma_wait3A_178 = tpu.memref_slice %arg2[%dma_wait3A_176, %dma_wait3A_177] : memref<10000x128xf32, #tpu.memory_space<hbm>> -> memref<10000x128xf32, #tpu.memory_space<hbm>>
        tpu.wait_indirect_dma semaphore(%arg11 : memref<!tpu.dma_semaphore, #tpu.memory_space<semaphore_mem>>) src(%dma_wait3A_178 : memref<10000x128xf32, #tpu.memory_space<hbm>>) dst(%dma_wait3A_172 : memref<64x128xf32, #tpu.memory_space<vmem>>)
        %dma_start3A_179 = arith.constant 0 : i32
        %dma_start3A_180 = arith.constant 0 : i32
        %dma_start3A_181 = tpu.memref_slice %arg10[%scan3A_6, %dma_start3A_179, %dma_start3A_180] : memref<4x64x128xf32, #tpu.memory_space<vmem>> -> memref<1x64x128xf32, #tpu.memory_space<vmem>>
        %dma_start3A_182 = tpu.memref_squeeze %dma_start3A_181 : memref<1x64x128xf32, #tpu.memory_space<vmem>> -> memref<64x128xf32, #tpu.memory_space<vmem>>
        %dma_start3A_183 = arith.constant 0 : i32
        %dma_start3A_184 = tpu.memref_slice %arg9[%add3A_168, %dma_start3A_183] : memref<32x64xi32, #tpu.memory_space<vmem>> -> memref<1x64xi32, #tpu.memory_space<vmem>>
        %dma_start3A_185 = tpu.memref_squeeze %dma_start3A_184 : memref<1x64xi32, #tpu.memory_space<vmem>> -> memref<64xi32, #tpu.memory_space<vmem>>
        %dma_start3A_186 = arith.constant 0 : i32
        %dma_start3A_187 = arith.constant 0 : i32
        %dma_start3A_188 = tpu.memref_slice %arg7[%dma_start3A_186, %dma_start3A_187] : memref<10112x128xf32, #tpu.memory_space<vmem_shared>> -> memref<10112x128xf32, #tpu.memory_space<vmem_shared>>
        tpu.enqueue_indirect_dma source(%dma_start3A_182 : memref<64x128xf32, #tpu.memory_space<vmem>>) target(%dma_start3A_188 : memref<10112x128xf32, #tpu.memory_space<vmem_shared>>) offsets(%dma_start3A_185 : memref<64xi32, #tpu.memory_space<vmem>>) semaphore(%arg12 : memref<!tpu.dma_semaphore, #tpu.memory_space<semaphore_mem>>) {add = true}
        %ge3A_189 = arith.constant 2 : i32
        %ge3A_190 = arith.cmpi sge, %add3A_168, %ge3A_189 : i32
        %convert_element_type3A_191 = arith.extui %ge3A_190 : i1 to i32
        %cond3A_192 = arith.constant 0 : i32
        %cond3A_193 = arith.cmpi ne, %convert_element_type3A_191, %cond3A_192 : i32
        scf.if %cond3A_193 {
          %dma_wait3A_201 = arith.constant 0 : i32
          %dma_wait3A_202 = arith.constant 0 : i32
          %dma_wait3A_203 = tpu.memref_slice %arg10[%scan3A_4, %dma_wait3A_201, %dma_wait3A_202] : memref<4x64x128xf32, #tpu.memory_space<vmem>> -> memref<1x64x128xf32, #tpu.memory_space<vmem>>
          %dma_wait3A_204 = tpu.memref_squeeze %dma_wait3A_203 : memref<1x64x128xf32, #tpu.memory_space<vmem>> -> memref<64x128xf32, #tpu.memory_space<vmem>>
          %dma_wait3A_205 = arith.constant 0 : i32
          %dma_wait3A_206 = tpu.memref_slice %arg9[%add3A_168, %dma_wait3A_205] : memref<32x64xi32, #tpu.memory_space<vmem>> -> memref<1x64xi32, #tpu.memory_space<vmem>>
          %dma_wait3A_207 = tpu.memref_squeeze %dma_wait3A_206 : memref<1x64xi32, #tpu.memory_space<vmem>> -> memref<64xi32, #tpu.memory_space<vmem>>
          %dma_wait3A_208 = arith.constant 0 : i32
          %dma_wait3A_209 = arith.constant 0 : i32
          %dma_wait3A_210 = tpu.memref_slice %arg7[%dma_wait3A_208, %dma_wait3A_209] : memref<10112x128xf32, #tpu.memory_space<vmem_shared>> -> memref<10112x128xf32, #tpu.memory_space<vmem_shared>>
          tpu.wait_indirect_dma semaphore(%arg12 : memref<!tpu.dma_semaphore, #tpu.memory_space<semaphore_mem>>) src(%dma_wait3A_204 : memref<64x128xf32, #tpu.memory_space<vmem>>) dst(%dma_wait3A_210 : memref<10112x128xf32, #tpu.memory_space<vmem_shared>>)
        } else {
        }
        %add3A_194 = arith.constant 2 : i32
        %add3A_195 = arith.addi %add3A_168, %add3A_194 : i32
        %lt3A_196 = arith.constant 32 : i32
        %lt3A_197 = arith.cmpi slt, %add3A_195, %lt3A_196 : i32
        %convert_element_type3A_198 = arith.extui %lt3A_197 : i1 to i32
        %cond3A_199 = arith.constant 0 : i32
        %cond3A_200 = arith.cmpi ne, %convert_element_type3A_198, %cond3A_199 : i32
        scf.if %cond3A_200 {
          %add3A_201 = arith.constant 2 : i32
          %add3A_202 = arith.addi %add3A_168, %add3A_201 : i32
          %dma_start3A_203 = arith.constant 0 : i32
          %dma_start3A_204 = arith.constant 0 : i32
          %dma_start3A_205 = tpu.memref_slice %arg10[%scan3A_4, %dma_start3A_203, %dma_start3A_204] : memref<4x64x128xf32, #tpu.memory_space<vmem>> -> memref<1x64x128xf32, #tpu.memory_space<vmem>>
          %dma_start3A_206 = tpu.memref_squeeze %dma_start3A_205 : memref<1x64x128xf32, #tpu.memory_space<vmem>> -> memref<64x128xf32, #tpu.memory_space<vmem>>
          %dma_start3A_207 = arith.constant 0 : i32
          %dma_start3A_208 = tpu.memref_slice %arg8[%add3A_202, %dma_start3A_207] : memref<32x64xi32, #tpu.memory_space<vmem>> -> memref<1x64xi32, #tpu.memory_space<vmem>>
          %dma_start3A_209 = tpu.memref_squeeze %dma_start3A_208 : memref<1x64xi32, #tpu.memory_space<vmem>> -> memref<64xi32, #tpu.memory_space<vmem>>
          %dma_start3A_210 = arith.constant 0 : i32
          %dma_start3A_211 = arith.constant 0 : i32
          %dma_start3A_212 = tpu.memref_slice %arg2[%dma_start3A_210, %dma_start3A_211] : memref<10000x128xf32, #tpu.memory_space<hbm>> -> memref<10000x128xf32, #tpu.memory_space<hbm>>
          tpu.enqueue_indirect_dma source(%dma_start3A_212 : memref<10000x128xf32, #tpu.memory_space<hbm>>) target(%dma_start3A_206 : memref<64x128xf32, #tpu.memory_space<vmem>>) offsets(%dma_start3A_209 : memref<64xi32, #tpu.memory_space<vmem>>) semaphore(%arg11 : memref<!tpu.dma_semaphore, #tpu.memory_space<semaphore_mem>>)
        } else {
        }
      }
      %scan3A_44 = arith.constant 8 : i32
      %dma_wait3A = arith.constant 31 : i32
      %dma_wait3A_45 = arith.constant 0 : i32
      %dma_wait3A_46 = arith.constant 0 : i32
      %dma_wait3A_47 = tpu.memref_slice %arg10[%scan3A_5, %dma_wait3A_45, %dma_wait3A_46] : memref<4x64x128xf32, #tpu.memory_space<vmem>> -> memref<1x64x128xf32, #tpu.memory_space<vmem>>
      %dma_wait3A_48 = tpu.memref_squeeze %dma_wait3A_47 : memref<1x64x128xf32, #tpu.memory_space<vmem>> -> memref<64x128xf32, #tpu.memory_space<vmem>>
      %dma_wait3A_49 = arith.constant 0 : i32
      %dma_wait3A_50 = tpu.memref_slice %arg9[%dma_wait3A, %dma_wait3A_49] : memref<32x64xi32, #tpu.memory_space<vmem>> -> memref<1x64xi32, #tpu.memory_space<vmem>>
      %dma_wait3A_51 = tpu.memref_squeeze %dma_wait3A_50 : memref<1x64xi32, #tpu.memory_space<vmem>> -> memref<64xi32, #tpu.memory_space<vmem>>
      %dma_wait3A_52 = arith.constant 0 : i32
      %dma_wait3A_53 = arith.constant 0 : i32
      %dma_wait3A_54 = tpu.memref_slice %arg7[%dma_wait3A_52, %dma_wait3A_53] : memref<10112x128xf32, #tpu.memory_space<vmem_shared>> -> memref<10112x128xf32, #tpu.memory_space<vmem_shared>>
      tpu.wait_indirect_dma semaphore(%arg12 : memref<!tpu.dma_semaphore, #tpu.memory_space<semaphore_mem>>) src(%dma_wait3A_48 : memref<64x128xf32, #tpu.memory_space<vmem>>) dst(%dma_wait3A_54 : memref<10112x128xf32, #tpu.memory_space<vmem_shared>>)
      %dma_wait3A_55 = arith.constant 31 : i32
      %dma_wait3A_56 = arith.constant 0 : i32
      %dma_wait3A_57 = arith.constant 0 : i32
      %dma_wait3A_58 = tpu.memref_slice %arg10[%scan3A_6, %dma_wait3A_56, %dma_wait3A_57] : memref<4x64x128xf32, #tpu.memory_space<vmem>> -> memref<1x64x128xf32, #tpu.memory_space<vmem>>
      %dma_wait3A_59 = tpu.memref_squeeze %dma_wait3A_58 : memref<1x64x128xf32, #tpu.memory_space<vmem>> -> memref<64x128xf32, #tpu.memory_space<vmem>>
      %dma_wait3A_60 = arith.constant 0 : i32
      %dma_wait3A_61 = tpu.memref_slice %arg9[%dma_wait3A_55, %dma_wait3A_60] : memref<32x64xi32, #tpu.memory_space<vmem>> -> memref<1x64xi32, #tpu.memory_space<vmem>>
      %dma_wait3A_62 = tpu.memref_squeeze %dma_wait3A_61 : memref<1x64xi32, #tpu.memory_space<vmem>> -> memref<64xi32, #tpu.memory_space<vmem>>
      %dma_wait3A_63 = arith.constant 0 : i32
      %dma_wait3A_64 = arith.constant 0 : i32
      %dma_wait3A_65 = tpu.memref_slice %arg7[%dma_wait3A_63, %dma_wait3A_64] : memref<10112x128xf32, #tpu.memory_space<vmem_shared>> -> memref<10112x128xf32, #tpu.memory_space<vmem_shared>>
      tpu.wait_indirect_dma semaphore(%arg12 : memref<!tpu.dma_semaphore, #tpu.memory_space<semaphore_mem>>) src(%dma_wait3A_59 : memref<64x128xf32, #tpu.memory_space<vmem>>) dst(%dma_wait3A_65 : memref<10112x128xf32, #tpu.memory_space<vmem_shared>>)
    }
    %scan3A_11 = arith.constant 5 : i32
    %barrier3A_12 = arith.constant 0 : index
    tpu.barrier barrier_id(%barrier3A_12)
    "tpu.region"() ({
      %run_scoped3A = tpu.sem_alloc : memref<!tpu.dma_semaphore, #tpu.memory_space<semaphore_mem>>
      %dma_start3A = arith.constant 0 : i32
      %dma_start3A_13 = tpu.memref_slice %arg6[%arg0, %mul3A_2, %dma_start3A] : memref<2x10112x128xf32, #tpu.memory_space<hbm>> -> memref<1x632x128xf32, #tpu.memory_space<hbm>>
      %dma_start3A_14 = tpu.memref_squeeze %dma_start3A_13 : memref<1x632x128xf32, #tpu.memory_space<hbm>> -> memref<632x128xf32, #tpu.memory_space<hbm>>
      %dma_start3A_15 = arith.constant 0 : i32
      %dma_start3A_16 = tpu.memref_slice %arg7[%mul3A_2, %dma_start3A_15] : memref<10112x128xf32, #tpu.memory_space<vmem_shared>> -> memref<632x128xf32, #tpu.memory_space<vmem_shared>>
      tpu.enqueue_dma source(%dma_start3A_16 : memref<632x128xf32, #tpu.memory_space<vmem_shared>>) target(%dma_start3A_14 : memref<632x128xf32, #tpu.memory_space<hbm>>) target_semaphore(%run_scoped3A : memref<!tpu.dma_semaphore, #tpu.memory_space<semaphore_mem>>)
      %dma_wait3A = arith.constant 0 : i32
      %dma_wait3A_17 = tpu.memref_slice %arg6[%arg0, %mul3A_2, %dma_wait3A] : memref<2x10112x128xf32, #tpu.memory_space<hbm>> -> memref<1x632x128xf32, #tpu.memory_space<hbm>>
      %dma_wait3A_18 = tpu.memref_squeeze %dma_wait3A_17 : memref<1x632x128xf32, #tpu.memory_space<hbm>> -> memref<632x128xf32, #tpu.memory_space<hbm>>
      %dma_wait3A_19 = arith.constant 0 : i32
      %dma_wait3A_20 = tpu.memref_slice %arg7[%mul3A_2, %dma_wait3A_19] : memref<10112x128xf32, #tpu.memory_space<vmem_shared>> -> memref<632x128xf32, #tpu.memory_space<vmem_shared>>
      tpu.wait_dma2 semaphore(%run_scoped3A : memref<!tpu.dma_semaphore, #tpu.memory_space<semaphore_mem>>) src(%dma_wait3A_20 : memref<632x128xf32, #tpu.memory_space<vmem_shared>>) dst(%dma_wait3A_18 : memref<632x128xf32, #tpu.memory_space<hbm>>)
      tpu.yield
    }) : () -> ()
    return
  }
}

module attributes {stable_mosaic.version = 14 : i64} {
  func.func @_pre_body(%arg0: i32, %arg1: memref<1000x128xf32, #tpu.memory_space<vmem>>, %arg2: memref<128x128xf32, #tpu.memory_space<vmem>>, %arg3: memref<1x128xf32, #tpu.memory_space<vmem>>, %arg4: memref<128x128xf32, #tpu.memory_space<vmem>>, %arg5: memref<128x128xf32, #tpu.memory_space<vmem>>, %arg6: memref<1000x128xf32, #tpu.memory_space<vmem>>, %arg7: memref<1000x128xf32, #tpu.memory_space<vmem>>) attributes {dimension_semantics = [#tpu.dimension_semantics<arbitrary>], iteration_bounds = array<i64: 10>, scalar_prefetch = 0 : i64, scratch_operands = 0 : i64, tpu.core_type = #tpu.core_type<tc>, window_params = [{transform_indices = @transform_0, window_bounds = array<i64: 1000, 128>}, {pipeline_mode = #tpu.pipeline_mode<synchronous>, transform_indices = @transform_1, window_bounds = array<i64: 128, 128>}, {pipeline_mode = #tpu.pipeline_mode<synchronous>, transform_indices = @transform_2, window_bounds = array<i64: 1, 128>}, {pipeline_mode = #tpu.pipeline_mode<synchronous>, transform_indices = @transform_3, window_bounds = array<i64: 128, 128>}, {pipeline_mode = #tpu.pipeline_mode<synchronous>, transform_indices = @transform_4, window_bounds = array<i64: 128, 128>}, {transform_indices = @transform_5, window_bounds = array<i64: 1000, 128>}, {transform_indices = @transform_6, window_bounds = array<i64: 1000, 128>}]} {
    %get3A = arith.constant 0 : index
    %get3A_0 = arith.constant 0 : index
    %get3A_1 = vector.load %arg1[%get3A, %get3A_0] : memref<1000x128xf32, #tpu.memory_space<vmem>>, vector<1000x128xf32>
    %get3A_2 = arith.constant 0 : index
    %get3A_3 = arith.constant 0 : index
    %get3A_4 = vector.load %arg2[%get3A_2, %get3A_3] : memref<128x128xf32, #tpu.memory_space<vmem>>, vector<128x128xf32>
    %dot_general3A = arith.constant dense<0.000000e+00> : vector<1000x128xf32>
    %dot_general3A_5 = tpu.matmul %get3A_1, %get3A_4, %dot_general3A {dimension_numbers = #tpu.dot_dimension_numbers<[1], [0], [0], [1], [0, 0, 1, 1], [], []>, transpose_lhs_hint = false} : vector<1000x128xf32>, vector<128x128xf32>, vector<1000x128xf32> -> vector<1000x128xf32>
    %get3A_6 = arith.constant 0 : index
    %get3A_7 = arith.constant 0 : index
    %get3A_8 = vector.load %arg3[%get3A_6, %get3A_7] : memref<1x128xf32, #tpu.memory_space<vmem>>, vector<1x128xf32>
    %add3A = vector.broadcast %get3A_8 : vector<1x128xf32> to vector<1000x128xf32>
    %add3A_9 = arith.addf %dot_general3A_5, %add3A : vector<1000x128xf32>
    %max3A = arith.constant 0.000000e+00 : f32
    %max3A_10 = vector.broadcast %max3A : f32 to vector<1000x128xf32>
    %max3A_11 = arith.maximumf %add3A_9, %max3A_10 : vector<1000x128xf32>
    %get3A_12 = arith.constant 0 : index
    %get3A_13 = arith.constant 0 : index
    %get3A_14 = vector.load %arg4[%get3A_12, %get3A_13] : memref<128x128xf32, #tpu.memory_space<vmem>>, vector<128x128xf32>
    %dot_general3A_15 = arith.constant dense<0.000000e+00> : vector<1000x128xf32>
    %dot_general3A_16 = tpu.matmul %max3A_11, %get3A_14, %dot_general3A_15 {dimension_numbers = #tpu.dot_dimension_numbers<[1], [0], [0], [1], [0, 0, 1, 1], [], []>, transpose_lhs_hint = false} : vector<1000x128xf32>, vector<128x128xf32>, vector<1000x128xf32> -> vector<1000x128xf32>
    %swap3A = arith.constant 0 : index
    %swap3A_17 = arith.constant 0 : index
    %swap3A_18 = vector.load %arg6[%swap3A, %swap3A_17] : memref<1000x128xf32, #tpu.memory_space<vmem>>, vector<1000x128xf32>
    tpu.vector_store %arg6[%swap3A, %swap3A_17], %dot_general3A_16 {strides = array<i32>} : memref<1000x128xf32, #tpu.memory_space<vmem>>, vector<1000x128xf32>,
    %get3A_19 = arith.constant 0 : index
    %get3A_20 = arith.constant 0 : index
    %get3A_21 = vector.load %arg5[%get3A_19, %get3A_20] : memref<128x128xf32, #tpu.memory_space<vmem>>, vector<128x128xf32>
    %dot_general3A_22 = arith.constant dense<0.000000e+00> : vector<1000x128xf32>
    %dot_general3A_23 = tpu.matmul %max3A_11, %get3A_21, %dot_general3A_22 {dimension_numbers = #tpu.dot_dimension_numbers<[1], [0], [0], [1], [0, 0, 1, 1], [], []>, transpose_lhs_hint = false} : vector<1000x128xf32>, vector<128x128xf32>, vector<1000x128xf32> -> vector<1000x128xf32>
    %swap3A_24 = arith.constant 0 : index
    %swap3A_25 = arith.constant 0 : index
    %swap3A_26 = vector.load %arg7[%swap3A_24, %swap3A_25] : memref<1000x128xf32, #tpu.memory_space<vmem>>, vector<1000x128xf32>
    tpu.vector_store %arg7[%swap3A_24, %swap3A_25], %dot_general3A_23 {strides = array<i32>} : memref<1000x128xf32, #tpu.memory_space<vmem>>, vector<1000x128xf32>,
    return
  }
  func.func @transform_0(%arg0: i32) -> (i32, i32) {
    %c0_i32 = arith.constant 0 : i32
    %c0_i32_0 = arith.constant 0 : i32
    return %arg0, %c0_i32 : i32, i32
  }
  func.func @transform_1(%arg0: i32) -> (i32, i32) {
    %c0_i32 = arith.constant 0 : i32
    %c0_i32_0 = arith.constant 0 : i32
    %c0_i32_1 = arith.constant 0 : i32
    return %c0_i32, %c0_i32_0 : i32, i32
  }
  func.func @transform_2(%arg0: i32) -> (i32, i32) {
    %c0_i32 = arith.constant 0 : i32
    %c0_i32_0 = arith.constant 0 : i32
    %c0_i32_1 = arith.constant 0 : i32
    return %c0_i32, %c0_i32_0 : i32, i32
  }
  func.func @transform_3(%arg0: i32) -> (i32, i32) {
    %c0_i32 = arith.constant 0 : i32
    %c0_i32_0 = arith.constant 0 : i32
    %c0_i32_1 = arith.constant 0 : i32
    return %c0_i32, %c0_i32_0 : i32, i32
  }
  func.func @transform_4(%arg0: i32) -> (i32, i32) {
    %c0_i32 = arith.constant 0 : i32
    %c0_i32_0 = arith.constant 0 : i32
    %c0_i32_1 = arith.constant 0 : i32
    return %c0_i32, %c0_i32_0 : i32, i32
  }
  func.func @transform_5(%arg0: i32) -> (i32, i32) {
    %c0_i32 = arith.constant 0 : i32
    %c0_i32_0 = arith.constant 0 : i32
    return %arg0, %c0_i32 : i32, i32
  }
  func.func @transform_6(%arg0: i32) -> (i32, i32) {
    %c0_i32 = arith.constant 0 : i32
    %c0_i32_0 = arith.constant 0 : i32
    return %arg0, %c0_i32 : i32, i32
  }
}

module attributes {stable_mosaic.version = 14 : i64} {
  func.func @_mid_body(%arg0: i32, %arg1: memref<2x1000x128xf32, #tpu.memory_space<vmem>>, %arg2: memref<2x1000x128xf32, #tpu.memory_space<vmem>>, %arg3: memref<1000x128xf32, #tpu.memory_space<vmem>>, %arg4: memref<1x128xf32, #tpu.memory_space<vmem>>, %arg5: memref<128x128xf32, #tpu.memory_space<vmem>>, %arg6: memref<128x128xf32, #tpu.memory_space<vmem>>, %arg7: memref<1000x128xf32, #tpu.memory_space<vmem>>, %arg8: memref<1000x128xf32, #tpu.memory_space<vmem>>) attributes {dimension_semantics = [#tpu.dimension_semantics<arbitrary>], iteration_bounds = array<i64: 10>, scalar_prefetch = 0 : i64, scratch_operands = 0 : i64, tpu.core_type = #tpu.core_type<tc>, window_params = [{transform_indices = @transform_0, window_bounds = array<i64: 2, 1000, 128>}, {transform_indices = @transform_1, window_bounds = array<i64: 2, 1000, 128>}, {transform_indices = @transform_2, window_bounds = array<i64: 1000, 128>}, {pipeline_mode = #tpu.pipeline_mode<synchronous>, transform_indices = @transform_3, window_bounds = array<i64: 1, 128>}, {pipeline_mode = #tpu.pipeline_mode<synchronous>, transform_indices = @transform_4, window_bounds = array<i64: 128, 128>}, {pipeline_mode = #tpu.pipeline_mode<synchronous>, transform_indices = @transform_5, window_bounds = array<i64: 128, 128>}, {transform_indices = @transform_6, window_bounds = array<i64: 1000, 128>}, {transform_indices = @transform_7, window_bounds = array<i64: 1000, 128>}]} {
    %get3A = arith.constant 0 : index
    %get3A_0 = arith.constant 0 : index
    %get3A_1 = arith.constant 0 : index
    %get3A_2 = vector.load %arg1[%get3A, %get3A_0, %get3A_1] : memref<2x1000x128xf32, #tpu.memory_space<vmem>>, vector<1x1000x128xf32>
    %get3A_3 = vector.shape_cast %get3A_2 : vector<1x1000x128xf32> to vector<1000x128xf32>
    %get3A_4 = arith.constant 1 : index
    %get3A_5 = arith.constant 0 : index
    %get3A_6 = arith.constant 0 : index
    %get3A_7 = vector.load %arg1[%get3A_4, %get3A_5, %get3A_6] : memref<2x1000x128xf32, #tpu.memory_space<vmem>>, vector<1x1000x128xf32>
    %get3A_8 = vector.shape_cast %get3A_7 : vector<1x1000x128xf32> to vector<1000x128xf32>
    %add3A = arith.addf %get3A_3, %get3A_8 : vector<1000x128xf32>
    %get3A_9 = arith.constant 0 : index
    %get3A_10 = arith.constant 0 : index
    %get3A_11 = arith.constant 0 : index
    %get3A_12 = vector.load %arg2[%get3A_9, %get3A_10, %get3A_11] : memref<2x1000x128xf32, #tpu.memory_space<vmem>>, vector<1x1000x1xf32>
    %get3A_13 = vector.shape_cast %get3A_12 : vector<1x1000x1xf32> to vector<1000x1xf32>
    %get3A_14 = arith.constant 1 : index
    %get3A_15 = arith.constant 0 : index
    %get3A_16 = arith.constant 0 : index
    %get3A_17 = vector.load %arg2[%get3A_14, %get3A_15, %get3A_16] : memref<2x1000x128xf32, #tpu.memory_space<vmem>>, vector<1x1000x1xf32>
    %get3A_18 = vector.shape_cast %get3A_17 : vector<1x1000x1xf32> to vector<1000x1xf32>
    %add3A_19 = arith.addf %get3A_13, %get3A_18 : vector<1000x1xf32>
    %max3A = arith.constant 1.000000e+00 : f32
    %max3A_20 = vector.broadcast %max3A : f32 to vector<1000x1xf32>
    %max3A_21 = arith.maximumf %add3A_19, %max3A_20 : vector<1000x1xf32>
    %div3A = arith.constant 1.000000e+00 : f32
    %div3A_22 = vector.broadcast %div3A : f32 to vector<1000x1xf32>
    %div3A_23 = arith.divf %div3A_22, %max3A_21 : vector<1000x1xf32>
    %mul3A = vector.broadcast %div3A_23 : vector<1000x1xf32> to vector<1000x128xf32>
    %mul3A_24 = arith.mulf %add3A, %mul3A : vector<1000x128xf32>
    %get3A_25 = arith.constant 0 : index
    %get3A_26 = arith.constant 0 : index
    %get3A_27 = vector.load %arg4[%get3A_25, %get3A_26] : memref<1x128xf32, #tpu.memory_space<vmem>>, vector<1x128xf32>
    %add3A_28 = vector.broadcast %get3A_27 : vector<1x128xf32> to vector<1000x128xf32>
    %add3A_29 = arith.addf %mul3A_24, %add3A_28 : vector<1000x128xf32>
    %get3A_30 = arith.constant 0 : index
    %get3A_31 = arith.constant 0 : index
    %get3A_32 = vector.load %arg3[%get3A_30, %get3A_31] : memref<1000x128xf32, #tpu.memory_space<vmem>>, vector<1000x128xf32>
    %add3A_33 = arith.addf %add3A_29, %get3A_32 : vector<1000x128xf32>
    %max3A_34 = arith.constant 0.000000e+00 : f32
    %max3A_35 = vector.broadcast %max3A_34 : f32 to vector<1000x128xf32>
    %max3A_36 = arith.maximumf %add3A_33, %max3A_35 : vector<1000x128xf32>
    %get3A_37 = arith.constant 0 : index
    %get3A_38 = arith.constant 0 : index
    %get3A_39 = vector.load %arg5[%get3A_37, %get3A_38] : memref<128x128xf32, #tpu.memory_space<vmem>>, vector<128x128xf32>
    %dot_general3A = arith.constant dense<0.000000e+00> : vector<1000x128xf32>
    %dot_general3A_40 = tpu.matmul %max3A_36, %get3A_39, %dot_general3A {dimension_numbers = #tpu.dot_dimension_numbers<[1], [0], [0], [1], [0, 0, 1, 1], [], []>, transpose_lhs_hint = false} : vector<1000x128xf32>, vector<128x128xf32>, vector<1000x128xf32> -> vector<1000x128xf32>
    %swap3A = arith.constant 0 : index
    %swap3A_41 = arith.constant 0 : index
    %swap3A_42 = vector.load %arg7[%swap3A, %swap3A_41] : memref<1000x128xf32, #tpu.memory_space<vmem>>, vector<1000x128xf32>
    tpu.vector_store %arg7[%swap3A, %swap3A_41], %dot_general3A_40 {strides = array<i32>} : memref<1000x128xf32, #tpu.memory_space<vmem>>, vector<1000x128xf32>,
    %get3A_43 = arith.constant 0 : index
    %get3A_44 = arith.constant 0 : index
    %get3A_45 = vector.load %arg6[%get3A_43, %get3A_44] : memref<128x128xf32, #tpu.memory_space<vmem>>, vector<128x128xf32>
    %dot_general3A_46 = arith.constant dense<0.000000e+00> : vector<1000x128xf32>
    %dot_general3A_47 = tpu.matmul %max3A_36, %get3A_45, %dot_general3A_46 {dimension_numbers = #tpu.dot_dimension_numbers<[1], [0], [0], [1], [0, 0, 1, 1], [], []>, transpose_lhs_hint = false} : vector<1000x128xf32>, vector<128x128xf32>, vector<1000x128xf32> -> vector<1000x128xf32>
    %swap3A_48 = arith.constant 0 : index
    %swap3A_49 = arith.constant 0 : index
    %swap3A_50 = vector.load %arg8[%swap3A_48, %swap3A_49] : memref<1000x128xf32, #tpu.memory_space<vmem>>, vector<1000x128xf32>
    tpu.vector_store %arg8[%swap3A_48, %swap3A_49], %dot_general3A_47 {strides = array<i32>} : memref<1000x128xf32, #tpu.memory_space<vmem>>, vector<1000x128xf32>,
    return
  }
  func.func @transform_0(%arg0: i32) -> (i32, i32, i32) {
    %c0_i32 = arith.constant 0 : i32
    %c0_i32_0 = arith.constant 0 : i32
    %c0_i32_1 = arith.constant 0 : i32
    return %c0_i32, %arg0, %c0_i32_0 : i32, i32, i32
  }
  func.func @transform_1(%arg0: i32) -> (i32, i32, i32) {
    %c0_i32 = arith.constant 0 : i32
    %c0_i32_0 = arith.constant 0 : i32
    %c0_i32_1 = arith.constant 0 : i32
    return %c0_i32, %arg0, %c0_i32_0 : i32, i32, i32
  }
  func.func @transform_2(%arg0: i32) -> (i32, i32) {
    %c0_i32 = arith.constant 0 : i32
    %c0_i32_0 = arith.constant 0 : i32
    return %arg0, %c0_i32 : i32, i32
  }
  func.func @transform_3(%arg0: i32) -> (i32, i32) {
    %c0_i32 = arith.constant 0 : i32
    %c0_i32_0 = arith.constant 0 : i32
    %c0_i32_1 = arith.constant 0 : i32
    return %c0_i32, %c0_i32_0 : i32, i32
  }
  func.func @transform_4(%arg0: i32) -> (i32, i32) {
    %c0_i32 = arith.constant 0 : i32
    %c0_i32_0 = arith.constant 0 : i32
    %c0_i32_1 = arith.constant 0 : i32
    return %c0_i32, %c0_i32_0 : i32, i32
  }
  func.func @transform_5(%arg0: i32) -> (i32, i32) {
    %c0_i32 = arith.constant 0 : i32
    %c0_i32_0 = arith.constant 0 : i32
    %c0_i32_1 = arith.constant 0 : i32
    return %c0_i32, %c0_i32_0 : i32, i32
  }
  func.func @transform_6(%arg0: i32) -> (i32, i32) {
    %c0_i32 = arith.constant 0 : i32
    %c0_i32_0 = arith.constant 0 : i32
    return %arg0, %c0_i32 : i32, i32
  }
  func.func @transform_7(%arg0: i32) -> (i32, i32) {
    %c0_i32 = arith.constant 0 : i32
    %c0_i32_0 = arith.constant 0 : i32
    return %arg0, %c0_i32 : i32, i32
  }
}

module attributes {stable_mosaic.version = 14 : i64} {
  func.func @_fin_body(%arg0: i32, %arg1: memref<2x1000x128xf32, #tpu.memory_space<vmem>>, %arg2: memref<2x1000x128xf32, #tpu.memory_space<vmem>>, %arg3: memref<1000x128xf32, #tpu.memory_space<vmem>>, %arg4: memref<1x128xf32, #tpu.memory_space<vmem>>, %arg5: memref<128x128xf32, #tpu.memory_space<vmem>>, %arg6: memref<1x128xf32, #tpu.memory_space<vmem>>, %arg7: memref<1000x128xf32, #tpu.memory_space<vmem>>) attributes {dimension_semantics = [#tpu.dimension_semantics<arbitrary>], iteration_bounds = array<i64: 10>, scalar_prefetch = 0 : i64, scratch_operands = 0 : i64, tpu.core_type = #tpu.core_type<tc>, window_params = [{transform_indices = @transform_0, window_bounds = array<i64: 2, 1000, 128>}, {transform_indices = @transform_1, window_bounds = array<i64: 2, 1000, 128>}, {transform_indices = @transform_2, window_bounds = array<i64: 1000, 128>}, {pipeline_mode = #tpu.pipeline_mode<synchronous>, transform_indices = @transform_3, window_bounds = array<i64: 1, 128>}, {pipeline_mode = #tpu.pipeline_mode<synchronous>, transform_indices = @transform_4, window_bounds = array<i64: 128, 128>}, {pipeline_mode = #tpu.pipeline_mode<synchronous>, transform_indices = @transform_5, window_bounds = array<i64: 1, 128>}, {transform_indices = @transform_6, window_bounds = array<i64: 1000, 128>}]} {
    %get3A = arith.constant 0 : index
    %get3A_0 = arith.constant 0 : index
    %get3A_1 = arith.constant 0 : index
    %get3A_2 = vector.load %arg1[%get3A, %get3A_0, %get3A_1] : memref<2x1000x128xf32, #tpu.memory_space<vmem>>, vector<1x1000x128xf32>
    %get3A_3 = vector.shape_cast %get3A_2 : vector<1x1000x128xf32> to vector<1000x128xf32>
    %get3A_4 = arith.constant 1 : index
    %get3A_5 = arith.constant 0 : index
    %get3A_6 = arith.constant 0 : index
    %get3A_7 = vector.load %arg1[%get3A_4, %get3A_5, %get3A_6] : memref<2x1000x128xf32, #tpu.memory_space<vmem>>, vector<1x1000x128xf32>
    %get3A_8 = vector.shape_cast %get3A_7 : vector<1x1000x128xf32> to vector<1000x128xf32>
    %add3A = arith.addf %get3A_3, %get3A_8 : vector<1000x128xf32>
    %get3A_9 = arith.constant 0 : index
    %get3A_10 = arith.constant 0 : index
    %get3A_11 = arith.constant 0 : index
    %get3A_12 = vector.load %arg2[%get3A_9, %get3A_10, %get3A_11] : memref<2x1000x128xf32, #tpu.memory_space<vmem>>, vector<1x1000x1xf32>
    %get3A_13 = vector.shape_cast %get3A_12 : vector<1x1000x1xf32> to vector<1000x1xf32>
    %get3A_14 = arith.constant 1 : index
    %get3A_15 = arith.constant 0 : index
    %get3A_16 = arith.constant 0 : index
    %get3A_17 = vector.load %arg2[%get3A_14, %get3A_15, %get3A_16] : memref<2x1000x128xf32, #tpu.memory_space<vmem>>, vector<1x1000x1xf32>
    %get3A_18 = vector.shape_cast %get3A_17 : vector<1x1000x1xf32> to vector<1000x1xf32>
    %add3A_19 = arith.addf %get3A_13, %get3A_18 : vector<1000x1xf32>
    %max3A = arith.constant 1.000000e+00 : f32
    %max3A_20 = vector.broadcast %max3A : f32 to vector<1000x1xf32>
    %max3A_21 = arith.maximumf %add3A_19, %max3A_20 : vector<1000x1xf32>
    %div3A = arith.constant 1.000000e+00 : f32
    %div3A_22 = vector.broadcast %div3A : f32 to vector<1000x1xf32>
    %div3A_23 = arith.divf %div3A_22, %max3A_21 : vector<1000x1xf32>
    %mul3A = vector.broadcast %div3A_23 : vector<1000x1xf32> to vector<1000x128xf32>
    %mul3A_24 = arith.mulf %add3A, %mul3A : vector<1000x128xf32>
    %get3A_25 = arith.constant 0 : index
    %get3A_26 = arith.constant 0 : index
    %get3A_27 = vector.load %arg4[%get3A_25, %get3A_26] : memref<1x128xf32, #tpu.memory_space<vmem>>, vector<1x128xf32>
    %add3A_28 = vector.broadcast %get3A_27 : vector<1x128xf32> to vector<1000x128xf32>
    %add3A_29 = arith.addf %mul3A_24, %add3A_28 : vector<1000x128xf32>
    %get3A_30 = arith.constant 0 : index
    %get3A_31 = arith.constant 0 : index
    %get3A_32 = vector.load %arg3[%get3A_30, %get3A_31] : memref<1000x128xf32, #tpu.memory_space<vmem>>, vector<1000x128xf32>
    %add3A_33 = arith.addf %add3A_29, %get3A_32 : vector<1000x128xf32>
    %max3A_34 = arith.constant 0.000000e+00 : f32
    %max3A_35 = vector.broadcast %max3A_34 : f32 to vector<1000x128xf32>
    %max3A_36 = arith.maximumf %add3A_33, %max3A_35 : vector<1000x128xf32>
    %get3A_37 = arith.constant 0 : index
    %get3A_38 = arith.constant 0 : index
    %get3A_39 = vector.load %arg5[%get3A_37, %get3A_38] : memref<128x128xf32, #tpu.memory_space<vmem>>, vector<128x128xf32>
    %dot_general3A = arith.constant dense<0.000000e+00> : vector<1000x128xf32>
    %dot_general3A_40 = tpu.matmul %max3A_36, %get3A_39, %dot_general3A {dimension_numbers = #tpu.dot_dimension_numbers<[1], [0], [0], [1], [0, 0, 1, 1], [], []>, transpose_lhs_hint = false} : vector<1000x128xf32>, vector<128x128xf32>, vector<1000x128xf32> -> vector<1000x128xf32>
    %get3A_41 = arith.constant 0 : index
    %get3A_42 = arith.constant 0 : index
    %get3A_43 = vector.load %arg6[%get3A_41, %get3A_42] : memref<1x128xf32, #tpu.memory_space<vmem>>, vector<1x128xf32>
    %add3A_44 = vector.broadcast %get3A_43 : vector<1x128xf32> to vector<1000x128xf32>
    %add3A_45 = arith.addf %dot_general3A_40, %add3A_44 : vector<1000x128xf32>
    %swap3A = arith.constant 0 : index
    %swap3A_46 = arith.constant 0 : index
    %swap3A_47 = vector.load %arg7[%swap3A, %swap3A_46] : memref<1000x128xf32, #tpu.memory_space<vmem>>, vector<1000x128xf32>
    tpu.vector_store %arg7[%swap3A, %swap3A_46], %add3A_45 {strides = array<i32>} : memref<1000x128xf32, #tpu.memory_space<vmem>>, vector<1000x128xf32>,
    return
  }
  func.func @transform_0(%arg0: i32) -> (i32, i32, i32) {
    %c0_i32 = arith.constant 0 : i32
    %c0_i32_0 = arith.constant 0 : i32
    %c0_i32_1 = arith.constant 0 : i32
    return %c0_i32, %arg0, %c0_i32_0 : i32, i32, i32
  }
  func.func @transform_1(%arg0: i32) -> (i32, i32, i32) {
    %c0_i32 = arith.constant 0 : i32
    %c0_i32_0 = arith.constant 0 : i32
    %c0_i32_1 = arith.constant 0 : i32
    return %c0_i32, %arg0, %c0_i32_0 : i32, i32, i32
  }
  func.func @transform_2(%arg0: i32) -> (i32, i32) {
    %c0_i32 = arith.constant 0 : i32
    %c0_i32_0 = arith.constant 0 : i32
    return %arg0, %c0_i32 : i32, i32
  }
  func.func @transform_3(%arg0: i32) -> (i32, i32) {
    %c0_i32 = arith.constant 0 : i32
    %c0_i32_0 = arith.constant 0 : i32
    %c0_i32_1 = arith.constant 0 : i32
    return %c0_i32, %c0_i32_0 : i32, i32
  }
  func.func @transform_4(%arg0: i32) -> (i32, i32) {
    %c0_i32 = arith.constant 0 : i32
    %c0_i32_0 = arith.constant 0 : i32
    %c0_i32_1 = arith.constant 0 : i32
    return %c0_i32, %c0_i32_0 : i32, i32
  }
  func.func @transform_5(%arg0: i32) -> (i32, i32) {
    %c0_i32 = arith.constant 0 : i32
    %c0_i32_0 = arith.constant 0 : i32
    %c0_i32_1 = arith.constant 0 : i32
    return %c0_i32, %c0_i32_0 : i32, i32
  }
  func.func @transform_6(%arg0: i32) -> (i32, i32) {
    %c0_i32 = arith.constant 0 : i32
    %c0_i32_0 = arith.constant 0 : i32
    return %arg0, %c0_i32 : i32, i32
  }
}

</mosaic_0001>

<sc_bundles>
// kernel: kernel.10.cloned.1.call-start
scs
__scs_entry_jumppad:
0x0: {  	(pc) =	sbr.rel $0x88, $3  }
0x1: {  	(tag) =	ssettag $0x0;
	lr =	simm.s32 $0x1  }
0x2: {  	[smem:$0x3F92] =	sst lr;
	_ =	strace $0xD0000000  }
0x3: {  	_ = 	snop  }
0x4: {  	_ = 	snop  }
0x5: {  	_ = 	snop  }
0x6: {  	_ = 	snop  }
0x7: {  	_ = 	snop  }
__scs_overlays_trampoline_lowered:
0x8: {  	[smem:$0x3FA1] =	sst s0  }
0x9: {  	[smem:$0x3FA2] =	sst s1  }
0xa: {  	[smem:$0x3FA3] =	sst s2  }
0xb: {  	[smem:$0x3FA4] =	sst s3  }
0xc: {  	[smem:$0x3FA5] =	sst s4  }
0xd: {  	[smem:$0x3FA6] =	sst s5  }
0xe: {  	[smem:$0x3FA7] =	sst s6  }
0xf: {  	[smem:$0x3FA8] =	sst s7  }
0x10: {  	[smem:$0x3FA9] =	sst s8  }
0x11: {  	[smem:$0x3FAA] =	sst s9;
	s0 =	simm.s32 @!p0 $0x0  }
0x12: {  	s1 =	sld [smem:$0x3F90];
	s0 =	simm.s32 @p0 $0x1  }
0x13: {  	[smem:$0x3FAB] =	sst s0;
	s0 =	simm.s32 @!p1 $0x0  }
0x14: {  	s2 =	sld [smem:$0x3F8F];
	s0 =	simm.s32 @p1 $0x1  }
0x15: {  	[smem:$0x3FAC] =	sst s0;
	s0 =	simm.s32 @!p2 $0x0  }
0x16: {  	s3 =	sld [smem:$0x3FDB];
	s0 =	simm.s32 @p2 $0x1  }
0x17: {  	s4 =	simm.s32 $0x1BF5;
	[smem:$0x3FAE] =	sst s0  }
0x18: {  	s0 =	sld [smem:$0x3F91];
	_ =	swait.ge [sflag:s4], $0x0  }
0x19: {  	s7 =	sld [smem:$0x3F92]  }
0x1a: {  	s8 =	sadd.s32 $0xFFFFE003, lr  }
0x1b: {  	s9 =	sadd.s32 $0xFFFFFEF7, lr;
	s5 =	simm.s32 $0xFFFFFFFF;
	p2 =	slt.u32 s8, $0xFFFFF086  }
0x1c: {  	p1 =	slt.u32 s9, $0xF7A;
	s5 =	simm.s32 @!p2 $0x0  }
0x1d: {  	s5 =	simm.s32 @p1 $0x1;
	p0 =	seq.s32 s7, s2  }
0x1e: {  	s7 =	smul.u32 @!p0 $0xF7A, s2;
	p2 =	seq.s32 @!p0 s5, $0x0  }
0x1f: {  	s9 =	smul.u32 $0xF7A, s1;
	s8 =	simm.s32 @!p0 $0x1BF5;
	p2 =	por !p2, p0  }
0x20: {  	[sflag:s8] =	ssyncset.s32 @!p0 $0xFFFFF086;
	s6 =	sadd.s32 @!p0 s3, s7;
	s7 =	simm.s32 @!p0 $0x108  }
0x21: {  	s3 =	sadd.s32 s3, s9;
	s6 =	sadd.s32 @!p0 $0x88, s6;
	s7 =	simm.s32 @p2 $0x1082  }
0x22: {  	[simem:s7], [sflag:s8] =	dma.local @!p0 [hbm:s6], $0xF7A  }
0x23: {  	s9 =	sor.u32 $0xD0000000, s2;
	s6 =	simm.s32 $0x108;
	_ =	swait.ge @!p0 [sflag:s8], $0x0  }
0x24: {  	s3 =	sadd.s32 $0x88, s3;
	s6 =	simm.s32 @!p1 $0x1082;
	[sflag:s4] =	ssyncset.s32 $0xFFFFF086  }
0x25: {  	[simem:s6], [sflag:s4] =	dma.local [hbm:s3], $0xF7A  }
0x26: {  	[smem:$0x3F92] =	sst s1;
	(tag) =	ssettag s2;
	_ =	strace s9  }
0x27: {  	s1 =	sld [smem:$0x3FA2]  }
0x28: {  	s2 =	sld [smem:$0x3FA3]  }
0x29: {  	s4 =	sld [smem:$0x3FA5]  }
0x2a: {  	p0 =	seq.s32 s5, $0x0;
	s5 =	sld [smem:$0x3FA6]  }
0x2b: {  	s6 =	sld [smem:$0x3FA7]  }
0x2c: {  	s7 =	sld [smem:$0x3FA8]  }
0x2d: {  	s3 =	simm.s32 $0x108;
	s8 =	sld [smem:$0x3FA9]  }
0x2e: {  	s3 =	simm.s32 @!p0 $0x1082;
	s9 =	sld [smem:$0x3FAA]  }
0x2f: {  	lr =	sadd.s32 s0, s3;
	s0 =	sld [smem:$0x3FA1]  }
0x30: {  	s3 =	sld [smem:$0x3FA4]  }
0x31: {  	[smem:$0x3FAD] =	sst s10  }
0x32: {  	s10 =	sld [smem:$0x3FAB];
	_ =	sdelay $0x3  }
0x33: {  	p0 =	seq.s32 s10, $0x1;
	s10 =	sld [smem:$0x3FAD];
	_ =	sdelay $0x3  }
0x34: {  	[smem:$0x3FAD] =	sst s10  }
0x35: {  	s10 =	sld [smem:$0x3FAC];
	_ =	sdelay $0x3  }
0x36: {  	p1 =	seq.s32 s10, $0x1;
	s10 =	sld [smem:$0x3FAD];
	_ =	sdelay $0x3  }
0x37: {  	[smem:$0x3FAD] =	sst s10  }
0x38: {  	s10 =	sld [smem:$0x3FAE]  }
0x39: {  	_ = 	snop;
	(pc) =	sbr.ind lr, $3  }
0x3a: {  	_ = 	snop  }
0x3b: {  	_ = 	snop  }
0x3c: {  	p2 =	seq.s32 s10, $0x1;
	s10 =	sld [smem:$0x3FAD]  }
0x3d: {  	_ =	shalt  }
0x3e: {  	_ =	shalt  }
0x3f: {  	_ =	shalt  }
0x40: {  	_ =	shalt  }
0x41: {  	_ =	shalt  }
0x42: {  	_ =	shalt  }
0x43: {  	_ =	shalt  }
0x44: {  	_ =	shalt  }
0x45: {  	_ =	shalt  }
0x46: {  	_ =	shalt  }
0x47: {  	_ =	shalt  }
0x48: {  	_ =	shalt  }
0x49: {  	_ =	shalt  }
0x4a: {  	_ =	shalt  }
0x4b: {  	_ =	shalt  }
0x4c: {  	_ =	shalt  }
0x4d: {  	_ =	shalt  }
0x4e: {  	_ =	shalt  }
0x4f: {  	_ =	shalt  }
0x50: {  	_ =	shalt  }
0x51: {  	_ =	shalt  }
0x52: {  	_ =	shalt  }
0x53: {  	_ =	shalt  }
0x54: {  	_ =	shalt  }
0x55: {  	_ =	shalt  }
0x56: {  	_ =	shalt  }
0x57: {  	_ =	shalt  }
0x58: {  	_ =	shalt  }
0x59: {  	_ =	shalt  }
0x5a: {  	_ =	shalt  }
0x5b: {  	_ =	shalt  }
0x5c: {  	_ =	shalt  }
0x5d: {  	_ =	shalt  }
0x5e: {  	_ =	shalt  }
0x5f: {  	_ =	shalt  }
0x60: {  	_ =	shalt  }
0x61: {  	_ =	shalt  }
0x62: {  	_ =	shalt  }
0x63: {  	_ =	shalt  }
0x64: {  	_ =	shalt  }
0x65: {  	_ =	shalt  }
0x66: {  	_ =	shalt  }
0x67: {  	_ =	shalt  }
0x68: {  	_ =	shalt  }
0x69: {  	_ =	shalt  }
0x6a: {  	_ =	shalt  }
0x6b: {  	_ =	shalt  }
0x6c: {  	_ =	shalt  }
0x6d: {  	_ =	shalt  }
0x6e: {  	_ =	shalt  }
0x6f: {  	_ =	shalt  }
0x70: {  	_ =	shalt  }
0x71: {  	_ =	shalt  }
0x72: {  	_ =	shalt  }
0x73: {  	_ =	shalt  }
0x74: {  	_ =	shalt  }
0x75: {  	_ =	shalt  }
0x76: {  	_ =	shalt  }
0x77: {  	_ =	shalt  }
0x78: {  	_ =	shalt  }
0x79: {  	_ =	shalt  }
0x7a: {  	_ =	shalt  }
0x7b: {  	_ =	shalt  }
0x7c: {  	_ =	shalt  }
0x7d: {  	_ =	shalt  }
0x7e: {  	_ =	shalt  }
0x7f: {  	_ =	shalt  }
0x80: {  	_ =	shalt  }
0x81: {  	_ =	shalt  }
0x82: {  	_ =	shalt  }
0x83: {  	_ =	shalt  }
0x84: {  	_ =	shalt  }
0x85: {  	_ =	shalt  }
0x86: {  	_ =	shalt  }
0x87: {  	_ =	shalt  }
.Lfunc_end0:
.L_simem_size_0:
called_computation_lowered:
.L_overlay_start_0:
0x88: {  	s2 =	sld [smem:$0x3FD9]  }
0x89: {  	s3 =	sld [smem:$0x3FFE];
	_ =	sdelay $0x1  }
0x8a: {  	s1 =	srdreg.scid  }
0x8b: {  	s0 =	sand.u32 $0x1, s1  }
0x8c: {  	s17 =	sshll.u32 s0, $0xA;
	s2 =	sadd.s32 s3, s2  }
0x8d: {  	s2 =	sadd.s32 s2, s17  }
0x8e: {  	[smem:$0x3FB9] =	sst s2  }
0x8f: {  	_ = 	snop  }
0x90: {  	s18 =	sld [smem:$0x3FD0];
	(tm) =	ssettm $0x1  }
0x91: {  	s19 =	sld [smem:$0x3FFB];
	_ =	sdelay $0x3  }
0x92: {  	_ =	strace s19  }
0x93: {  	s2 =	sld [smem:$0x3FFC];
	_ =	sdelay $0x3  }
0x94: {  	_ =	strace s2  }
0x95: {  	s2 =	sld [smem:$0x3FFD];
	_ =	sdelay $0x3  }
0x96: {  	_ =	strace s2  }
0x97: {  	_ =	strace $0x8FFFFFFF  }
0x98: {  	s20 =	sld [smem:$0x3FDB];
	_ =	sdelay $0x1  }
0x99: {  	s4 =	simm.s32 $_scs_section_size  }
0x9a: {  	s5 =	simm.s32 $_size__tile_overlayer_lowered;
	s6 =	simm.s32 $_tile_overlayer_lowered  }
0x9b: {  	s7 =	simm.s32 $0x1BFF;
	s21 =	sshll.u32 s6, $0x1;
	s4 =	sadd.s32 s4, s20  }
0x9c: {  	s22 =	simm.s32 $0x0;
	s5 =	sshll.u32 s5, $0x1;
	s6 =	sadd.s32 s21, s4  }
0x9d: {  	[timem:s22], [sflag:s7] =	dma.local [hbm:s6], s5  }
0x9e: {  	_ =	swait.ge [sflag:s7], s5  }
0x9f: {  	s5 =	ssub.s32 $0x0, s5;
	[sflag:s7] =	ssyncset.done $0x0  }
0xa0: {  	[sflag:s7] =	ssyncadd.s32 s5;
	_ =	sdelay $0x1  }
0xa1: {  	s23 =	simm.s32 $0x1B8B  }
0xa2: {  	_ =	swait.ge [sflag:s23], $0x1  }
0xa3: {  	[sflag:s23] =	ssyncset.done $0x0  }
0xa4: {  	[sflag:s23] =	ssyncadd.s32 $0xFFFFFFFF  }
0xa5: {  	s5 =	sld [smem:$0x0]  }
0xa6: {  	s6 =	sand.u32 $0xFFFFFFFE, s1  }
0xa7: {  	p0 =	sne.s32 s1, s6  }
0xa8: {  	s6 =	sshll.u32 @p0 s6, $0xE  }
0xa9: {  	s6 =	sadd.s32 @p0 $0x11B8D, s6;
	s7 =	sshll.u32 @p0 s5, $0x11  }
0xaa: {  	s6 =	sor.u32 @p0 s7, s6  }
0xab: {  	[sflag:s6] =	ssyncadd.remote.s32 @p0 $0x1;
	_ =	sdelay $0x1  }
0xac: {  	s6 =	simm.s32 @p0 $0x1B8D  }
0xad: {  	_ =	swait.eq @p0 [sflag:s6], $0x1  }
0xae: {  	[sflag:s6] =	ssyncadd.s32 @p0 $0xFFFFFFFF  }
0xaf: {  	s7 =	sshll.u32 @!p0 s1, $0xE  }
0xb0: {  	s7 =	sor.u32 @!p0 $0x4000, s7;
	s6 =	simm.s32 @!p0 $0x1B8D  }
0xb1: {  	s5 =	sshll.u32 @!p0 s5, $0x11;
	s7 =	sadd.s32 @!p0 $0x11B8D, s7;
	_ =	swait.eq @!p0 [sflag:s6], $0x1  }
0xb2: {  	s5 =	sor.u32 @!p0 s5, s7;
	[sflag:s6] =	ssyncadd.s32 @!p0 $0xFFFFFFFF  }
0xb3: {  	s25 =	simm.s32 $0x1B8E;
	s24 =	sld [smem:$0x3FFE];
	[sflag:s5] =	ssyncadd.remote.s32 @!p0 $0x1  }
0xb4: {  	s26 =	simm.s32 $execute0_lowered;
	[smem:$0x3FD2] =	sst s25  }
0xb5: {  	s6 =	sshll.u32 s26, $0x1;
	_ =	strace $0x80000049;
	[dreg:$0x1] =	wrdreg $0xFFFFFFFF  }
0xb6: {  	s28 =	simm.s32 $_size_execute0_lowered;
	s4 =	sadd.s32 s4, s6;
	[dreg:$0x0] =	wrdreg $0x0  }
0xb7: {  	s6 =	sshll.u32 s28, $0x1;
	[dreg:$0x2] =	wrdreg s4  }
0xb8: {  	[dreg:$0x3] =	wrdreg s6  }
0xb9: {  	[dreg:$0x4] =	wrdreg $0xC0  }
0xba: {  	_ =	task [dreg:s22], $0x5FFFF  }
0xbb: {  	[dreg:$0x1] =	wrdreg $0xFFFFFFFF  }
0xbc: {  	[dreg:$0x0] =	wrdreg $0x60  }
0xbd: {  	[dreg:$0x2] =	wrdreg s18  }
0xbe: {  	[dreg:$0x3] =	wrdreg s24  }
0xbf: {  	[dreg:$0x4] =	wrdreg $0x0  }
0xc0: {  	[dreg:$0x5] =	wrdreg $0x9  }
0xc1: {  	_ =	task.clear_ibuf [dreg:s22], $0x6FFFF;
	_ =	strace $0x90000049  }
0xc2: {  	s29 =	simm.s32 $0x9;
	_ =	strace $0x8000004B  }
0xc3: {  	_ =	swait.ge [sflag:s29], $0x1  }
0xc4: {  	[sflag:s29] =	ssyncadd.s32 $0xFFFFFFFF  }
0xc5: {  	_ =	strace $0x9000004B  }
0xc6: {  	_ =	sfence  }
0xc7: {  	s30 =	sld [smem:$0x0];
	_ =	sdelay $0x2  }
0xc8: {  	s31 =	sshll.u32 s1, $0xD;
	s1 =	sshrl.u32 s1, $0x2  }
0xc9: {  	s4 =	sand.u32 $0x4000, s31;
	s1 =	sadd.s32 s1, s30  }
0xca: {  	s0 =	sor.u32 s4, s0;
	s1 =	sshll.u32 s1, $0x11  }
0xcb: {  	s0 =	sor.u32 s1, s0  }
0xcc: {  	s0 =	sadd.s32 $0x8F2B, s0  }
0xcd: {  	[sflag:s0] =	ssyncadd.remote.s32 $0x1  }
0xce: {  	_ =	sfence.sel $0xFFFF  }
0xcf: {  	[dreg:$0x0] =	wrdreg $0xFFFFFFFF;
	(pc) =	sbr.abs _section_cstart, $3  }
0xd0: {  	[dreg:$0x1] =	wrdreg $0xFFFFFFFF  }
0xd1: {  	_ =	task.clear_ibuf [dreg:s22], $0x2FFFF;
	_ =	strace $0x9FFFFFFF  }
0xd2: {  	(tm) =	ssettm $0x7FFFFFFF  }
0xd3: {  	_ =	shalt  }
tec
execute0_lowered:
.L_overlay_start_1:
0x0: {  	(tag) =	ssettag $0x1  }
0x1: {  	s0 =	rddreg [dreg:$0x0]  }
0x2: {  	s1 =	rddreg [dreg:$0x1]  }
0x3: {  	s2 =	rddreg [dreg:$0x2];
	s12 =	stileid.u32;
	s3 =	simm.s32 $0x0  }
0x4: {  	s5 =	srdreg.scid;
	s13 =	simm.s32 $0x13C00;
	s14 =	simm.s32 $0x80  }
0x5: {  	s15 =	simm.s32 $0x13C80;
	s16 =	simm.s32 $0x13D00;
	s17 =	simm.s32 $0x13D80  }
0x6: {  	s18 =	simm.s32 $0x13E00;
	s28 =	simm.s32 $0x14280;
	s29 =	simm.s32 $0x14300  }
0x7: {  	s30 =	simm.s32 $0x14380;
	s31 =	simm.s32 $0x0;
	s4 =	smul.u32 $0x13C00, s12  }
0x8: {  	[smem:$0x7FF] =	sst s3;
	s5 =	sand.u32 $0x1, s5;
	s19 =	smul.u32 $0x4F000, s12  }
0x9: {  	s8 =	sadd.s32 $0xC8E00, s1;
	s10 =	smul.u32 $0x2800, s12;
	s23 =	sshll.u32 s12, $0x6  }
0xa: {  	s12 =	simm.s32 $0x14400;
	_ =	strace $0x8000004A;
	s7 =	smul.u32 $0x13C000, s5  }
0xb: {  	[dreg:$0x4] =	wrdreg s8;
	s20 =	ssub.s32 $0x2, s5;
	s5 =	smul.u32 $0x28000, s5  }
0xc: {  	s6 =	sshrl.u32 s4, $0x3;
	s9 =	sshrl.u32 s20, $0x1;
	s22 =	sshrl.u32 s19, $0x2  }
0xd: {  	s19 =	simm.s32 $0x13E80;
	s6 =	sadd.s32 s6, s1;
	s4 =	sadd.s32 s4, s7  }
0xe: {  	s21 =	ssub.s32 s20, s9;
	s11 =	sadd.s32 s22, s2;
	s24 =	sadd.s32 s10, s5  }
0xf: {  	s20 =	simm.s32 $0x13F00;
	s22 =	simm.s32 $0x14000;
	s4 =	sshrl.u32 s4, $0x3  }
0x10: {  	s25 =	sadd.s32 $0x52600, s6;
	s6 =	sor.u32 $0x1C01, s23;
	s26 =	sshrl.u32 s24, $0x3  }
0x11: {  	s8 =	smax.u32 s21, $0x1;
	s10 =	sshrl.u32 s11, $0x3;
	s11 =	simm.s32 $0x1  }
0x12: {  	s21 =	simm.s32 $0x13F80;
	s23 =	simm.s32 $0x14080;
	s24 =	simm.s32 $0x14100  }
0x13: {  	s1 =	sadd.s32 s4, s1;
	[dreg:$0x5] =	wrdreg s25;
	s9 =	sadd.s32 s26, s0  }
0x14: {  	s25 =	simm.s32 $0x14180;
	s26 =	simm.s32 $0x14200;
	s7 =	sadd.s32 $0xC9600, s1  }
.LBB2_1:
0x15: {  	s0 =	rddreg [dreg:$0x5]  }
0x16: {  	[spmem:s10], [sflag:s6] =	dma.local [hbm:s0], $0x2780  }
0x17: {  	_ =	swait.ge [sflag:s11], $0x2780  }
0x18: {  	[sflag:s11] =	ssyncset.done $0x0  }
0x19: {  	s4 =	rddreg [dreg:$0x4];
	[sflag:s11] =	ssyncadd.s32 $0xFFFFD880  }
0x1a: {  	[tilespmem:s12], [sflag:$0x1] =	stream.linear.gather [hbm4b:s4+s3], $0x4000, $0x38;
	[tilespmem:$0x18400] =	vst v63  }
0x1b: {  	_ =	swait.ge [sflag:s11], $0x4000  }
0x1c: {  	[sflag:s11] =	ssyncset.done $0x0  }
0x1d: {  	[sflag:s11] =	ssyncadd.s32 $0xFFFFC000  }
0x1e: {  	s5 =	sadd.s32 $0x0, s9;
	[bflag:$0x0] =	sbarrier.arrive $0xFFFF  }
0x1f: {  	[tilespmem:s13], [sflag:$0x1] =	stream.linear.gather [hbm4b:s5+s3], $0x800, $0x38;
	[tilespmem:$0x18400] =	vst v63  }
0x20: {  	_ =	swait.ge [sflag:s11], $0x800  }
0x21: {  	[sflag:s11] =	ssyncset.done $0x0  }
0x22: {  	[sflag:s11] =	ssyncadd.s32 $0xFFFFF800  }
0x23: {  	[spmem:s2] =	stream.indirect.scatter.add.f32 [tilespmem:s12], [sflag:$0x1], $0x80, s13, s14, $0xb8;
	[tilespmem:$0x18400] =	vst v63  }
0x24: {  	_ =	swait.ge [sflag:s11], $0x4000  }
0x25: {  	[sflag:s11] =	ssyncset.done $0x0  }
0x26: {  	[sflag:s11] =	ssyncadd.s32 $0xFFFFC000  }
0x27: {  	[spmem:s2] =	stream.indirect.scatter.add.f32 [tilespmem:s12], [sflag:$0x1], $0x80, s15, s14, $0xb8;
	[tilespmem:$0x18400] =	vst v63  }
0x28: {  	_ =	swait.ge [sflag:s11], $0x4000  }
0x29: {  	[sflag:s11] =	ssyncset.done $0x0  }
0x2a: {  	[sflag:s11] =	ssyncadd.s32 $0xFFFFC000  }
0x2b: {  	[spmem:s2] =	stream.indirect.scatter.add.f32 [tilespmem:s12], [sflag:$0x1], $0x80, s16, s14, $0xb8;
	[tilespmem:$0x18400] =	vst v63  }
0x2c: {  	_ =	swait.ge [sflag:s11], $0x4000  }
0x2d: {  	[sflag:s11] =	ssyncset.done $0x0  }
0x2e: {  	[sflag:s11] =	ssyncadd.s32 $0xFFFFC000  }
0x2f: {  	[spmem:s2] =	stream.indirect.scatter.add.f32 [tilespmem:s12], [sflag:$0x1], $0x80, s17, s14, $0xb8;
	[tilespmem:$0x18400] =	vst v63  }
0x30: {  	_ =	swait.ge [sflag:s11], $0x4000  }
0x31: {  	[sflag:s11] =	ssyncset.done $0x0  }
0x32: {  	[sflag:s11] =	ssyncadd.s32 $0xFFFFC000  }
0x33: {  	[spmem:s2] =	stream.indirect.scatter.add.f32 [tilespmem:s12], [sflag:$0x1], $0x80, s18, s14, $0xb8;
	[tilespmem:$0x18400] =	vst v63  }
0x34: {  	_ =	swait.ge [sflag:s11], $0x4000  }
0x35: {  	[sflag:s11] =	ssyncset.done $0x0  }
0x36: {  	[sflag:s11] =	ssyncadd.s32 $0xFFFFC000  }
0x37: {  	[spmem:s2] =	stream.indirect.scatter.add.f32 [tilespmem:s12], [sflag:$0x1], $0x80, s19, s14, $0xb8;
	[tilespmem:$0x18400] =	vst v63  }
0x38: {  	_ =	swait.ge [sflag:s11], $0x4000  }
0x39: {  	[sflag:s11] =	ssyncset.done $0x0  }
0x3a: {  	[sflag:s11] =	ssyncadd.s32 $0xFFFFC000  }
0x3b: {  	[spmem:s2] =	stream.indirect.scatter.add.f32 [tilespmem:s12], [sflag:$0x1], $0x80, s20, s14, $0xb8;
	[tilespmem:$0x18400] =	vst v63  }
0x3c: {  	_ =	swait.ge [sflag:s11], $0x4000  }
0x3d: {  	[sflag:s11] =	ssyncset.done $0x0  }
0x3e: {  	[sflag:s11] =	ssyncadd.s32 $0xFFFFC000  }
0x3f: {  	[spmem:s2] =	stream.indirect.scatter.add.f32 [tilespmem:s12], [sflag:$0x1], $0x80, s21, s14, $0xb8;
	[tilespmem:$0x18400] =	vst v63  }
0x40: {  	_ =	swait.ge [sflag:s11], $0x4000  }
0x41: {  	[sflag:s11] =	ssyncset.done $0x0  }
0x42: {  	[sflag:s11] =	ssyncadd.s32 $0xFFFFC000  }
0x43: {  	[spmem:s2] =	stream.indirect.scatter.add.f32 [tilespmem:s12], [sflag:$0x1], $0x80, s22, s14, $0xb8;
	[tilespmem:$0x18400] =	vst v63  }
0x44: {  	_ =	swait.ge [sflag:s11], $0x4000  }
0x45: {  	[sflag:s11] =	ssyncset.done $0x0  }
0x46: {  	[sflag:s11] =	ssyncadd.s32 $0xFFFFC000  }
0x47: {  	[spmem:s2] =	stream.indirect.scatter.add.f32 [tilespmem:s12], [sflag:$0x1], $0x80, s23, s14, $0xb8;
	[tilespmem:$0x18400] =	vst v63  }
0x48: {  	_ =	swait.ge [sflag:s11], $0x4000  }
0x49: {  	[sflag:s11] =	ssyncset.done $0x0  }
0x4a: {  	[sflag:s11] =	ssyncadd.s32 $0xFFFFC000  }
0x4b: {  	[spmem:s2] =	stream.indirect.scatter.add.f32 [tilespmem:s12], [sflag:$0x1], $0x80, s24, s14, $0xb8;
	[tilespmem:$0x18400] =	vst v63  }
0x4c: {  	_ =	swait.ge [sflag:s11], $0x4000  }
0x4d: {  	[sflag:s11] =	ssyncset.done $0x0  }
0x4e: {  	[sflag:s11] =	ssyncadd.s32 $0xFFFFC000  }
0x4f: {  	[spmem:s2] =	stream.indirect.scatter.add.f32 [tilespmem:s12], [sflag:$0x1], $0x80, s25, s14, $0xb8;
	[tilespmem:$0x18400] =	vst v63  }
0x50: {  	_ =	swait.ge [sflag:s11], $0x4000  }
0x51: {  	[sflag:s11] =	ssyncset.done $0x0  }
0x52: {  	[sflag:s11] =	ssyncadd.s32 $0xFFFFC000  }
0x53: {  	[spmem:s2] =	stream.indirect.scatter.add.f32 [tilespmem:s12], [sflag:$0x1], $0x80, s26, s14, $0xb8;
	[tilespmem:$0x18400] =	vst v63  }
0x54: {  	_ =	swait.ge [sflag:s11], $0x4000  }
0x55: {  	[sflag:s11] =	ssyncset.done $0x0  }
0x56: {  	[sflag:s11] =	ssyncadd.s32 $0xFFFFC000  }
0x57: {  	[spmem:s2] =	stream.indirect.scatter.add.f32 [tilespmem:s12], [sflag:$0x1], $0x80, s28, s14, $0xb8;
	[tilespmem:$0x18400] =	vst v63  }
0x58: {  	_ =	swait.ge [sflag:s11], $0x4000  }
0x59: {  	[sflag:s11] =	ssyncset.done $0x0  }
0x5a: {  	[sflag:s11] =	ssyncadd.s32 $0xFFFFC000  }
0x5b: {  	[spmem:s2] =	stream.indirect.scatter.add.f32 [tilespmem:s12], [sflag:$0x1], $0x80, s29, s14, $0xb8;
	[tilespmem:$0x18400] =	vst v63  }
0x5c: {  	_ =	swait.ge [sflag:s11], $0x4000  }
0x5d: {  	[sflag:s11] =	ssyncset.done $0x0  }
0x5e: {  	[sflag:s11] =	ssyncadd.s32 $0xFFFFC000  }
0x5f: {  	[spmem:s2] =	stream.indirect.scatter.add.f32 [tilespmem:s12], [sflag:$0x1], $0x80, s30, s14, $0xb8;
	[tilespmem:$0x18400] =	vst v63  }
0x60: {  	_ =	swait.ge [sflag:s11], $0x4000  }
0x61: {  	s1 =	simm.s32 $0x200;
	s0 =	simm.s32 $0x100;
	[sflag:s11] =	ssyncset.done $0x0  }
.LBB2_2:
0x62: {  	s5 =	sadd.s32 s0, s9  }
0x63: {  	[sflag:s11] =	ssyncadd.s32 $0xFFFFC000;
	s0 =	smov.u32 s1;
	s4 =	sadd.s32 $0x100, s1  }
0x64: {  	[tilespmem:s13], [sflag:$0x1] =	stream.linear.gather [hbm4b:s5+s3], $0x800, $0x38;
	[tilespmem:$0x18400] =	vst v63  }
0x65: {  	p0 =	sne.s32 s1, $0x400;
	_ =	swait.ge [sflag:s11], $0x800  }
0x66: {  	[sflag:s11] =	ssyncset.done $0x0  }
0x67: {  	[sflag:s11] =	ssyncadd.s32 $0xFFFFF800  }
0x68: {  	[spmem:s2] =	stream.indirect.scatter.add.f32 [tilespmem:s12], [sflag:$0x1], $0x80, s13, s14, $0xb8;
	[tilespmem:$0x18400] =	vst v63  }
0x69: {  	_ =	swait.ge [sflag:s11], $0x4000  }
0x6a: {  	[sflag:s11] =	ssyncset.done $0x0  }
0x6b: {  	[sflag:s11] =	ssyncadd.s32 $0xFFFFC000  }
0x6c: {  	[spmem:s2] =	stream.indirect.scatter.add.f32 [tilespmem:s12], [sflag:$0x1], $0x80, s15, s14, $0xb8;
	[tilespmem:$0x18400] =	vst v63  }
0x6d: {  	_ =	swait.ge [sflag:s11], $0x4000  }
0x6e: {  	[sflag:s11] =	ssyncset.done $0x0  }
0x6f: {  	[sflag:s11] =	ssyncadd.s32 $0xFFFFC000  }
0x70: {  	[spmem:s2] =	stream.indirect.scatter.add.f32 [tilespmem:s12], [sflag:$0x1], $0x80, s16, s14, $0xb8;
	[tilespmem:$0x18400] =	vst v63  }
0x71: {  	_ =	swait.ge [sflag:s11], $0x4000  }
0x72: {  	[sflag:s11] =	ssyncset.done $0x0  }
0x73: {  	[sflag:s11] =	ssyncadd.s32 $0xFFFFC000  }
0x74: {  	[spmem:s2] =	stream.indirect.scatter.add.f32 [tilespmem:s12], [sflag:$0x1], $0x80, s17, s14, $0xb8;
	[tilespmem:$0x18400] =	vst v63  }
0x75: {  	_ =	swait.ge [sflag:s11], $0x4000  }
0x76: {  	[sflag:s11] =	ssyncset.done $0x0  }
0x77: {  	[sflag:s11] =	ssyncadd.s32 $0xFFFFC000  }
0x78: {  	[spmem:s2] =	stream.indirect.scatter.add.f32 [tilespmem:s12], [sflag:$0x1], $0x80, s18, s14, $0xb8;
	[tilespmem:$0x18400] =	vst v63  }
0x79: {  	_ =	swait.ge [sflag:s11], $0x4000  }
0x7a: {  	[sflag:s11] =	ssyncset.done $0x0  }
0x7b: {  	[sflag:s11] =	ssyncadd.s32 $0xFFFFC000  }
0x7c: {  	[spmem:s2] =	stream.indirect.scatter.add.f32 [tilespmem:s12], [sflag:$0x1], $0x80, s19, s14, $0xb8;
	[tilespmem:$0x18400] =	vst v63  }
0x7d: {  	_ =	swait.ge [sflag:s11], $0x4000  }
0x7e: {  	[sflag:s11] =	ssyncset.done $0x0  }
0x7f: {  	[sflag:s11] =	ssyncadd.s32 $0xFFFFC000  }
0x80: {  	[spmem:s2] =	stream.indirect.scatter.add.f32 [tilespmem:s12], [sflag:$0x1], $0x80, s20, s14, $0xb8;
	[tilespmem:$0x18400] =	vst v63  }
0x81: {  	_ =	swait.ge [sflag:s11], $0x4000  }
0x82: {  	[sflag:s11] =	ssyncset.done $0x0  }
0x83: {  	[sflag:s11] =	ssyncadd.s32 $0xFFFFC000  }
0x84: {  	[spmem:s2] =	stream.indirect.scatter.add.f32 [tilespmem:s12], [sflag:$0x1], $0x80, s21, s14, $0xb8;
	[tilespmem:$0x18400] =	vst v63  }
0x85: {  	_ =	swait.ge [sflag:s11], $0x4000  }
0x86: {  	[sflag:s11] =	ssyncset.done $0x0  }
0x87: {  	[sflag:s11] =	ssyncadd.s32 $0xFFFFC000  }
0x88: {  	[spmem:s2] =	stream.indirect.scatter.add.f32 [tilespmem:s12], [sflag:$0x1], $0x80, s22, s14, $0xb8;
	[tilespmem:$0x18400] =	vst v63  }
0x89: {  	_ =	swait.ge [sflag:s11], $0x4000  }
0x8a: {  	[sflag:s11] =	ssyncset.done $0x0  }
0x8b: {  	[sflag:s11] =	ssyncadd.s32 $0xFFFFC000  }
0x8c: {  	[spmem:s2] =	stream.indirect.scatter.add.f32 [tilespmem:s12], [sflag:$0x1], $0x80, s23, s14, $0xb8;
	[tilespmem:$0x18400] =	vst v63  }
0x8d: {  	_ =	swait.ge [sflag:s11], $0x4000  }
0x8e: {  	[sflag:s11] =	ssyncset.done $0x0  }
0x8f: {  	[sflag:s11] =	ssyncadd.s32 $0xFFFFC000  }
0x90: {  	[spmem:s2] =	stream.indirect.scatter.add.f32 [tilespmem:s12], [sflag:$0x1], $0x80, s24, s14, $0xb8;
	[tilespmem:$0x18400] =	vst v63  }
0x91: {  	_ =	swait.ge [sflag:s11], $0x4000  }
0x92: {  	[sflag:s11] =	ssyncset.done $0x0  }
0x93: {  	[sflag:s11] =	ssyncadd.s32 $0xFFFFC000  }
0x94: {  	[spmem:s2] =	stream.indirect.scatter.add.f32 [tilespmem:s12], [sflag:$0x1], $0x80, s25, s14, $0xb8;
	[tilespmem:$0x18400] =	vst v63  }
0x95: {  	_ =	swait.ge [sflag:s11], $0x4000  }
0x96: {  	[sflag:s11] =	ssyncset.done $0x0  }
0x97: {  	[sflag:s11] =	ssyncadd.s32 $0xFFFFC000  }
0x98: {  	[spmem:s2] =	stream.indirect.scatter.add.f32 [tilespmem:s12], [sflag:$0x1], $0x80, s26, s14, $0xb8;
	[tilespmem:$0x18400] =	vst v63  }
0x99: {  	_ =	swait.ge [sflag:s11], $0x4000  }
0x9a: {  	[sflag:s11] =	ssyncset.done $0x0  }
0x9b: {  	[sflag:s11] =	ssyncadd.s32 $0xFFFFC000  }
0x9c: {  	[spmem:s2] =	stream.indirect.scatter.add.f32 [tilespmem:s12], [sflag:$0x1], $0x80, s28, s14, $0xb8;
	[tilespmem:$0x18400] =	vst v63  }
0x9d: {  	_ =	swait.ge [sflag:s11], $0x4000  }
0x9e: {  	[sflag:s11] =	ssyncset.done $0x0  }
0x9f: {  	[sflag:s11] =	ssyncadd.s32 $0xFFFFC000  }
0xa0: {  	[spmem:s2] =	stream.indirect.scatter.add.f32 [tilespmem:s12], [sflag:$0x1], $0x80, s29, s14, $0xb8;
	[tilespmem:$0x18400] =	vst v63  }
0xa1: {  	_ =	swait.ge [sflag:s11], $0x4000  }
.Ltmp0:
0xa2: {  	[sflag:s11] =	ssyncset.done $0x0;
	(pc) =	sbr.rel @p0 .LBB2_2-.Ltmp0, $4  }
0xa3: {  	[sflag:s11] =	ssyncadd.s32 $0xFFFFC000  }
0xa4: {  	[spmem:s2] =	stream.indirect.scatter.add.f32 [tilespmem:s12], [sflag:$0x1], $0x80, s30, s14, $0xb8;
	[tilespmem:$0x18400] =	vst v63  }
0xa5: {  	_ =	swait.ge [sflag:s11], $0x4000  }
0xa6: {  	s1 =	smov.u32 s4;
	[sflag:s11] =	ssyncset.done $0x0  }
0xa7: {  	s0 =	sadd.s32 s0, s9;
	[sflag:s11] =	ssyncadd.s32 $0xFFFFC000  }
0xa8: {  	[tilespmem:s13], [sflag:$0x1] =	stream.linear.gather [hbm4b:s0+s3], $0x800, $0x38;
	[tilespmem:$0x18400] =	vst v63  }
0xa9: {  	_ =	swait.ge [sflag:s11], $0x800  }
0xaa: {  	[sflag:s11] =	ssyncset.done $0x0  }
0xab: {  	[sflag:s11] =	ssyncadd.s32 $0xFFFFF800  }
0xac: {  	[spmem:s2] =	stream.indirect.scatter.add.f32 [tilespmem:s12], [sflag:$0x1], $0x80, s13, s14, $0xb8;
	[tilespmem:$0x18400] =	vst v63  }
0xad: {  	_ =	swait.ge [sflag:s11], $0x4000  }
0xae: {  	[sflag:s11] =	ssyncset.done $0x0  }
0xaf: {  	[sflag:s11] =	ssyncadd.s32 $0xFFFFC000  }
0xb0: {  	[spmem:s2] =	stream.indirect.scatter.add.f32 [tilespmem:s12], [sflag:$0x1], $0x80, s15, s14, $0xb8;
	[tilespmem:$0x18400] =	vst v63  }
0xb1: {  	_ =	swait.ge [sflag:s11], $0x4000  }
0xb2: {  	[sflag:s11] =	ssyncset.done $0x0  }
0xb3: {  	[sflag:s11] =	ssyncadd.s32 $0xFFFFC000  }
0xb4: {  	[spmem:s2] =	stream.indirect.scatter.add.f32 [tilespmem:s12], [sflag:$0x1], $0x80, s16, s14, $0xb8;
	[tilespmem:$0x18400] =	vst v63  }
0xb5: {  	_ =	swait.ge [sflag:s11], $0x4000  }
0xb6: {  	[sflag:s11] =	ssyncset.done $0x0  }
0xb7: {  	[sflag:s11] =	ssyncadd.s32 $0xFFFFC000  }
0xb8: {  	[spmem:s2] =	stream.indirect.scatter.add.f32 [tilespmem:s12], [sflag:$0x1], $0x80, s17, s14, $0xb8;
	[tilespmem:$0x18400] =	vst v63  }
0xb9: {  	_ =	swait.ge [sflag:s11], $0x4000  }
0xba: {  	[sflag:s11] =	ssyncset.done $0x0  }
0xbb: {  	[sflag:s11] =	ssyncadd.s32 $0xFFFFC000  }
0xbc: {  	[spmem:s2] =	stream.indirect.scatter.add.f32 [tilespmem:s12], [sflag:$0x1], $0x80, s18, s14, $0xb8;
	[tilespmem:$0x18400] =	vst v63  }
0xbd: {  	_ =	swait.ge [sflag:s11], $0x4000  }
0xbe: {  	[sflag:s11] =	ssyncset.done $0x0  }
0xbf: {  	[sflag:s11] =	ssyncadd.s32 $0xFFFFC000  }
0xc0: {  	[spmem:s2] =	stream.indirect.scatter.add.f32 [tilespmem:s12], [sflag:$0x1], $0x80, s19, s14, $0xb8;
	[tilespmem:$0x18400] =	vst v63  }
0xc1: {  	_ =	swait.ge [sflag:s11], $0x4000  }
0xc2: {  	[sflag:s11] =	ssyncset.done $0x0  }
0xc3: {  	[sflag:s11] =	ssyncadd.s32 $0xFFFFC000  }
0xc4: {  	[spmem:s2] =	stream.indirect.scatter.add.f32 [tilespmem:s12], [sflag:$0x1], $0x80, s20, s14, $0xb8;
	[tilespmem:$0x18400] =	vst v63  }
0xc5: {  	_ =	swait.ge [sflag:s11], $0x4000  }
0xc6: {  	[sflag:s11] =	ssyncset.done $0x0  }
0xc7: {  	[sflag:s11] =	ssyncadd.s32 $0xFFFFC000  }
0xc8: {  	[spmem:s2] =	stream.indirect.scatter.add.f32 [tilespmem:s12], [sflag:$0x1], $0x80, s21, s14, $0xb8;
	[tilespmem:$0x18400] =	vst v63  }
0xc9: {  	_ =	swait.ge [sflag:s11], $0x4000  }
0xca: {  	[sflag:s11] =	ssyncset.done $0x0  }
0xcb: {  	[sflag:s11] =	ssyncadd.s32 $0xFFFFC000  }
0xcc: {  	[spmem:s2] =	stream.indirect.scatter.add.f32 [tilespmem:s12], [sflag:$0x1], $0x80, s22, s14, $0xb8;
	[tilespmem:$0x18400] =	vst v63  }
0xcd: {  	_ =	swait.ge [sflag:s11], $0x4000  }
0xce: {  	[sflag:s11] =	ssyncset.done $0x0  }
0xcf: {  	[sflag:s11] =	ssyncadd.s32 $0xFFFFC000  }
0xd0: {  	[spmem:s2] =	stream.indirect.scatter.add.f32 [tilespmem:s12], [sflag:$0x1], $0x80, s23, s14, $0xb8;
	[tilespmem:$0x18400] =	vst v63  }
0xd1: {  	_ =	swait.ge [sflag:s11], $0x4000  }
0xd2: {  	[sflag:s11] =	ssyncset.done $0x0  }
0xd3: {  	[sflag:s11] =	ssyncadd.s32 $0xFFFFC000  }
0xd4: {  	[spmem:s2] =	stream.indirect.scatter.add.f32 [tilespmem:s12], [sflag:$0x1], $0x80, s24, s14, $0xb8;
	[tilespmem:$0x18400] =	vst v63  }
0xd5: {  	_ =	swait.ge [sflag:s11], $0x4000  }
0xd6: {  	[sflag:s11] =	ssyncset.done $0x0  }
0xd7: {  	[sflag:s11] =	ssyncadd.s32 $0xFFFFC000  }
0xd8: {  	[spmem:s2] =	stream.indirect.scatter.add.f32 [tilespmem:s12], [sflag:$0x1], $0x80, s25, s14, $0xb8;
	[tilespmem:$0x18400] =	vst v63  }
0xd9: {  	_ =	swait.ge [sflag:s11], $0x4000  }
0xda: {  	[sflag:s11] =	ssyncset.done $0x0  }
0xdb: {  	[sflag:s11] =	ssyncadd.s32 $0xFFFFC000  }
0xdc: {  	[spmem:s2] =	stream.indirect.scatter.add.f32 [tilespmem:s12], [sflag:$0x1], $0x80, s26, s14, $0xb8;
	[tilespmem:$0x18400] =	vst v63  }
0xdd: {  	_ =	swait.ge [sflag:s11], $0x4000  }
0xde: {  	[sflag:s11] =	ssyncset.done $0x0  }
0xdf: {  	[sflag:s11] =	ssyncadd.s32 $0xFFFFC000  }
0xe0: {  	[spmem:s2] =	stream.indirect.scatter.add.f32 [tilespmem:s12], [sflag:$0x1], $0x80, s28, s14, $0xb8;
	[tilespmem:$0x18400] =	vst v63  }
0xe1: {  	_ =	swait.ge [sflag:s11], $0x4000  }
0xe2: {  	[sflag:s11] =	ssyncset.done $0x0  }
0xe3: {  	[sflag:s11] =	ssyncadd.s32 $0xFFFFC000  }
0xe4: {  	[spmem:s2] =	stream.indirect.scatter.add.f32 [tilespmem:s12], [sflag:$0x1], $0x80, s29, s14, $0xb8;
	[tilespmem:$0x18400] =	vst v63  }
0xe5: {  	_ =	swait.ge [sflag:s11], $0x4000  }
0xe6: {  	[sflag:s11] =	ssyncset.done $0x0  }
0xe7: {  	[sflag:s11] =	ssyncadd.s32 $0xFFFFC000  }
0xe8: {  	[spmem:s2] =	stream.indirect.scatter.add.f32 [tilespmem:s12], [sflag:$0x1], $0x80, s30, s14, $0xb8;
	[tilespmem:$0x18400] =	vst v63  }
0xe9: {  	_ =	swait.ge [sflag:s11], $0x4000  }
0xea: {  	s31 =	sadd.s32 $0x1, s31;
	[sflag:s11] =	ssyncset.done $0x0  }
0xeb: {  	p0 =	sne.s32 s31, s8;
	[sflag:s11] =	ssyncadd.s32 $0xFFFFC000  }
.Ltmp1:
0xec: {  	[bflag:$0x0] =	sbarrier.arrive $0xFFFF;
	(pc) =	sbr.rel @p0 .LBB2_1-.Ltmp1, $4  }
0xed: {  	[hbm:s7], [sflag:s6] =	dma.local [spmem:s10], $0x2780  }
0xee: {  	_ =	swait.ge [sflag:s11], $0x2780  }
0xef: {  	[sflag:s11] =	ssyncset.done $0x0  }
0xf0: {  	[sflag:s11] =	ssyncadd.s32 $0xFFFFD880  }
0xf1: {  	_ =	sfence.sel $0x180000  }
0xf2: {  	[bflag:$0x0] =	sbarrier.arrive $0xFFFF  }
0xf3: {  	_ =	strace $0x9000004A  }
0xf4: {  	s0 =	stileid.u32;
	[bflag:$0x2] =	sbarrier.arrive $0xFFFF  }
0xf5: {  	p0 =	sne.s32 s0, $0x0;
	s0 =	rddreg [dreg:$0x3]  }
0xf6: {  	s0 =	sadd.s32 @!p0 $0x100000, s0  }
0xf7: {  	[sflag:s0] =	ssyncadd.tile.s32 @!p0 $0x1;
	_ =	shalt  }
.Lfunc_end2:
_tile_overlayer_lowered:
.L_overlay_start_2:
0xf8: {  	(tag) =	ssettag $0x2  }
0xf9: {  	s0 =	rddreg [dreg:$0x0];
	s2 =	stileid.u32  }
0xfa: {  	s1 =	rddreg [dreg:$0x1];
	p0 =	sne.s32 s2, $0x0  }
0xfb: {  	s3 =	rddreg [dreg:$0x2];
	[bflag:$0x3] =	sbarrier.arrive $0xFFFF;
	s2 =	simm.s32 @!p0 $0x1C01  }
0xfc: {  	[timem:s3], [sflag:s2] =	dma.local @!p0 [hbm:s0], s1  }
0xfd: {  	s0 =	simm.s32 @!p0 $0x1  }
0xfe: {  	_ =	swait.ge @!p0 [sflag:s0], s1  }
0xff: {  	s1 =	ssub.s32 @!p0 $0x0, s1;
	[sflag:s0] =	ssyncset.done @!p0 $0x0  }
0x100: {  	[sflag:s0] =	ssyncadd.s32 @!p0 s1  }
0x101: {  	[bflag:$0x3] =	sbarrier.arrive $0xFFFF  }
0x102: {  	_ =	shalt  }

// kernel: kernel.13.cloned.1.call-start
scs
__scs_entry_jumppad:
0x0: {  	(pc) =	sbr.rel $0x88, $3  }
0x1: {  	(tag) =	ssettag $0x0;
	lr =	simm.s32 $0x1  }
0x2: {  	[smem:$0x3F92] =	sst lr;
	_ =	strace $0xD0000000  }
0x3: {  	_ = 	snop  }
0x4: {  	_ = 	snop  }
0x5: {  	_ = 	snop  }
0x6: {  	_ = 	snop  }
0x7: {  	_ = 	snop  }
__scs_overlays_trampoline_lowered:
0x8: {  	[smem:$0x3FA1] =	sst s0  }
0x9: {  	[smem:$0x3FA2] =	sst s1  }
0xa: {  	[smem:$0x3FA3] =	sst s2  }
0xb: {  	[smem:$0x3FA4] =	sst s3  }
0xc: {  	[smem:$0x3FA5] =	sst s4  }
0xd: {  	[smem:$0x3FA6] =	sst s5  }
0xe: {  	[smem:$0x3FA7] =	sst s6  }
0xf: {  	[smem:$0x3FA8] =	sst s7  }
0x10: {  	[smem:$0x3FA9] =	sst s8  }
0x11: {  	[smem:$0x3FAA] =	sst s9;
	s0 =	simm.s32 @!p0 $0x0  }
0x12: {  	s1 =	sld [smem:$0x3F90];
	s0 =	simm.s32 @p0 $0x1  }
0x13: {  	[smem:$0x3FAB] =	sst s0;
	s0 =	simm.s32 @!p1 $0x0  }
0x14: {  	s2 =	sld [smem:$0x3F8F];
	s0 =	simm.s32 @p1 $0x1  }
0x15: {  	[smem:$0x3FAC] =	sst s0;
	s0 =	simm.s32 @!p2 $0x0  }
0x16: {  	s3 =	sld [smem:$0x3FDB];
	s0 =	simm.s32 @p2 $0x1  }
0x17: {  	s4 =	simm.s32 $0x1BF5;
	[smem:$0x3FAE] =	sst s0  }
0x18: {  	s0 =	sld [smem:$0x3F91];
	_ =	swait.ge [sflag:s4], $0x0  }
0x19: {  	s7 =	sld [smem:$0x3F92]  }
0x1a: {  	s8 =	sadd.s32 $0xFFFFE003, lr  }
0x1b: {  	s9 =	sadd.s32 $0xFFFFFEF7, lr;
	s5 =	simm.s32 $0xFFFFFFFF;
	p2 =	slt.u32 s8, $0xFFFFF086  }
0x1c: {  	p1 =	slt.u32 s9, $0xF7A;
	s5 =	simm.s32 @!p2 $0x0  }
0x1d: {  	s5 =	simm.s32 @p1 $0x1;
	p0 =	seq.s32 s7, s2  }
0x1e: {  	s7 =	smul.u32 @!p0 $0xF7A, s2;
	p2 =	seq.s32 @!p0 s5, $0x0  }
0x1f: {  	s9 =	smul.u32 $0xF7A, s1;
	s8 =	simm.s32 @!p0 $0x1BF5;
	p2 =	por !p2, p0  }
0x20: {  	[sflag:s8] =	ssyncset.s32 @!p0 $0xFFFFF086;
	s6 =	sadd.s32 @!p0 s3, s7;
	s7 =	simm.s32 @!p0 $0x108  }
0x21: {  	s3 =	sadd.s32 s3, s9;
	s6 =	sadd.s32 @!p0 $0x88, s6;
	s7 =	simm.s32 @p2 $0x1082  }
0x22: {  	[simem:s7], [sflag:s8] =	dma.local @!p0 [hbm:s6], $0xF7A  }
0x23: {  	s9 =	sor.u32 $0xD0000000, s2;
	s6 =	simm.s32 $0x108;
	_ =	swait.ge @!p0 [sflag:s8], $0x0  }
0x24: {  	s3 =	sadd.s32 $0x88, s3;
	s6 =	simm.s32 @!p1 $0x1082;
	[sflag:s4] =	ssyncset.s32 $0xFFFFF086  }
0x25: {  	[simem:s6], [sflag:s4] =	dma.local [hbm:s3], $0xF7A  }
0x26: {  	[smem:$0x3F92] =	sst s1;
	(tag) =	ssettag s2;
	_ =	strace s9  }
0x27: {  	s1 =	sld [smem:$0x3FA2]  }
0x28: {  	s2 =	sld [smem:$0x3FA3]  }
0x29: {  	s4 =	sld [smem:$0x3FA5]  }
0x2a: {  	p0 =	seq.s32 s5, $0x0;
	s5 =	sld [smem:$0x3FA6]  }
0x2b: {  	s6 =	sld [smem:$0x3FA7]  }
0x2c: {  	s7 =	sld [smem:$0x3FA8]  }
0x2d: {  	s3 =	simm.s32 $0x108;
	s8 =	sld [smem:$0x3FA9]  }
0x2e: {  	s3 =	simm.s32 @!p0 $0x1082;
	s9 =	sld [smem:$0x3FAA]  }
0x2f: {  	lr =	sadd.s32 s0, s3;
	s0 =	sld [smem:$0x3FA1]  }
0x30: {  	s3 =	sld [smem:$0x3FA4]  }
0x31: {  	[smem:$0x3FAD] =	sst s10  }
0x32: {  	s10 =	sld [smem:$0x3FAB];
	_ =	sdelay $0x3  }
0x33: {  	p0 =	seq.s32 s10, $0x1;
	s10 =	sld [smem:$0x3FAD];
	_ =	sdelay $0x3  }
0x34: {  	[smem:$0x3FAD] =	sst s10  }
0x35: {  	s10 =	sld [smem:$0x3FAC];
	_ =	sdelay $0x3  }
0x36: {  	p1 =	seq.s32 s10, $0x1;
	s10 =	sld [smem:$0x3FAD];
	_ =	sdelay $0x3  }
0x37: {  	[smem:$0x3FAD] =	sst s10  }
0x38: {  	s10 =	sld [smem:$0x3FAE]  }
0x39: {  	_ = 	snop;
	(pc) =	sbr.ind lr, $3  }
0x3a: {  	_ = 	snop  }
0x3b: {  	_ = 	snop  }
0x3c: {  	p2 =	seq.s32 s10, $0x1;
	s10 =	sld [smem:$0x3FAD]  }
0x3d: {  	_ =	shalt  }
0x3e: {  	_ =	shalt  }
0x3f: {  	_ =	shalt  }
0x40: {  	_ =	shalt  }
0x41: {  	_ =	shalt  }
0x42: {  	_ =	shalt  }
0x43: {  	_ =	shalt  }
0x44: {  	_ =	shalt  }
0x45: {  	_ =	shalt  }
0x46: {  	_ =	shalt  }
0x47: {  	_ =	shalt  }
0x48: {  	_ =	shalt  }
0x49: {  	_ =	shalt  }
0x4a: {  	_ =	shalt  }
0x4b: {  	_ =	shalt  }
0x4c: {  	_ =	shalt  }
0x4d: {  	_ =	shalt  }
0x4e: {  	_ =	shalt  }
0x4f: {  	_ =	shalt  }
0x50: {  	_ =	shalt  }
0x51: {  	_ =	shalt  }
0x52: {  	_ =	shalt  }
0x53: {  	_ =	shalt  }
0x54: {  	_ =	shalt  }
0x55: {  	_ =	shalt  }
0x56: {  	_ =	shalt  }
0x57: {  	_ =	shalt  }
0x58: {  	_ =	shalt  }
0x59: {  	_ =	shalt  }
0x5a: {  	_ =	shalt  }
0x5b: {  	_ =	shalt  }
0x5c: {  	_ =	shalt  }
0x5d: {  	_ =	shalt  }
0x5e: {  	_ =	shalt  }
0x5f: {  	_ =	shalt  }
0x60: {  	_ =	shalt  }
0x61: {  	_ =	shalt  }
0x62: {  	_ =	shalt  }
0x63: {  	_ =	shalt  }
0x64: {  	_ =	shalt  }
0x65: {  	_ =	shalt  }
0x66: {  	_ =	shalt  }
0x67: {  	_ =	shalt  }
0x68: {  	_ =	shalt  }
0x69: {  	_ =	shalt  }
0x6a: {  	_ =	shalt  }
0x6b: {  	_ =	shalt  }
0x6c: {  	_ =	shalt  }
0x6d: {  	_ =	shalt  }
0x6e: {  	_ =	shalt  }
0x6f: {  	_ =	shalt  }
0x70: {  	_ =	shalt  }
0x71: {  	_ =	shalt  }
0x72: {  	_ =	shalt  }
0x73: {  	_ =	shalt  }
0x74: {  	_ =	shalt  }
0x75: {  	_ =	shalt  }
0x76: {  	_ =	shalt  }
0x77: {  	_ =	shalt  }
0x78: {  	_ =	shalt  }
0x79: {  	_ =	shalt  }
0x7a: {  	_ =	shalt  }
0x7b: {  	_ =	shalt  }
0x7c: {  	_ =	shalt  }
0x7d: {  	_ =	shalt  }
0x7e: {  	_ =	shalt  }
0x7f: {  	_ =	shalt  }
0x80: {  	_ =	shalt  }
0x81: {  	_ =	shalt  }
0x82: {  	_ =	shalt  }
0x83: {  	_ =	shalt  }
0x84: {  	_ =	shalt  }
0x85: {  	_ =	shalt  }
0x86: {  	_ =	shalt  }
0x87: {  	_ =	shalt  }
.Lfunc_end0:
.L_simem_size_0:
called_computation.1_lowered:
.L_overlay_start_0:
0x88: {  	s2 =	sld [smem:$0x3FD9]  }
0x89: {  	s3 =	sld [smem:$0x3FFE];
	_ =	sdelay $0x1  }
0x8a: {  	s1 =	srdreg.scid  }
0x8b: {  	s0 =	sand.u32 $0x1, s1  }
0x8c: {  	s16 =	sshll.u32 s0, $0xA;
	s2 =	sadd.s32 s3, s2  }
0x8d: {  	s2 =	sadd.s32 s2, s16  }
0x8e: {  	[smem:$0x3FB9] =	sst s2  }
0x8f: {  	_ = 	snop  }
0x90: {  	(tm) =	ssettm $0x1  }
0x91: {  	s17 =	sld [smem:$0x3FFB];
	_ =	sdelay $0x3  }
0x92: {  	_ =	strace s17  }
0x93: {  	s2 =	sld [smem:$0x3FFC];
	_ =	sdelay $0x3  }
0x94: {  	_ =	strace s2  }
0x95: {  	s2 =	sld [smem:$0x3FFD];
	_ =	sdelay $0x3  }
0x96: {  	_ =	strace s2  }
0x97: {  	_ =	strace $0x8FFFFFFF  }
0x98: {  	s18 =	sld [smem:$0x3FDB];
	_ =	sdelay $0x1  }
0x99: {  	s19 =	simm.s32 $_scs_section_size  }
0x9a: {  	s4 =	simm.s32 $_size__tile_overlayer_lowered;
	s5 =	simm.s32 $_tile_overlayer_lowered  }
0x9b: {  	s22 =	simm.s32 $0x1BFF;
	s21 =	sshll.u32 s5, $0x1;
	s2 =	sadd.s32 s19, s18  }
0x9c: {  	s6 =	simm.s32 $0x0;
	s20 =	sshll.u32 s4, $0x1;
	s4 =	sadd.s32 s21, s2  }
0x9d: {  	[timem:s6], [sflag:s22] =	dma.local [hbm:s4], s20  }
0x9e: {  	_ =	swait.ge [sflag:s22], s20  }
0x9f: {  	s3 =	ssub.s32 $0x0, s20;
	[sflag:s22] =	ssyncset.done $0x0  }
0xa0: {  	[sflag:s22] =	ssyncadd.s32 s3;
	_ =	sdelay $0x1  }
0xa1: {  	s23 =	simm.s32 $0x1B8B  }
0xa2: {  	_ =	swait.ge [sflag:s23], $0x1  }
0xa3: {  	[sflag:s23] =	ssyncset.done $0x0  }
0xa4: {  	s25 =	simm.s32 $0x1B8E;
	s24 =	sld [smem:$0x3FFE];
	[sflag:s23] =	ssyncadd.s32 $0xFFFFFFFF  }
0xa5: {  	s26 =	simm.s32 $execute0_lowered;
	[smem:$0x3FD2] =	sst s25  }
0xa6: {  	s4 =	sshll.u32 s26, $0x1;
	_ =	strace $0x80000046;
	[dreg:$0x1] =	wrdreg $0xFFFFFFFF  }
0xa7: {  	s28 =	simm.s32 $_size_execute0_lowered;
	s2 =	sadd.s32 s2, s4;
	[dreg:$0x0] =	wrdreg $0x0  }
0xa8: {  	s4 =	sshll.u32 s28, $0x1;
	[dreg:$0x2] =	wrdreg s2  }
0xa9: {  	[dreg:$0x3] =	wrdreg s4  }
0xaa: {  	[dreg:$0x4] =	wrdreg $0xC0  }
0xab: {  	_ =	task [dreg:s6], $0x5FFFF  }
0xac: {  	[dreg:$0x1] =	wrdreg $0xFFFFFFFF  }
0xad: {  	[dreg:$0x0] =	wrdreg $0x60  }
0xae: {  	[dreg:$0x2] =	wrdreg s24  }
0xaf: {  	[dreg:$0x3] =	wrdreg $0x0  }
0xb0: {  	[dreg:$0x4] =	wrdreg $0xA  }
0xb1: {  	_ =	task.clear_ibuf [dreg:s6], $0x5FFFF;
	_ =	strace $0x90000046  }
0xb2: {  	s29 =	simm.s32 $0xA;
	_ =	strace $0x80000048  }
0xb3: {  	_ =	swait.ge [sflag:s29], $0x1  }
0xb4: {  	[sflag:s29] =	ssyncadd.s32 $0xFFFFFFFF  }
0xb5: {  	_ =	strace $0x90000048  }
0xb6: {  	_ =	sfence  }
0xb7: {  	s30 =	sld [smem:$0x0];
	_ =	sdelay $0x2  }
0xb8: {  	s31 =	sshll.u32 s1, $0xD;
	s1 =	sshrl.u32 s1, $0x2  }
0xb9: {  	s3 =	sand.u32 $0x4000, s31;
	s1 =	sadd.s32 s1, s30  }
0xba: {  	s0 =	sor.u32 s3, s0;
	s1 =	sshll.u32 s1, $0x11  }
0xbb: {  	s0 =	sor.u32 s1, s0  }
0xbc: {  	s0 =	sadd.s32 $0x8F2B, s0  }
0xbd: {  	[sflag:s0] =	ssyncadd.remote.s32 $0x1  }
0xbe: {  	_ =	sfence.sel $0xFFFF  }
0xbf: {  	[dreg:$0x0] =	wrdreg $0xFFFFFFFF;
	(pc) =	sbr.abs _section_cstart, $3  }
0xc0: {  	[dreg:$0x1] =	wrdreg $0xFFFFFFFF  }
0xc1: {  	_ =	task.clear_ibuf [dreg:s6], $0x2FFFF;
	_ =	strace $0x9FFFFFFF  }
0xc2: {  	(tm) =	ssettm $0x7FFFFFFF  }
0xc3: {  	_ =	shalt  }
tec
execute0_lowered:
.L_overlay_start_1:
0x0: {  	(tag) =	ssettag $0x1  }
0x1: {  	s0 =	rddreg [dreg:$0x0]  }
0x2: {  	s2 =	rddreg [dreg:$0x1]  }
0x3: {  	s11 =	stileid.u32;
	s1 =	srdreg.scid  }
0x4: {  	s3 =	simm.s32 $0x0;
	s13 =	simm.s32 $0x3;
	s14 =	simm.s32 $0x13C00  }
0x5: {  	s15 =	simm.s32 $0x14C00;
	s16 =	simm.s32 $0x40;
	s17 =	simm.s32 $0x15C00  }
0x6: {  	s18 =	simm.s32 $0x13C80;
	s19 =	simm.s32 $0x17C00;
	s20 =	simm.s32 $0x1  }
0x7: {  	s21 =	simm.s32 $0x13D00;
	s28 =	simm.s32 $0x2;
	s29 =	simm.s32 $0x13E00  }
0x8: {  	s30 =	simm.s32 $0x14D80;
	s31 =	simm.s32 $0x13E80;
	s7 =	smul.u32 $0x13C00, s11  }
0x9: {  	s1 =	sand.u32 $0x1, s1;
	[smem:$0x7FF] =	sst s3;
	s4 =	sadd.s32 $0x2B400, s0  }
0xa: {  	s5 =	sadd.s32 $0x17400, s0;
	s6 =	sadd.s32 $0x3400, s0;
	s10 =	smul.u32 $0x4F000, s11  }
0xb: {  	s25 =	sshll.u32 s11, $0x6;
	s8 =	smul.u32 $0x13C000, s1;
	_ =	strace $0x80000047  }
0xc: {  	s22 =	ssub.s32 $0x2, s1;
	s1 =	sshll.u32 s1, $0x4;
	s9 =	sshrl.u32 s7, $0x3  }
0xd: {  	s23 =	sshrl.u32 s22, $0x1;
	s24 =	sshrl.u32 s10, $0x2;
	s1 =	sor.u32 s11, s1  }
0xe: {  	s7 =	sadd.s32 s7, s8;
	s9 =	sadd.s32 s9, s0;
	s10 =	sadd.s32 s24, s2  }
0xf: {  	s8 =	sor.u32 $0x1C03, s25;
	s24 =	simm.s32 $0x13D80;
	s25 =	simm.s32 $0x1BC00  }
.Ltmp0:
0x10: {  	s7 =	sshrl.u32 s7, $0x3;
	s9 =	sadd.s32 $0x52600, s9;
	(pc) =	sbr.rel .LBB2_1-.Ltmp0, $4  }
0x11: {  	s12 =	sshrl.u32 s10, $0x3;
	s0 =	sadd.s32 s7, s0;
	s7 =	ssub.s32 s22, s23  }
0x12: {  	[dreg:$0x3] =	wrdreg s9;
	s9 =	smul.u32 $0x5000, s1;
	s0 =	sadd.s32 $0x79E00, s0  }
0x13: {  	s22 =	simm.s32 $0x19C00;
	s26 =	smax.u32 s7, $0x1;
	[dreg:$0x4] =	wrdreg s0  }
0x14: {  	s23 =	simm.s32 $0x14C80;
	[dreg:$0x5] =	wrdreg s26;
	s26 =	simm.s32 $0x14D00  }
.LBB2_6:
0x15: {  	[bflag:$0x0] =	sbarrier.arrive $0xFFFF  }
0x16: {  	s0 =	rddreg [dreg:$0x4]  }
0x17: {  	[hbm:s0], [sflag:s8] =	dma.local [spmem:s12], $0x2780  }
0x18: {  	_ =	swait.ge [sflag:s13], $0x2780  }
0x19: {  	s3 =	sadd.s32 $0x1, s3;
	s11 =	rddreg [dreg:$0x5]  }
0x1a: {  	p0 =	sne.s32 s3, s11  }
.Ltmp1:
0x1b: {  	_ = 	snop;
	(pc) =	sbr.rel @!p0 .LBB2_7-.Ltmp1, $3  }
0x1c: {  	_ =	sdelay $0x1  }
0x1d: {  	[sflag:s13] =	ssyncset.done $0x0  }
0x1e: {  	[sflag:s13] =	ssyncadd.s32 $0xFFFFD880  }
.LBB2_1:
0x1f: {  	s0 =	rddreg [dreg:$0x3]  }
0x20: {  	[spmem:s12], [sflag:s8] =	dma.local [hbm:s0], $0x2780  }
.Ltmp2:
0x21: {  	_ =	swait.ge [sflag:s13], $0x2780;
	(pc) =	sbr.rel .LBB2_2-.Ltmp2, $4  }
0x22: {  	[sflag:s13] =	ssyncset.done $0x0  }
0x23: {  	[sflag:s13] =	ssyncadd.s32 $0xFFFFD880  }
0x24: {  	[bflag:$0x0] =	sbarrier.arrive $0xFFFF  }
0x25: {  	s0 =	simm.s32 $0x0  }
.LBB2_5:
0x26: {  	_ =	swait.ge [sflag:s20], $0x2000  }
0x27: {  	[sflag:s20] =	ssyncset.done $0x0  }
0x28: {  	[sflag:s20] =	ssyncadd.s32 $0xFFFFE000  }
0x29: {  	[spmem:s2] =	stream.indirect.scatter.add.f32 [tilespmem:s25], [sflag:$0x2], $0x80, s10, s16, $0xb8;
	[tilespmem:$0x1DC00] =	vst v63  }
0x2a: {  	_ =	swait.ge [sflag:s28], $0x2000  }
0x2b: {  	[sflag:s28] =	ssyncset.done $0x0  }
0x2c: {  	s0 =	sadd.s32 $0x1, s0;
	[sflag:s28] =	ssyncadd.s32 $0xFFFFE000  }
0x2d: {  	p0 =	sne.s32 s0, $0x5;
	_ =	swait.ge [sflag:s28], $0x2000  }
.Ltmp3:
0x2e: {  	[sflag:s28] =	ssyncset.done $0x0;
	(pc) =	sbr.rel @!p0 .LBB2_6-.Ltmp3, $4  }
0x2f: {  	[sflag:s28] =	ssyncadd.s32 $0xFFFFE000  }
0x30: {  	_ =	swait.ge [sflag:s28], $0x2000  }
0x31: {  	[sflag:s28] =	ssyncset.done $0x0  }
0x32: {  	[sflag:s28] =	ssyncadd.s32 $0xFFFFE000  }
.LBB2_2:
0x33: {  	s1 =	sshll.u32 s0, $0xC  }
0x34: {  	s1 =	sadd.s32 s9, s1  }
0x35: {  	s7 =	sshrl.u32 s1, $0x3  }
0x36: {  	s1 =	simm.s32 $0x0;
	s10 =	sadd.s32 s5, s7  }
0x37: {  	[tilespmem:s14], [sflag:$0x3] =	stream.linear.gather [hbm4b:s10+s1], $0x1000, $0x38;
	[tilespmem:$0x1DC00] =	vst v63  }
0x38: {  	_ =	swait.ge [sflag:s13], $0x1000  }
0x39: {  	[sflag:s13] =	ssyncset.done $0x0  }
0x3a: {  	s7 =	sadd.s32 s6, s7;
	[sflag:s13] =	ssyncadd.s32 $0xFFFFF000  }
0x3b: {  	[tilespmem:s15], [sflag:$0x3] =	stream.linear.gather [hbm4b:s7+s1], $0x1000, $0x38;
	[tilespmem:$0x1DC00] =	vst v63  }
0x3c: {  	_ =	swait.ge [sflag:s13], $0x1000  }
0x3d: {  	[sflag:s13] =	ssyncset.done $0x0  }
0x3e: {  	[sflag:s13] =	ssyncadd.s32 $0xFFFFF000  }
0x3f: {  	[tilespmem:s17], [sflag:$0x1] =	stream.indirect.gather [hbm4b:s4+s16], $0x80, s14, s16, $0xb8;
	[tilespmem:$0x1DC00] =	vst v63  }
0x40: {  	_ = 	snop  }
0x41: {  	[tilespmem:s19], [sflag:$0x1] =	stream.indirect.gather [hbm4b:s4+s16], $0x80, s18, s16, $0xb8;
	[tilespmem:$0x1DC00] =	vst v63  }
0x42: {  	_ =	swait.ge [sflag:s20], $0x2000  }
0x43: {  	[sflag:s20] =	ssyncset.done $0x0  }
0x44: {  	[sflag:s20] =	ssyncadd.s32 $0xFFFFE000  }
0x45: {  	[spmem:s2] =	stream.indirect.scatter.add.f32 [tilespmem:s17], [sflag:$0x2], $0x80, s15, s16, $0xb8;
	[tilespmem:$0x1DC00] =	vst v63  }
0x46: {  	_ = 	snop  }
0x47: {  	[tilespmem:s22], [sflag:$0x1] =	stream.indirect.gather [hbm4b:s4+s16], $0x80, s21, s16, $0xb8;
	[tilespmem:$0x1DC00] =	vst v63  }
0x48: {  	_ =	swait.ge [sflag:s20], $0x2000  }
0x49: {  	[sflag:s20] =	ssyncset.done $0x0  }
0x4a: {  	[sflag:s20] =	ssyncadd.s32 $0xFFFFE000  }
0x4b: {  	[spmem:s2] =	stream.indirect.scatter.add.f32 [tilespmem:s19], [sflag:$0x2], $0x80, s23, s16, $0xb8;
	[tilespmem:$0x1DC00] =	vst v63  }
0x4c: {  	_ = 	snop  }
0x4d: {  	[tilespmem:s25], [sflag:$0x1] =	stream.indirect.gather [hbm4b:s4+s16], $0x80, s24, s16, $0xb8;
	[tilespmem:$0x1DC00] =	vst v63  }
0x4e: {  	_ =	swait.ge [sflag:s20], $0x2000  }
0x4f: {  	[sflag:s20] =	ssyncset.done $0x0  }
0x50: {  	[sflag:s20] =	ssyncadd.s32 $0xFFFFE000  }
0x51: {  	[spmem:s2] =	stream.indirect.scatter.add.f32 [tilespmem:s22], [sflag:$0x2], $0x80, s26, s16, $0xb8;
	[tilespmem:$0x1DC00] =	vst v63  }
0x52: {  	_ =	swait.ge [sflag:s28], $0x2000  }
0x53: {  	[sflag:s28] =	ssyncset.done $0x0  }
0x54: {  	[sflag:s28] =	ssyncadd.s32 $0xFFFFE000  }
0x55: {  	[tilespmem:s17], [sflag:$0x1] =	stream.indirect.gather [hbm4b:s4+s16], $0x80, s29, s16, $0xb8;
	[tilespmem:$0x1DC00] =	vst v63  }
0x56: {  	_ =	swait.ge [sflag:s20], $0x2000  }
0x57: {  	[sflag:s20] =	ssyncset.done $0x0  }
0x58: {  	[sflag:s20] =	ssyncadd.s32 $0xFFFFE000  }
0x59: {  	[spmem:s2] =	stream.indirect.scatter.add.f32 [tilespmem:s25], [sflag:$0x2], $0x80, s30, s16, $0xb8;
	[tilespmem:$0x1DC00] =	vst v63  }
0x5a: {  	_ =	swait.ge [sflag:s28], $0x2000  }
0x5b: {  	[sflag:s28] =	ssyncset.done $0x0  }
0x5c: {  	[sflag:s28] =	ssyncadd.s32 $0xFFFFE000  }
0x5d: {  	[tilespmem:s19], [sflag:$0x1] =	stream.indirect.gather [hbm4b:s4+s16], $0x80, s31, s16, $0xb8;
	[tilespmem:$0x1DC00] =	vst v63  }
.LBB2_3:
0x5e: {  	_ =	swait.ge [sflag:s20], $0x2000  }
0x5f: {  	s7 =	sshra.s32 s1, $0x2;
	[sflag:s20] =	ssyncset.done $0x0  }
0x60: {  	s10 =	sadd.s32 $0x14E00, s7;
	[sflag:s20] =	ssyncadd.s32 $0xFFFFE000  }
0x61: {  	[spmem:s2] =	stream.indirect.scatter.add.f32 [tilespmem:s17], [sflag:$0x2], $0x80, s10, s16, $0xb8;
	[tilespmem:$0x1DC00] =	vst v63  }
0x62: {  	_ =	swait.ge [sflag:s28], $0x2000  }
0x63: {  	[sflag:s28] =	ssyncset.done $0x0  }
0x64: {  	s11 =	sadd.s32 $0x13F00, s7;
	[sflag:s28] =	ssyncadd.s32 $0xFFFFE000  }
0x65: {  	[tilespmem:s22], [sflag:$0x1] =	stream.indirect.gather [hbm4b:s4+s16], $0x80, s11, s16, $0xb8;
	[tilespmem:$0x1DC00] =	vst v63  }
0x66: {  	_ =	swait.ge [sflag:s20], $0x2000  }
0x67: {  	[sflag:s20] =	ssyncset.done $0x0  }
0x68: {  	s11 =	sadd.s32 $0x14E80, s7;
	[sflag:s20] =	ssyncadd.s32 $0xFFFFE000  }
0x69: {  	[spmem:s2] =	stream.indirect.scatter.add.f32 [tilespmem:s19], [sflag:$0x2], $0x80, s11, s16, $0xb8;
	[tilespmem:$0x1DC00] =	vst v63  }
0x6a: {  	_ =	swait.ge [sflag:s28], $0x2000  }
0x6b: {  	[sflag:s28] =	ssyncset.done $0x0  }
0x6c: {  	s11 =	sadd.s32 $0x13F80, s7;
	[sflag:s28] =	ssyncadd.s32 $0xFFFFE000  }
0x6d: {  	[tilespmem:s25], [sflag:$0x1] =	stream.indirect.gather [hbm4b:s4+s16], $0x80, s11, s16, $0xb8;
	[tilespmem:$0x1DC00] =	vst v63  }
0x6e: {  	_ =	swait.ge [sflag:s20], $0x2000  }
0x6f: {  	p0 =	seq.s32 s1, $0x3000;
	[sflag:s20] =	ssyncset.done $0x0  }
.Ltmp4:
0x70: {  	s11 =	sadd.s32 $0x14F00, s7;
	[sflag:s20] =	ssyncadd.s32 $0xFFFFE000;
	(pc) =	sbr.rel @p0 .LBB2_5-.Ltmp4, $4  }
0x71: {  	[spmem:s2] =	stream.indirect.scatter.add.f32 [tilespmem:s22], [sflag:$0x2], $0x80, s11, s16, $0xb8;
	[tilespmem:$0x1DC00] =	vst v63  }
0x72: {  	_ =	swait.ge [sflag:s28], $0x2000  }
0x73: {  	[sflag:s28] =	ssyncset.done $0x0  }
0x74: {  	s10 =	sadd.s32 $0x14F80, s7;
	[sflag:s28] =	ssyncadd.s32 $0xFFFFE000  }
0x75: {  	s11 =	sadd.s32 $0x14000, s7  }
0x76: {  	[tilespmem:s17], [sflag:$0x1] =	stream.indirect.gather [hbm4b:s4+s16], $0x80, s11, s16, $0xb8;
	[tilespmem:$0x1DC00] =	vst v63  }
0x77: {  	_ =	swait.ge [sflag:s20], $0x2000  }
0x78: {  	[sflag:s20] =	ssyncset.done $0x0  }
0x79: {  	[sflag:s20] =	ssyncadd.s32 $0xFFFFE000  }
0x7a: {  	[spmem:s2] =	stream.indirect.scatter.add.f32 [tilespmem:s25], [sflag:$0x2], $0x80, s10, s16, $0xb8;
	[tilespmem:$0x1DC00] =	vst v63  }
.Ltmp5:
0x7b: {  	_ = 	snop;
	(pc) =	sbr.rel .LBB2_3-.Ltmp5, $4  }
0x7c: {  	_ =	swait.ge [sflag:s28], $0x2000  }
0x7d: {  	[sflag:s28] =	ssyncset.done $0x0  }
0x7e: {  	s1 =	sadd.s32 $0x800, s1;
	s11 =	sadd.s32 $0x14080, s7;
	[sflag:s28] =	ssyncadd.s32 $0xFFFFE000  }
0x7f: {  	[tilespmem:s19], [sflag:$0x1] =	stream.indirect.gather [hbm4b:s4+s16], $0x80, s11, s16, $0xb8;
	[tilespmem:$0x1DC00] =	vst v63  }
.LBB2_7:
0x80: {  	_ =	sfence.sel $0x180000  }
0x81: {  	[bflag:$0x0] =	sbarrier.arrive $0xFFFF  }
0x82: {  	_ =	strace $0x90000047  }
0x83: {  	s0 =	stileid.u32;
	[bflag:$0x2] =	sbarrier.arrive $0xFFFF  }
0x84: {  	p0 =	sne.s32 s0, $0x0;
	s0 =	rddreg [dreg:$0x2]  }
0x85: {  	s0 =	sadd.s32 @!p0 $0x100000, s0  }
0x86: {  	[sflag:s0] =	ssyncadd.tile.s32 @!p0 $0x1;
	_ =	shalt  }
.Lfunc_end2:
_tile_overlayer_lowered:
.L_overlay_start_2:
0x87: {  	(tag) =	ssettag $0x2  }
0x88: {  	s0 =	rddreg [dreg:$0x0];
	s2 =	stileid.u32  }
0x89: {  	s1 =	rddreg [dreg:$0x1];
	p0 =	sne.s32 s2, $0x0  }
0x8a: {  	s3 =	rddreg [dreg:$0x2];
	[bflag:$0x3] =	sbarrier.arrive $0xFFFF;
	s2 =	simm.s32 @!p0 $0x1C03  }
0x8b: {  	[timem:s3], [sflag:s2] =	dma.local @!p0 [hbm:s0], s1  }
0x8c: {  	s0 =	simm.s32 @!p0 $0x3  }
0x8d: {  	_ =	swait.ge @!p0 [sflag:s0], s1  }
0x8e: {  	s1 =	ssub.s32 @!p0 $0x0, s1;
	[sflag:s0] =	ssyncset.done @!p0 $0x0  }
0x8f: {  	[sflag:s0] =	ssyncadd.s32 @!p0 s1  }
0x90: {  	[bflag:$0x3] =	sbarrier.arrive $0xFFFF  }
0x91: {  	_ =	shalt  }

// kernel: kernel.16.cloned.1.call-start
scs
__scs_entry_jumppad:
0x0: {  	(pc) =	sbr.rel $0x88, $3  }
0x1: {  	(tag) =	ssettag $0x0;
	lr =	simm.s32 $0x1  }
0x2: {  	[smem:$0x3F92] =	sst lr;
	_ =	strace $0xD0000000  }
0x3: {  	_ = 	snop  }
0x4: {  	_ = 	snop  }
0x5: {  	_ = 	snop  }
0x6: {  	_ = 	snop  }
0x7: {  	_ = 	snop  }
__scs_overlays_trampoline_lowered:
0x8: {  	[smem:$0x3FA1] =	sst s0  }
0x9: {  	[smem:$0x3FA2] =	sst s1  }
0xa: {  	[smem:$0x3FA3] =	sst s2  }
0xb: {  	[smem:$0x3FA4] =	sst s3  }
0xc: {  	[smem:$0x3FA5] =	sst s4  }
0xd: {  	[smem:$0x3FA6] =	sst s5  }
0xe: {  	[smem:$0x3FA7] =	sst s6  }
0xf: {  	[smem:$0x3FA8] =	sst s7  }
0x10: {  	[smem:$0x3FA9] =	sst s8  }
0x11: {  	[smem:$0x3FAA] =	sst s9;
	s0 =	simm.s32 @!p0 $0x0  }
0x12: {  	s1 =	sld [smem:$0x3F90];
	s0 =	simm.s32 @p0 $0x1  }
0x13: {  	[smem:$0x3FAB] =	sst s0;
	s0 =	simm.s32 @!p1 $0x0  }
0x14: {  	s2 =	sld [smem:$0x3F8F];
	s0 =	simm.s32 @p1 $0x1  }
0x15: {  	[smem:$0x3FAC] =	sst s0;
	s0 =	simm.s32 @!p2 $0x0  }
0x16: {  	s3 =	sld [smem:$0x3FDB];
	s0 =	simm.s32 @p2 $0x1  }
0x17: {  	s4 =	simm.s32 $0x1BF5;
	[smem:$0x3FAE] =	sst s0  }
0x18: {  	s0 =	sld [smem:$0x3F91];
	_ =	swait.ge [sflag:s4], $0x0  }
0x19: {  	s7 =	sld [smem:$0x3F92]  }
0x1a: {  	s8 =	sadd.s32 $0xFFFFE003, lr  }
0x1b: {  	s9 =	sadd.s32 $0xFFFFFEF7, lr;
	s5 =	simm.s32 $0xFFFFFFFF;
	p2 =	slt.u32 s8, $0xFFFFF086  }
0x1c: {  	p1 =	slt.u32 s9, $0xF7A;
	s5 =	simm.s32 @!p2 $0x0  }
0x1d: {  	s5 =	simm.s32 @p1 $0x1;
	p0 =	seq.s32 s7, s2  }
0x1e: {  	s7 =	smul.u32 @!p0 $0xF7A, s2;
	p2 =	seq.s32 @!p0 s5, $0x0  }
0x1f: {  	s9 =	smul.u32 $0xF7A, s1;
	s8 =	simm.s32 @!p0 $0x1BF5;
	p2 =	por !p2, p0  }
0x20: {  	[sflag:s8] =	ssyncset.s32 @!p0 $0xFFFFF086;
	s6 =	sadd.s32 @!p0 s3, s7;
	s7 =	simm.s32 @!p0 $0x108  }
0x21: {  	s3 =	sadd.s32 s3, s9;
	s6 =	sadd.s32 @!p0 $0x88, s6;
	s7 =	simm.s32 @p2 $0x1082  }
0x22: {  	[simem:s7], [sflag:s8] =	dma.local @!p0 [hbm:s6], $0xF7A  }
0x23: {  	s9 =	sor.u32 $0xD0000000, s2;
	s6 =	simm.s32 $0x108;
	_ =	swait.ge @!p0 [sflag:s8], $0x0  }
0x24: {  	s3 =	sadd.s32 $0x88, s3;
	s6 =	simm.s32 @!p1 $0x1082;
	[sflag:s4] =	ssyncset.s32 $0xFFFFF086  }
0x25: {  	[simem:s6], [sflag:s4] =	dma.local [hbm:s3], $0xF7A  }
0x26: {  	[smem:$0x3F92] =	sst s1;
	(tag) =	ssettag s2;
	_ =	strace s9  }
0x27: {  	s1 =	sld [smem:$0x3FA2]  }
0x28: {  	s2 =	sld [smem:$0x3FA3]  }
0x29: {  	s4 =	sld [smem:$0x3FA5]  }
0x2a: {  	p0 =	seq.s32 s5, $0x0;
	s5 =	sld [smem:$0x3FA6]  }
0x2b: {  	s6 =	sld [smem:$0x3FA7]  }
0x2c: {  	s7 =	sld [smem:$0x3FA8]  }
0x2d: {  	s3 =	simm.s32 $0x108;
	s8 =	sld [smem:$0x3FA9]  }
0x2e: {  	s3 =	simm.s32 @!p0 $0x1082;
	s9 =	sld [smem:$0x3FAA]  }
0x2f: {  	lr =	sadd.s32 s0, s3;
	s0 =	sld [smem:$0x3FA1]  }
0x30: {  	s3 =	sld [smem:$0x3FA4]  }
0x31: {  	[smem:$0x3FAD] =	sst s10  }
0x32: {  	s10 =	sld [smem:$0x3FAB];
	_ =	sdelay $0x3  }
0x33: {  	p0 =	seq.s32 s10, $0x1;
	s10 =	sld [smem:$0x3FAD];
	_ =	sdelay $0x3  }
0x34: {  	[smem:$0x3FAD] =	sst s10  }
0x35: {  	s10 =	sld [smem:$0x3FAC];
	_ =	sdelay $0x3  }
0x36: {  	p1 =	seq.s32 s10, $0x1;
	s10 =	sld [smem:$0x3FAD];
	_ =	sdelay $0x3  }
0x37: {  	[smem:$0x3FAD] =	sst s10  }
0x38: {  	s10 =	sld [smem:$0x3FAE]  }
0x39: {  	_ = 	snop;
	(pc) =	sbr.ind lr, $3  }
0x3a: {  	_ = 	snop  }
0x3b: {  	_ = 	snop  }
0x3c: {  	p2 =	seq.s32 s10, $0x1;
	s10 =	sld [smem:$0x3FAD]  }
0x3d: {  	_ =	shalt  }
0x3e: {  	_ =	shalt  }
0x3f: {  	_ =	shalt  }
0x40: {  	_ =	shalt  }
0x41: {  	_ =	shalt  }
0x42: {  	_ =	shalt  }
0x43: {  	_ =	shalt  }
0x44: {  	_ =	shalt  }
0x45: {  	_ =	shalt  }
0x46: {  	_ =	shalt  }
0x47: {  	_ =	shalt  }
0x48: {  	_ =	shalt  }
0x49: {  	_ =	shalt  }
0x4a: {  	_ =	shalt  }
0x4b: {  	_ =	shalt  }
0x4c: {  	_ =	shalt  }
0x4d: {  	_ =	shalt  }
0x4e: {  	_ =	shalt  }
0x4f: {  	_ =	shalt  }
0x50: {  	_ =	shalt  }
0x51: {  	_ =	shalt  }
0x52: {  	_ =	shalt  }
0x53: {  	_ =	shalt  }
0x54: {  	_ =	shalt  }
0x55: {  	_ =	shalt  }
0x56: {  	_ =	shalt  }
0x57: {  	_ =	shalt  }
0x58: {  	_ =	shalt  }
0x59: {  	_ =	shalt  }
0x5a: {  	_ =	shalt  }
0x5b: {  	_ =	shalt  }
0x5c: {  	_ =	shalt  }
0x5d: {  	_ =	shalt  }
0x5e: {  	_ =	shalt  }
0x5f: {  	_ =	shalt  }
0x60: {  	_ =	shalt  }
0x61: {  	_ =	shalt  }
0x62: {  	_ =	shalt  }
0x63: {  	_ =	shalt  }
0x64: {  	_ =	shalt  }
0x65: {  	_ =	shalt  }
0x66: {  	_ =	shalt  }
0x67: {  	_ =	shalt  }
0x68: {  	_ =	shalt  }
0x69: {  	_ =	shalt  }
0x6a: {  	_ =	shalt  }
0x6b: {  	_ =	shalt  }
0x6c: {  	_ =	shalt  }
0x6d: {  	_ =	shalt  }
0x6e: {  	_ =	shalt  }
0x6f: {  	_ =	shalt  }
0x70: {  	_ =	shalt  }
0x71: {  	_ =	shalt  }
0x72: {  	_ =	shalt  }
0x73: {  	_ =	shalt  }
0x74: {  	_ =	shalt  }
0x75: {  	_ =	shalt  }
0x76: {  	_ =	shalt  }
0x77: {  	_ =	shalt  }
0x78: {  	_ =	shalt  }
0x79: {  	_ =	shalt  }
0x7a: {  	_ =	shalt  }
0x7b: {  	_ =	shalt  }
0x7c: {  	_ =	shalt  }
0x7d: {  	_ =	shalt  }
0x7e: {  	_ =	shalt  }
0x7f: {  	_ =	shalt  }
0x80: {  	_ =	shalt  }
0x81: {  	_ =	shalt  }
0x82: {  	_ =	shalt  }
0x83: {  	_ =	shalt  }
0x84: {  	_ =	shalt  }
0x85: {  	_ =	shalt  }
0x86: {  	_ =	shalt  }
0x87: {  	_ =	shalt  }
.Lfunc_end0:
.L_simem_size_0:
called_computation.2_lowered:
.L_overlay_start_0:
0x88: {  	s2 =	sld [smem:$0x3FD9]  }
0x89: {  	s3 =	sld [smem:$0x3FFE];
	_ =	sdelay $0x1  }
0x8a: {  	s1 =	srdreg.scid  }
0x8b: {  	s0 =	sand.u32 $0x1, s1  }
0x8c: {  	s16 =	sshll.u32 s0, $0xA;
	s2 =	sadd.s32 s3, s2  }
0x8d: {  	s2 =	sadd.s32 s2, s16  }
0x8e: {  	[smem:$0x3FB9] =	sst s2  }
0x8f: {  	_ = 	snop  }
0x90: {  	(tm) =	ssettm $0x1  }
0x91: {  	s17 =	sld [smem:$0x3FFB];
	_ =	sdelay $0x3  }
0x92: {  	_ =	strace s17  }
0x93: {  	s2 =	sld [smem:$0x3FFC];
	_ =	sdelay $0x3  }
0x94: {  	_ =	strace s2  }
0x95: {  	s2 =	sld [smem:$0x3FFD];
	_ =	sdelay $0x3  }
0x96: {  	_ =	strace s2  }
0x97: {  	_ =	strace $0x8FFFFFFF  }
0x98: {  	s18 =	sld [smem:$0x3FDB];
	_ =	sdelay $0x1  }
0x99: {  	s19 =	simm.s32 $_scs_section_size  }
0x9a: {  	s4 =	simm.s32 $_size__tile_overlayer_lowered;
	s5 =	simm.s32 $_tile_overlayer_lowered  }
0x9b: {  	s22 =	simm.s32 $0x1BFF;
	s21 =	sshll.u32 s5, $0x1;
	s2 =	sadd.s32 s19, s18  }
0x9c: {  	s6 =	simm.s32 $0x0;
	s20 =	sshll.u32 s4, $0x1;
	s4 =	sadd.s32 s21, s2  }
0x9d: {  	[timem:s6], [sflag:s22] =	dma.local [hbm:s4], s20  }
0x9e: {  	_ =	swait.ge [sflag:s22], s20  }
0x9f: {  	s3 =	ssub.s32 $0x0, s20;
	[sflag:s22] =	ssyncset.done $0x0  }
0xa0: {  	[sflag:s22] =	ssyncadd.s32 s3;
	_ =	sdelay $0x1  }
0xa1: {  	s23 =	simm.s32 $0x1B8B  }
0xa2: {  	_ =	swait.ge [sflag:s23], $0x1  }
0xa3: {  	[sflag:s23] =	ssyncset.done $0x0  }
0xa4: {  	s25 =	simm.s32 $0x1B8E;
	s24 =	sld [smem:$0x3FFE];
	[sflag:s23] =	ssyncadd.s32 $0xFFFFFFFF  }
0xa5: {  	s26 =	simm.s32 $execute0_lowered;
	[smem:$0x3FD2] =	sst s25  }
0xa6: {  	s4 =	sshll.u32 s26, $0x1;
	_ =	strace $0x8000004C;
	[dreg:$0x1] =	wrdreg $0xFFFFFFFF  }
0xa7: {  	s28 =	simm.s32 $_size_execute0_lowered;
	s2 =	sadd.s32 s2, s4;
	[dreg:$0x0] =	wrdreg $0x0  }
0xa8: {  	s4 =	sshll.u32 s28, $0x1;
	[dreg:$0x2] =	wrdreg s2  }
0xa9: {  	[dreg:$0x3] =	wrdreg s4  }
0xaa: {  	[dreg:$0x4] =	wrdreg $0xC0  }
0xab: {  	_ =	task [dreg:s6], $0x5FFFF  }
0xac: {  	[dreg:$0x1] =	wrdreg $0xFFFFFFFF  }
0xad: {  	[dreg:$0x0] =	wrdreg $0x60  }
0xae: {  	[dreg:$0x2] =	wrdreg s24  }
0xaf: {  	[dreg:$0x3] =	wrdreg $0x0  }
0xb0: {  	[dreg:$0x4] =	wrdreg $0x9  }
0xb1: {  	_ =	task.clear_ibuf [dreg:s6], $0x5FFFF;
	_ =	strace $0x9000004C  }
0xb2: {  	s29 =	simm.s32 $0x9;
	_ =	strace $0x8000004E  }
0xb3: {  	_ =	swait.ge [sflag:s29], $0x1  }
0xb4: {  	[sflag:s29] =	ssyncadd.s32 $0xFFFFFFFF  }
0xb5: {  	_ =	strace $0x9000004E  }
0xb6: {  	_ =	sfence  }
0xb7: {  	s30 =	sld [smem:$0x0];
	_ =	sdelay $0x2  }
0xb8: {  	s31 =	sshll.u32 s1, $0xD;
	s1 =	sshrl.u32 s1, $0x2  }
0xb9: {  	s3 =	sand.u32 $0x4000, s31;
	s1 =	sadd.s32 s1, s30  }
0xba: {  	s0 =	sor.u32 s3, s0;
	s1 =	sshll.u32 s1, $0x11  }
0xbb: {  	s0 =	sor.u32 s1, s0  }
0xbc: {  	s0 =	sadd.s32 $0x8F2B, s0  }
0xbd: {  	[sflag:s0] =	ssyncadd.remote.s32 $0x1  }
0xbe: {  	_ =	sfence.sel $0xFFFF  }
0xbf: {  	[dreg:$0x0] =	wrdreg $0xFFFFFFFF;
	(pc) =	sbr.abs _section_cstart, $3  }
0xc0: {  	[dreg:$0x1] =	wrdreg $0xFFFFFFFF  }
0xc1: {  	_ =	task.clear_ibuf [dreg:s6], $0x2FFFF;
	_ =	strace $0x9FFFFFFF  }
0xc2: {  	(tm) =	ssettm $0x7FFFFFFF  }
0xc3: {  	_ =	shalt  }
tec
execute0_lowered:
.L_overlay_start_1:
0x0: {  	(tag) =	ssettag $0x1  }
0x1: {  	s0 =	rddreg [dreg:$0x0]  }
0x2: {  	s2 =	rddreg [dreg:$0x1]  }
0x3: {  	s11 =	stileid.u32;
	s1 =	srdreg.scid  }
0x4: {  	s3 =	simm.s32 $0x0;
	s13 =	simm.s32 $0x3;
	s14 =	simm.s32 $0x13C00  }
0x5: {  	s15 =	simm.s32 $0x14C00;
	s16 =	simm.s32 $0x40;
	s17 =	simm.s32 $0x15C00  }
0x6: {  	s18 =	simm.s32 $0x13C80;
	s19 =	simm.s32 $0x17C00;
	s20 =	simm.s32 $0x1  }
0x7: {  	s21 =	simm.s32 $0x13D00;
	s28 =	simm.s32 $0x2;
	s29 =	simm.s32 $0x13E00  }
0x8: {  	s30 =	simm.s32 $0x14D80;
	s31 =	simm.s32 $0x13E80;
	s7 =	smul.u32 $0x13C00, s11  }
0x9: {  	s1 =	sand.u32 $0x1, s1;
	[smem:$0x7FF] =	sst s3;
	s4 =	sadd.s32 $0x2B400, s0  }
0xa: {  	s5 =	sadd.s32 $0x17400, s0;
	s6 =	sadd.s32 $0x3400, s0;
	s10 =	smul.u32 $0x4F000, s11  }
0xb: {  	s25 =	sshll.u32 s11, $0x6;
	s8 =	smul.u32 $0x13C000, s1;
	_ =	strace $0x8000004D  }
0xc: {  	s22 =	ssub.s32 $0x2, s1;
	s1 =	sshll.u32 s1, $0x4;
	s9 =	sshrl.u32 s7, $0x3  }
0xd: {  	s23 =	sshrl.u32 s22, $0x1;
	s24 =	sshrl.u32 s10, $0x2;
	s1 =	sor.u32 s11, s1  }
0xe: {  	s7 =	sadd.s32 s7, s8;
	s9 =	sadd.s32 s9, s0;
	s10 =	sadd.s32 s24, s2  }
0xf: {  	s8 =	sor.u32 $0x1C03, s25;
	s24 =	simm.s32 $0x13D80;
	s25 =	simm.s32 $0x1BC00  }
.Ltmp0:
0x10: {  	s7 =	sshrl.u32 s7, $0x3;
	s9 =	sadd.s32 $0x52600, s9;
	(pc) =	sbr.rel .LBB2_1-.Ltmp0, $4  }
0x11: {  	s12 =	sshrl.u32 s10, $0x3;
	s0 =	sadd.s32 s7, s0;
	s7 =	ssub.s32 s22, s23  }
0x12: {  	[dreg:$0x3] =	wrdreg s9;
	s9 =	smul.u32 $0x5000, s1;
	s0 =	sadd.s32 $0x79E00, s0  }
0x13: {  	s22 =	simm.s32 $0x19C00;
	s26 =	smax.u32 s7, $0x1;
	[dreg:$0x4] =	wrdreg s0  }
0x14: {  	s23 =	simm.s32 $0x14C80;
	[dreg:$0x5] =	wrdreg s26;
	s26 =	simm.s32 $0x14D00  }
.LBB2_6:
0x15: {  	[bflag:$0x0] =	sbarrier.arrive $0xFFFF  }
0x16: {  	s0 =	rddreg [dreg:$0x4]  }
0x17: {  	[hbm:s0], [sflag:s8] =	dma.local [spmem:s12], $0x2780  }
0x18: {  	_ =	swait.ge [sflag:s13], $0x2780  }
0x19: {  	s3 =	sadd.s32 $0x1, s3;
	s11 =	rddreg [dreg:$0x5]  }
0x1a: {  	p0 =	sne.s32 s3, s11  }
.Ltmp1:
0x1b: {  	_ = 	snop;
	(pc) =	sbr.rel @!p0 .LBB2_7-.Ltmp1, $3  }
0x1c: {  	_ =	sdelay $0x1  }
0x1d: {  	[sflag:s13] =	ssyncset.done $0x0  }
0x1e: {  	[sflag:s13] =	ssyncadd.s32 $0xFFFFD880  }
.LBB2_1:
0x1f: {  	s0 =	rddreg [dreg:$0x3]  }
0x20: {  	[spmem:s12], [sflag:s8] =	dma.local [hbm:s0], $0x2780  }
.Ltmp2:
0x21: {  	_ =	swait.ge [sflag:s13], $0x2780;
	(pc) =	sbr.rel .LBB2_2-.Ltmp2, $4  }
0x22: {  	[sflag:s13] =	ssyncset.done $0x0  }
0x23: {  	[sflag:s13] =	ssyncadd.s32 $0xFFFFD880  }
0x24: {  	[bflag:$0x0] =	sbarrier.arrive $0xFFFF  }
0x25: {  	s0 =	simm.s32 $0x0  }
.LBB2_5:
0x26: {  	_ =	swait.ge [sflag:s20], $0x2000  }
0x27: {  	[sflag:s20] =	ssyncset.done $0x0  }
0x28: {  	[sflag:s20] =	ssyncadd.s32 $0xFFFFE000  }
0x29: {  	[spmem:s2] =	stream.indirect.scatter.add.f32 [tilespmem:s25], [sflag:$0x2], $0x80, s10, s16, $0xb8;
	[tilespmem:$0x1DC00] =	vst v63  }
0x2a: {  	_ =	swait.ge [sflag:s28], $0x2000  }
0x2b: {  	[sflag:s28] =	ssyncset.done $0x0  }
0x2c: {  	s0 =	sadd.s32 $0x1, s0;
	[sflag:s28] =	ssyncadd.s32 $0xFFFFE000  }
0x2d: {  	p0 =	sne.s32 s0, $0x5;
	_ =	swait.ge [sflag:s28], $0x2000  }
.Ltmp3:
0x2e: {  	[sflag:s28] =	ssyncset.done $0x0;
	(pc) =	sbr.rel @!p0 .LBB2_6-.Ltmp3, $4  }
0x2f: {  	[sflag:s28] =	ssyncadd.s32 $0xFFFFE000  }
0x30: {  	_ =	swait.ge [sflag:s28], $0x2000  }
0x31: {  	[sflag:s28] =	ssyncset.done $0x0  }
0x32: {  	[sflag:s28] =	ssyncadd.s32 $0xFFFFE000  }
.LBB2_2:
0x33: {  	s1 =	sshll.u32 s0, $0xC  }
0x34: {  	s1 =	sadd.s32 s9, s1  }
0x35: {  	s7 =	sshrl.u32 s1, $0x3  }
0x36: {  	s1 =	simm.s32 $0x0;
	s10 =	sadd.s32 s5, s7  }
0x37: {  	[tilespmem:s14], [sflag:$0x3] =	stream.linear.gather [hbm4b:s10+s1], $0x1000, $0x38;
	[tilespmem:$0x1DC00] =	vst v63  }
0x38: {  	_ =	swait.ge [sflag:s13], $0x1000  }
0x39: {  	[sflag:s13] =	ssyncset.done $0x0  }
0x3a: {  	s7 =	sadd.s32 s6, s7;
	[sflag:s13] =	ssyncadd.s32 $0xFFFFF000  }
0x3b: {  	[tilespmem:s15], [sflag:$0x3] =	stream.linear.gather [hbm4b:s7+s1], $0x1000, $0x38;
	[tilespmem:$0x1DC00] =	vst v63  }
0x3c: {  	_ =	swait.ge [sflag:s13], $0x1000  }
0x3d: {  	[sflag:s13] =	ssyncset.done $0x0  }
0x3e: {  	[sflag:s13] =	ssyncadd.s32 $0xFFFFF000  }
0x3f: {  	[tilespmem:s17], [sflag:$0x1] =	stream.indirect.gather [hbm4b:s4+s16], $0x80, s14, s16, $0xb8;
	[tilespmem:$0x1DC00] =	vst v63  }
0x40: {  	_ = 	snop  }
0x41: {  	[tilespmem:s19], [sflag:$0x1] =	stream.indirect.gather [hbm4b:s4+s16], $0x80, s18, s16, $0xb8;
	[tilespmem:$0x1DC00] =	vst v63  }
0x42: {  	_ =	swait.ge [sflag:s20], $0x2000  }
0x43: {  	[sflag:s20] =	ssyncset.done $0x0  }
0x44: {  	[sflag:s20] =	ssyncadd.s32 $0xFFFFE000  }
0x45: {  	[spmem:s2] =	stream.indirect.scatter.add.f32 [tilespmem:s17], [sflag:$0x2], $0x80, s15, s16, $0xb8;
	[tilespmem:$0x1DC00] =	vst v63  }
0x46: {  	_ = 	snop  }
0x47: {  	[tilespmem:s22], [sflag:$0x1] =	stream.indirect.gather [hbm4b:s4+s16], $0x80, s21, s16, $0xb8;
	[tilespmem:$0x1DC00] =	vst v63  }
0x48: {  	_ =	swait.ge [sflag:s20], $0x2000  }
0x49: {  	[sflag:s20] =	ssyncset.done $0x0  }
0x4a: {  	[sflag:s20] =	ssyncadd.s32 $0xFFFFE000  }
0x4b: {  	[spmem:s2] =	stream.indirect.scatter.add.f32 [tilespmem:s19], [sflag:$0x2], $0x80, s23, s16, $0xb8;
	[tilespmem:$0x1DC00] =	vst v63  }
0x4c: {  	_ = 	snop  }
0x4d: {  	[tilespmem:s25], [sflag:$0x1] =	stream.indirect.gather [hbm4b:s4+s16], $0x80, s24, s16, $0xb8;
	[tilespmem:$0x1DC00] =	vst v63  }
0x4e: {  	_ =	swait.ge [sflag:s20], $0x2000  }
0x4f: {  	[sflag:s20] =	ssyncset.done $0x0  }
0x50: {  	[sflag:s20] =	ssyncadd.s32 $0xFFFFE000  }
0x51: {  	[spmem:s2] =	stream.indirect.scatter.add.f32 [tilespmem:s22], [sflag:$0x2], $0x80, s26, s16, $0xb8;
	[tilespmem:$0x1DC00] =	vst v63  }
0x52: {  	_ =	swait.ge [sflag:s28], $0x2000  }
0x53: {  	[sflag:s28] =	ssyncset.done $0x0  }
0x54: {  	[sflag:s28] =	ssyncadd.s32 $0xFFFFE000  }
0x55: {  	[tilespmem:s17], [sflag:$0x1] =	stream.indirect.gather [hbm4b:s4+s16], $0x80, s29, s16, $0xb8;
	[tilespmem:$0x1DC00] =	vst v63  }
0x56: {  	_ =	swait.ge [sflag:s20], $0x2000  }
0x57: {  	[sflag:s20] =	ssyncset.done $0x0  }
0x58: {  	[sflag:s20] =	ssyncadd.s32 $0xFFFFE000  }
0x59: {  	[spmem:s2] =	stream.indirect.scatter.add.f32 [tilespmem:s25], [sflag:$0x2], $0x80, s30, s16, $0xb8;
	[tilespmem:$0x1DC00] =	vst v63  }
0x5a: {  	_ =	swait.ge [sflag:s28], $0x2000  }
0x5b: {  	[sflag:s28] =	ssyncset.done $0x0  }
0x5c: {  	[sflag:s28] =	ssyncadd.s32 $0xFFFFE000  }
0x5d: {  	[tilespmem:s19], [sflag:$0x1] =	stream.indirect.gather [hbm4b:s4+s16], $0x80, s31, s16, $0xb8;
	[tilespmem:$0x1DC00] =	vst v63  }
.LBB2_3:
0x5e: {  	_ =	swait.ge [sflag:s20], $0x2000  }
0x5f: {  	s7 =	sshra.s32 s1, $0x2;
	[sflag:s20] =	ssyncset.done $0x0  }
0x60: {  	s10 =	sadd.s32 $0x14E00, s7;
	[sflag:s20] =	ssyncadd.s32 $0xFFFFE000  }
0x61: {  	[spmem:s2] =	stream.indirect.scatter.add.f32 [tilespmem:s17], [sflag:$0x2], $0x80, s10, s16, $0xb8;
	[tilespmem:$0x1DC00] =	vst v63  }
0x62: {  	_ =	swait.ge [sflag:s28], $0x2000  }
0x63: {  	[sflag:s28] =	ssyncset.done $0x0  }
0x64: {  	s11 =	sadd.s32 $0x13F00, s7;
	[sflag:s28] =	ssyncadd.s32 $0xFFFFE000  }
0x65: {  	[tilespmem:s22], [sflag:$0x1] =	stream.indirect.gather [hbm4b:s4+s16], $0x80, s11, s16, $0xb8;
	[tilespmem:$0x1DC00] =	vst v63  }
0x66: {  	_ =	swait.ge [sflag:s20], $0x2000  }
0x67: {  	[sflag:s20] =	ssyncset.done $0x0  }
0x68: {  	s11 =	sadd.s32 $0x14E80, s7;
	[sflag:s20] =	ssyncadd.s32 $0xFFFFE000  }
0x69: {  	[spmem:s2] =	stream.indirect.scatter.add.f32 [tilespmem:s19], [sflag:$0x2], $0x80, s11, s16, $0xb8;
	[tilespmem:$0x1DC00] =	vst v63  }
0x6a: {  	_ =	swait.ge [sflag:s28], $0x2000  }
0x6b: {  	[sflag:s28] =	ssyncset.done $0x0  }
0x6c: {  	s11 =	sadd.s32 $0x13F80, s7;
	[sflag:s28] =	ssyncadd.s32 $0xFFFFE000  }
0x6d: {  	[tilespmem:s25], [sflag:$0x1] =	stream.indirect.gather [hbm4b:s4+s16], $0x80, s11, s16, $0xb8;
	[tilespmem:$0x1DC00] =	vst v63  }
0x6e: {  	_ =	swait.ge [sflag:s20], $0x2000  }
0x6f: {  	p0 =	seq.s32 s1, $0x3000;
	[sflag:s20] =	ssyncset.done $0x0  }
.Ltmp4:
0x70: {  	s11 =	sadd.s32 $0x14F00, s7;
	[sflag:s20] =	ssyncadd.s32 $0xFFFFE000;
	(pc) =	sbr.rel @p0 .LBB2_5-.Ltmp4, $4  }
0x71: {  	[spmem:s2] =	stream.indirect.scatter.add.f32 [tilespmem:s22], [sflag:$0x2], $0x80, s11, s16, $0xb8;
	[tilespmem:$0x1DC00] =	vst v63  }
0x72: {  	_ =	swait.ge [sflag:s28], $0x2000  }
0x73: {  	[sflag:s28] =	ssyncset.done $0x0  }
0x74: {  	s10 =	sadd.s32 $0x14F80, s7;
	[sflag:s28] =	ssyncadd.s32 $0xFFFFE000  }
0x75: {  	s11 =	sadd.s32 $0x14000, s7  }
0x76: {  	[tilespmem:s17], [sflag:$0x1] =	stream.indirect.gather [hbm4b:s4+s16], $0x80, s11, s16, $0xb8;
	[tilespmem:$0x1DC00] =	vst v63  }
0x77: {  	_ =	swait.ge [sflag:s20], $0x2000  }
0x78: {  	[sflag:s20] =	ssyncset.done $0x0  }
0x79: {  	[sflag:s20] =	ssyncadd.s32 $0xFFFFE000  }
0x7a: {  	[spmem:s2] =	stream.indirect.scatter.add.f32 [tilespmem:s25], [sflag:$0x2], $0x80, s10, s16, $0xb8;
	[tilespmem:$0x1DC00] =	vst v63  }
.Ltmp5:
0x7b: {  	_ = 	snop;
	(pc) =	sbr.rel .LBB2_3-.Ltmp5, $4  }
0x7c: {  	_ =	swait.ge [sflag:s28], $0x2000  }
0x7d: {  	[sflag:s28] =	ssyncset.done $0x0  }
0x7e: {  	s1 =	sadd.s32 $0x800, s1;
	s11 =	sadd.s32 $0x14080, s7;
	[sflag:s28] =	ssyncadd.s32 $0xFFFFE000  }
0x7f: {  	[tilespmem:s19], [sflag:$0x1] =	stream.indirect.gather [hbm4b:s4+s16], $0x80, s11, s16, $0xb8;
	[tilespmem:$0x1DC00] =	vst v63  }
.LBB2_7:
0x80: {  	_ =	sfence.sel $0x180000  }
0x81: {  	[bflag:$0x0] =	sbarrier.arrive $0xFFFF  }
0x82: {  	_ =	strace $0x9000004D  }
0x83: {  	s0 =	stileid.u32;
	[bflag:$0x2] =	sbarrier.arrive $0xFFFF  }
0x84: {  	p0 =	sne.s32 s0, $0x0;
	s0 =	rddreg [dreg:$0x2]  }
0x85: {  	s0 =	sadd.s32 @!p0 $0x100000, s0  }
0x86: {  	[sflag:s0] =	ssyncadd.tile.s32 @!p0 $0x1;
	_ =	shalt  }
.Lfunc_end2:
_tile_overlayer_lowered:
.L_overlay_start_2:
0x87: {  	(tag) =	ssettag $0x2  }
0x88: {  	s0 =	rddreg [dreg:$0x0];
	s2 =	stileid.u32  }
0x89: {  	s1 =	rddreg [dreg:$0x1];
	p0 =	sne.s32 s2, $0x0  }
0x8a: {  	s3 =	rddreg [dreg:$0x2];
	[bflag:$0x3] =	sbarrier.arrive $0xFFFF;
	s2 =	simm.s32 @!p0 $0x1C03  }
0x8b: {  	[timem:s3], [sflag:s2] =	dma.local @!p0 [hbm:s0], s1  }
0x8c: {  	s0 =	simm.s32 @!p0 $0x3  }
0x8d: {  	_ =	swait.ge @!p0 [sflag:s0], s1  }
0x8e: {  	s1 =	ssub.s32 @!p0 $0x0, s1;
	[sflag:s0] =	ssyncset.done @!p0 $0x0  }
0x8f: {  	[sflag:s0] =	ssyncadd.s32 @!p0 s1  }
0x90: {  	[bflag:$0x3] =	sbarrier.arrive $0xFFFF  }
0x91: {  	_ =	shalt  }

// kernel: kernel.19.cloned.1.call-start
scs
__scs_entry_jumppad:
0x0: {  	(pc) =	sbr.rel $0x88, $3  }
0x1: {  	(tag) =	ssettag $0x0;
	lr =	simm.s32 $0x1  }
0x2: {  	[smem:$0x3F92] =	sst lr;
	_ =	strace $0xD0000000  }
0x3: {  	_ = 	snop  }
0x4: {  	_ = 	snop  }
0x5: {  	_ = 	snop  }
0x6: {  	_ = 	snop  }
0x7: {  	_ = 	snop  }
__scs_overlays_trampoline_lowered:
0x8: {  	[smem:$0x3FA1] =	sst s0  }
0x9: {  	[smem:$0x3FA2] =	sst s1  }
0xa: {  	[smem:$0x3FA3] =	sst s2  }
0xb: {  	[smem:$0x3FA4] =	sst s3  }
0xc: {  	[smem:$0x3FA5] =	sst s4  }
0xd: {  	[smem:$0x3FA6] =	sst s5  }
0xe: {  	[smem:$0x3FA7] =	sst s6  }
0xf: {  	[smem:$0x3FA8] =	sst s7  }
0x10: {  	[smem:$0x3FA9] =	sst s8  }
0x11: {  	[smem:$0x3FAA] =	sst s9;
	s0 =	simm.s32 @!p0 $0x0  }
0x12: {  	s1 =	sld [smem:$0x3F90];
	s0 =	simm.s32 @p0 $0x1  }
0x13: {  	[smem:$0x3FAB] =	sst s0;
	s0 =	simm.s32 @!p1 $0x0  }
0x14: {  	s2 =	sld [smem:$0x3F8F];
	s0 =	simm.s32 @p1 $0x1  }
0x15: {  	[smem:$0x3FAC] =	sst s0;
	s0 =	simm.s32 @!p2 $0x0  }
0x16: {  	s3 =	sld [smem:$0x3FDB];
	s0 =	simm.s32 @p2 $0x1  }
0x17: {  	s4 =	simm.s32 $0x1BF5;
	[smem:$0x3FAE] =	sst s0  }
0x18: {  	s0 =	sld [smem:$0x3F91];
	_ =	swait.ge [sflag:s4], $0x0  }
0x19: {  	s7 =	sld [smem:$0x3F92]  }
0x1a: {  	s8 =	sadd.s32 $0xFFFFE003, lr  }
0x1b: {  	s9 =	sadd.s32 $0xFFFFFEF7, lr;
	s5 =	simm.s32 $0xFFFFFFFF;
	p2 =	slt.u32 s8, $0xFFFFF086  }
0x1c: {  	p1 =	slt.u32 s9, $0xF7A;
	s5 =	simm.s32 @!p2 $0x0  }
0x1d: {  	s5 =	simm.s32 @p1 $0x1;
	p0 =	seq.s32 s7, s2  }
0x1e: {  	s7 =	smul.u32 @!p0 $0xF7A, s2;
	p2 =	seq.s32 @!p0 s5, $0x0  }
0x1f: {  	s9 =	smul.u32 $0xF7A, s1;
	s8 =	simm.s32 @!p0 $0x1BF5;
	p2 =	por !p2, p0  }
0x20: {  	[sflag:s8] =	ssyncset.s32 @!p0 $0xFFFFF086;
	s6 =	sadd.s32 @!p0 s3, s7;
	s7 =	simm.s32 @!p0 $0x108  }
0x21: {  	s3 =	sadd.s32 s3, s9;
	s6 =	sadd.s32 @!p0 $0x88, s6;
	s7 =	simm.s32 @p2 $0x1082  }
0x22: {  	[simem:s7], [sflag:s8] =	dma.local @!p0 [hbm:s6], $0xF7A  }
0x23: {  	s9 =	sor.u32 $0xD0000000, s2;
	s6 =	simm.s32 $0x108;
	_ =	swait.ge @!p0 [sflag:s8], $0x0  }
0x24: {  	s3 =	sadd.s32 $0x88, s3;
	s6 =	simm.s32 @!p1 $0x1082;
	[sflag:s4] =	ssyncset.s32 $0xFFFFF086  }
0x25: {  	[simem:s6], [sflag:s4] =	dma.local [hbm:s3], $0xF7A  }
0x26: {  	[smem:$0x3F92] =	sst s1;
	(tag) =	ssettag s2;
	_ =	strace s9  }
0x27: {  	s1 =	sld [smem:$0x3FA2]  }
0x28: {  	s2 =	sld [smem:$0x3FA3]  }
0x29: {  	s4 =	sld [smem:$0x3FA5]  }
0x2a: {  	p0 =	seq.s32 s5, $0x0;
	s5 =	sld [smem:$0x3FA6]  }
0x2b: {  	s6 =	sld [smem:$0x3FA7]  }
0x2c: {  	s7 =	sld [smem:$0x3FA8]  }
0x2d: {  	s3 =	simm.s32 $0x108;
	s8 =	sld [smem:$0x3FA9]  }
0x2e: {  	s3 =	simm.s32 @!p0 $0x1082;
	s9 =	sld [smem:$0x3FAA]  }
0x2f: {  	lr =	sadd.s32 s0, s3;
	s0 =	sld [smem:$0x3FA1]  }
0x30: {  	s3 =	sld [smem:$0x3FA4]  }
0x31: {  	[smem:$0x3FAD] =	sst s10  }
0x32: {  	s10 =	sld [smem:$0x3FAB];
	_ =	sdelay $0x3  }
0x33: {  	p0 =	seq.s32 s10, $0x1;
	s10 =	sld [smem:$0x3FAD];
	_ =	sdelay $0x3  }
0x34: {  	[smem:$0x3FAD] =	sst s10  }
0x35: {  	s10 =	sld [smem:$0x3FAC];
	_ =	sdelay $0x3  }
0x36: {  	p1 =	seq.s32 s10, $0x1;
	s10 =	sld [smem:$0x3FAD];
	_ =	sdelay $0x3  }
0x37: {  	[smem:$0x3FAD] =	sst s10  }
0x38: {  	s10 =	sld [smem:$0x3FAE]  }
0x39: {  	_ = 	snop;
	(pc) =	sbr.ind lr, $3  }
0x3a: {  	_ = 	snop  }
0x3b: {  	_ = 	snop  }
0x3c: {  	p2 =	seq.s32 s10, $0x1;
	s10 =	sld [smem:$0x3FAD]  }
0x3d: {  	_ =	shalt  }
0x3e: {  	_ =	shalt  }
0x3f: {  	_ =	shalt  }
0x40: {  	_ =	shalt  }
0x41: {  	_ =	shalt  }
0x42: {  	_ =	shalt  }
0x43: {  	_ =	shalt  }
0x44: {  	_ =	shalt  }
0x45: {  	_ =	shalt  }
0x46: {  	_ =	shalt  }
0x47: {  	_ =	shalt  }
0x48: {  	_ =	shalt  }
0x49: {  	_ =	shalt  }
0x4a: {  	_ =	shalt  }
0x4b: {  	_ =	shalt  }
0x4c: {  	_ =	shalt  }
0x4d: {  	_ =	shalt  }
0x4e: {  	_ =	shalt  }
0x4f: {  	_ =	shalt  }
0x50: {  	_ =	shalt  }
0x51: {  	_ =	shalt  }
0x52: {  	_ =	shalt  }
0x53: {  	_ =	shalt  }
0x54: {  	_ =	shalt  }
0x55: {  	_ =	shalt  }
0x56: {  	_ =	shalt  }
0x57: {  	_ =	shalt  }
0x58: {  	_ =	shalt  }
0x59: {  	_ =	shalt  }
0x5a: {  	_ =	shalt  }
0x5b: {  	_ =	shalt  }
0x5c: {  	_ =	shalt  }
0x5d: {  	_ =	shalt  }
0x5e: {  	_ =	shalt  }
0x5f: {  	_ =	shalt  }
0x60: {  	_ =	shalt  }
0x61: {  	_ =	shalt  }
0x62: {  	_ =	shalt  }
0x63: {  	_ =	shalt  }
0x64: {  	_ =	shalt  }
0x65: {  	_ =	shalt  }
0x66: {  	_ =	shalt  }
0x67: {  	_ =	shalt  }
0x68: {  	_ =	shalt  }
0x69: {  	_ =	shalt  }
0x6a: {  	_ =	shalt  }
0x6b: {  	_ =	shalt  }
0x6c: {  	_ =	shalt  }
0x6d: {  	_ =	shalt  }
0x6e: {  	_ =	shalt  }
0x6f: {  	_ =	shalt  }
0x70: {  	_ =	shalt  }
0x71: {  	_ =	shalt  }
0x72: {  	_ =	shalt  }
0x73: {  	_ =	shalt  }
0x74: {  	_ =	shalt  }
0x75: {  	_ =	shalt  }
0x76: {  	_ =	shalt  }
0x77: {  	_ =	shalt  }
0x78: {  	_ =	shalt  }
0x79: {  	_ =	shalt  }
0x7a: {  	_ =	shalt  }
0x7b: {  	_ =	shalt  }
0x7c: {  	_ =	shalt  }
0x7d: {  	_ =	shalt  }
0x7e: {  	_ =	shalt  }
0x7f: {  	_ =	shalt  }
0x80: {  	_ =	shalt  }
0x81: {  	_ =	shalt  }
0x82: {  	_ =	shalt  }
0x83: {  	_ =	shalt  }
0x84: {  	_ =	shalt  }
0x85: {  	_ =	shalt  }
0x86: {  	_ =	shalt  }
0x87: {  	_ =	shalt  }
.Lfunc_end0:
.L_simem_size_0:
called_computation.3_lowered:
.L_overlay_start_0:
0x88: {  	s2 =	sld [smem:$0x3FD9]  }
0x89: {  	s3 =	sld [smem:$0x3FFE];
	_ =	sdelay $0x1  }
0x8a: {  	s1 =	srdreg.scid  }
0x8b: {  	s0 =	sand.u32 $0x1, s1  }
0x8c: {  	s16 =	sshll.u32 s0, $0xA;
	s2 =	sadd.s32 s3, s2  }
0x8d: {  	s2 =	sadd.s32 s2, s16  }
0x8e: {  	[smem:$0x3FB9] =	sst s2  }
0x8f: {  	_ = 	snop  }
0x90: {  	(tm) =	ssettm $0x1  }
0x91: {  	s17 =	sld [smem:$0x3FFB];
	_ =	sdelay $0x3  }
0x92: {  	_ =	strace s17  }
0x93: {  	s2 =	sld [smem:$0x3FFC];
	_ =	sdelay $0x3  }
0x94: {  	_ =	strace s2  }
0x95: {  	s2 =	sld [smem:$0x3FFD];
	_ =	sdelay $0x3  }
0x96: {  	_ =	strace s2  }
0x97: {  	_ =	strace $0x8FFFFFFF  }
0x98: {  	s18 =	sld [smem:$0x3FDB];
	_ =	sdelay $0x1  }
0x99: {  	s19 =	simm.s32 $_scs_section_size  }
0x9a: {  	s4 =	simm.s32 $_size__tile_overlayer_lowered;
	s5 =	simm.s32 $_tile_overlayer_lowered  }
0x9b: {  	s22 =	simm.s32 $0x1BFF;
	s21 =	sshll.u32 s5, $0x1;
	s2 =	sadd.s32 s19, s18  }
0x9c: {  	s6 =	simm.s32 $0x0;
	s20 =	sshll.u32 s4, $0x1;
	s4 =	sadd.s32 s21, s2  }
0x9d: {  	[timem:s6], [sflag:s22] =	dma.local [hbm:s4], s20  }
0x9e: {  	_ =	swait.ge [sflag:s22], s20  }
0x9f: {  	s3 =	ssub.s32 $0x0, s20;
	[sflag:s22] =	ssyncset.done $0x0  }
0xa0: {  	[sflag:s22] =	ssyncadd.s32 s3;
	_ =	sdelay $0x1  }
0xa1: {  	s23 =	simm.s32 $0x1B8B  }
0xa2: {  	_ =	swait.ge [sflag:s23], $0x1  }
0xa3: {  	[sflag:s23] =	ssyncset.done $0x0  }
0xa4: {  	s25 =	simm.s32 $0x1B8E;
	s24 =	sld [smem:$0x3FFE];
	[sflag:s23] =	ssyncadd.s32 $0xFFFFFFFF  }
0xa5: {  	s26 =	simm.s32 $execute0_lowered;
	[smem:$0x3FD2] =	sst s25  }
0xa6: {  	s4 =	sshll.u32 s26, $0x1;
	_ =	strace $0x8000004F;
	[dreg:$0x1] =	wrdreg $0xFFFFFFFF  }
0xa7: {  	s28 =	simm.s32 $_size_execute0_lowered;
	s2 =	sadd.s32 s2, s4;
	[dreg:$0x0] =	wrdreg $0x0  }
0xa8: {  	s4 =	sshll.u32 s28, $0x1;
	[dreg:$0x2] =	wrdreg s2  }
0xa9: {  	[dreg:$0x3] =	wrdreg s4  }
0xaa: {  	[dreg:$0x4] =	wrdreg $0xC0  }
0xab: {  	_ =	task [dreg:s6], $0x5FFFF  }
0xac: {  	[dreg:$0x1] =	wrdreg $0xFFFFFFFF  }
0xad: {  	[dreg:$0x0] =	wrdreg $0x60  }
0xae: {  	[dreg:$0x2] =	wrdreg s24  }
0xaf: {  	[dreg:$0x3] =	wrdreg $0x0  }
0xb0: {  	[dreg:$0x4] =	wrdreg $0x9  }
0xb1: {  	_ =	task.clear_ibuf [dreg:s6], $0x5FFFF;
	_ =	strace $0x9000004F  }
0xb2: {  	s29 =	simm.s32 $0x9;
	_ =	strace $0x80000051  }
0xb3: {  	_ =	swait.ge [sflag:s29], $0x1  }
0xb4: {  	[sflag:s29] =	ssyncadd.s32 $0xFFFFFFFF  }
0xb5: {  	_ =	strace $0x90000051  }
0xb6: {  	_ =	sfence  }
0xb7: {  	s30 =	sld [smem:$0x0];
	_ =	sdelay $0x2  }
0xb8: {  	s31 =	sshll.u32 s1, $0xD;
	s1 =	sshrl.u32 s1, $0x2  }
0xb9: {  	s3 =	sand.u32 $0x4000, s31;
	s1 =	sadd.s32 s1, s30  }
0xba: {  	s0 =	sor.u32 s3, s0;
	s1 =	sshll.u32 s1, $0x11  }
0xbb: {  	s0 =	sor.u32 s1, s0  }
0xbc: {  	s0 =	sadd.s32 $0x8F2B, s0  }
0xbd: {  	[sflag:s0] =	ssyncadd.remote.s32 $0x1  }
0xbe: {  	_ =	sfence.sel $0xFFFF  }
0xbf: {  	[dreg:$0x0] =	wrdreg $0xFFFFFFFF;
	(pc) =	sbr.abs _section_cstart, $3  }
0xc0: {  	[dreg:$0x1] =	wrdreg $0xFFFFFFFF  }
0xc1: {  	_ =	task.clear_ibuf [dreg:s6], $0x2FFFF;
	_ =	strace $0x9FFFFFFF  }
0xc2: {  	(tm) =	ssettm $0x7FFFFFFF  }
0xc3: {  	_ =	shalt  }
tec
execute0_lowered:
.L_overlay_start_1:
0x0: {  	(tag) =	ssettag $0x1  }
0x1: {  	s0 =	rddreg [dreg:$0x0]  }
0x2: {  	s2 =	rddreg [dreg:$0x1]  }
0x3: {  	s11 =	stileid.u32;
	s1 =	srdreg.scid  }
0x4: {  	s3 =	simm.s32 $0x0;
	s13 =	simm.s32 $0x3;
	s14 =	simm.s32 $0x13C00  }
0x5: {  	s15 =	simm.s32 $0x14C00;
	s16 =	simm.s32 $0x40;
	s17 =	simm.s32 $0x15C00  }
0x6: {  	s18 =	simm.s32 $0x13C80;
	s19 =	simm.s32 $0x17C00;
	s20 =	simm.s32 $0x1  }
0x7: {  	s21 =	simm.s32 $0x13D00;
	s28 =	simm.s32 $0x2;
	s29 =	simm.s32 $0x13E00  }
0x8: {  	s30 =	simm.s32 $0x14D80;
	s31 =	simm.s32 $0x13E80;
	s7 =	smul.u32 $0x13C00, s11  }
0x9: {  	s1 =	sand.u32 $0x1, s1;
	[smem:$0x7FF] =	sst s3;
	s4 =	sadd.s32 $0x2B400, s0  }
0xa: {  	s5 =	sadd.s32 $0x17400, s0;
	s6 =	sadd.s32 $0x3400, s0;
	s10 =	smul.u32 $0x4F000, s11  }
0xb: {  	s25 =	sshll.u32 s11, $0x6;
	s8 =	smul.u32 $0x13C000, s1;
	_ =	strace $0x80000050  }
0xc: {  	s22 =	ssub.s32 $0x2, s1;
	s1 =	sshll.u32 s1, $0x4;
	s9 =	sshrl.u32 s7, $0x3  }
0xd: {  	s23 =	sshrl.u32 s22, $0x1;
	s24 =	sshrl.u32 s10, $0x2;
	s1 =	sor.u32 s11, s1  }
0xe: {  	s7 =	sadd.s32 s7, s8;
	s9 =	sadd.s32 s9, s0;
	s10 =	sadd.s32 s24, s2  }
0xf: {  	s8 =	sor.u32 $0x1C03, s25;
	s24 =	simm.s32 $0x13D80;
	s25 =	simm.s32 $0x1BC00  }
.Ltmp0:
0x10: {  	s7 =	sshrl.u32 s7, $0x3;
	s9 =	sadd.s32 $0x52600, s9;
	(pc) =	sbr.rel .LBB2_1-.Ltmp0, $4  }
0x11: {  	s12 =	sshrl.u32 s10, $0x3;
	s0 =	sadd.s32 s7, s0;
	s7 =	ssub.s32 s22, s23  }
0x12: {  	[dreg:$0x3] =	wrdreg s9;
	s9 =	smul.u32 $0x5000, s1;
	s0 =	sadd.s32 $0x79E00, s0  }
0x13: {  	s22 =	simm.s32 $0x19C00;
	s26 =	smax.u32 s7, $0x1;
	[dreg:$0x4] =	wrdreg s0  }
0x14: {  	s23 =	simm.s32 $0x14C80;
	[dreg:$0x5] =	wrdreg s26;
	s26 =	simm.s32 $0x14D00  }
.LBB2_6:
0x15: {  	[bflag:$0x0] =	sbarrier.arrive $0xFFFF  }
0x16: {  	s0 =	rddreg [dreg:$0x4]  }
0x17: {  	[hbm:s0], [sflag:s8] =	dma.local [spmem:s12], $0x2780  }
0x18: {  	_ =	swait.ge [sflag:s13], $0x2780  }
0x19: {  	s3 =	sadd.s32 $0x1, s3;
	s11 =	rddreg [dreg:$0x5]  }
0x1a: {  	p0 =	sne.s32 s3, s11  }
.Ltmp1:
0x1b: {  	_ = 	snop;
	(pc) =	sbr.rel @!p0 .LBB2_7-.Ltmp1, $3  }
0x1c: {  	_ =	sdelay $0x1  }
0x1d: {  	[sflag:s13] =	ssyncset.done $0x0  }
0x1e: {  	[sflag:s13] =	ssyncadd.s32 $0xFFFFD880  }
.LBB2_1:
0x1f: {  	s0 =	rddreg [dreg:$0x3]  }
0x20: {  	[spmem:s12], [sflag:s8] =	dma.local [hbm:s0], $0x2780  }
.Ltmp2:
0x21: {  	_ =	swait.ge [sflag:s13], $0x2780;
	(pc) =	sbr.rel .LBB2_2-.Ltmp2, $4  }
0x22: {  	[sflag:s13] =	ssyncset.done $0x0  }
0x23: {  	[sflag:s13] =	ssyncadd.s32 $0xFFFFD880  }
0x24: {  	[bflag:$0x0] =	sbarrier.arrive $0xFFFF  }
0x25: {  	s0 =	simm.s32 $0x0  }
.LBB2_5:
0x26: {  	_ =	swait.ge [sflag:s20], $0x2000  }
0x27: {  	[sflag:s20] =	ssyncset.done $0x0  }
0x28: {  	[sflag:s20] =	ssyncadd.s32 $0xFFFFE000  }
0x29: {  	[spmem:s2] =	stream.indirect.scatter.add.f32 [tilespmem:s25], [sflag:$0x2], $0x80, s10, s16, $0xb8;
	[tilespmem:$0x1DC00] =	vst v63  }
0x2a: {  	_ =	swait.ge [sflag:s28], $0x2000  }
0x2b: {  	[sflag:s28] =	ssyncset.done $0x0  }
0x2c: {  	s0 =	sadd.s32 $0x1, s0;
	[sflag:s28] =	ssyncadd.s32 $0xFFFFE000  }
0x2d: {  	p0 =	sne.s32 s0, $0x5;
	_ =	swait.ge [sflag:s28], $0x2000  }
.Ltmp3:
0x2e: {  	[sflag:s28] =	ssyncset.done $0x0;
	(pc) =	sbr.rel @!p0 .LBB2_6-.Ltmp3, $4  }
0x2f: {  	[sflag:s28] =	ssyncadd.s32 $0xFFFFE000  }
0x30: {  	_ =	swait.ge [sflag:s28], $0x2000  }
0x31: {  	[sflag:s28] =	ssyncset.done $0x0  }
0x32: {  	[sflag:s28] =	ssyncadd.s32 $0xFFFFE000  }
.LBB2_2:
0x33: {  	s1 =	sshll.u32 s0, $0xC  }
0x34: {  	s1 =	sadd.s32 s9, s1  }
0x35: {  	s7 =	sshrl.u32 s1, $0x3  }
0x36: {  	s1 =	simm.s32 $0x0;
	s10 =	sadd.s32 s5, s7  }
0x37: {  	[tilespmem:s14], [sflag:$0x3] =	stream.linear.gather [hbm4b:s10+s1], $0x1000, $0x38;
	[tilespmem:$0x1DC00] =	vst v63  }
0x38: {  	_ =	swait.ge [sflag:s13], $0x1000  }
0x39: {  	[sflag:s13] =	ssyncset.done $0x0  }
0x3a: {  	s7 =	sadd.s32 s6, s7;
	[sflag:s13] =	ssyncadd.s32 $0xFFFFF000  }
0x3b: {  	[tilespmem:s15], [sflag:$0x3] =	stream.linear.gather [hbm4b:s7+s1], $0x1000, $0x38;
	[tilespmem:$0x1DC00] =	vst v63  }
0x3c: {  	_ =	swait.ge [sflag:s13], $0x1000  }
0x3d: {  	[sflag:s13] =	ssyncset.done $0x0  }
0x3e: {  	[sflag:s13] =	ssyncadd.s32 $0xFFFFF000  }
0x3f: {  	[tilespmem:s17], [sflag:$0x1] =	stream.indirect.gather [hbm4b:s4+s16], $0x80, s14, s16, $0xb8;
	[tilespmem:$0x1DC00] =	vst v63  }
0x40: {  	_ = 	snop  }
0x41: {  	[tilespmem:s19], [sflag:$0x1] =	stream.indirect.gather [hbm4b:s4+s16], $0x80, s18, s16, $0xb8;
	[tilespmem:$0x1DC00] =	vst v63  }
0x42: {  	_ =	swait.ge [sflag:s20], $0x2000  }
0x43: {  	[sflag:s20] =	ssyncset.done $0x0  }
0x44: {  	[sflag:s20] =	ssyncadd.s32 $0xFFFFE000  }
0x45: {  	[spmem:s2] =	stream.indirect.scatter.add.f32 [tilespmem:s17], [sflag:$0x2], $0x80, s15, s16, $0xb8;
	[tilespmem:$0x1DC00] =	vst v63  }
0x46: {  	_ = 	snop  }
0x47: {  	[tilespmem:s22], [sflag:$0x1] =	stream.indirect.gather [hbm4b:s4+s16], $0x80, s21, s16, $0xb8;
	[tilespmem:$0x1DC00] =	vst v63  }
0x48: {  	_ =	swait.ge [sflag:s20], $0x2000  }
0x49: {  	[sflag:s20] =	ssyncset.done $0x0  }
0x4a: {  	[sflag:s20] =	ssyncadd.s32 $0xFFFFE000  }
0x4b: {  	[spmem:s2] =	stream.indirect.scatter.add.f32 [tilespmem:s19], [sflag:$0x2], $0x80, s23, s16, $0xb8;
	[tilespmem:$0x1DC00] =	vst v63  }
0x4c: {  	_ = 	snop  }
0x4d: {  	[tilespmem:s25], [sflag:$0x1] =	stream.indirect.gather [hbm4b:s4+s16], $0x80, s24, s16, $0xb8;
	[tilespmem:$0x1DC00] =	vst v63  }
0x4e: {  	_ =	swait.ge [sflag:s20], $0x2000  }
0x4f: {  	[sflag:s20] =	ssyncset.done $0x0  }
0x50: {  	[sflag:s20] =	ssyncadd.s32 $0xFFFFE000  }
0x51: {  	[spmem:s2] =	stream.indirect.scatter.add.f32 [tilespmem:s22], [sflag:$0x2], $0x80, s26, s16, $0xb8;
	[tilespmem:$0x1DC00] =	vst v63  }
0x52: {  	_ =	swait.ge [sflag:s28], $0x2000  }
0x53: {  	[sflag:s28] =	ssyncset.done $0x0  }
0x54: {  	[sflag:s28] =	ssyncadd.s32 $0xFFFFE000  }
0x55: {  	[tilespmem:s17], [sflag:$0x1] =	stream.indirect.gather [hbm4b:s4+s16], $0x80, s29, s16, $0xb8;
	[tilespmem:$0x1DC00] =	vst v63  }
0x56: {  	_ =	swait.ge [sflag:s20], $0x2000  }
0x57: {  	[sflag:s20] =	ssyncset.done $0x0  }
0x58: {  	[sflag:s20] =	ssyncadd.s32 $0xFFFFE000  }
0x59: {  	[spmem:s2] =	stream.indirect.scatter.add.f32 [tilespmem:s25], [sflag:$0x2], $0x80, s30, s16, $0xb8;
	[tilespmem:$0x1DC00] =	vst v63  }
0x5a: {  	_ =	swait.ge [sflag:s28], $0x2000  }
0x5b: {  	[sflag:s28] =	ssyncset.done $0x0  }
0x5c: {  	[sflag:s28] =	ssyncadd.s32 $0xFFFFE000  }
0x5d: {  	[tilespmem:s19], [sflag:$0x1] =	stream.indirect.gather [hbm4b:s4+s16], $0x80, s31, s16, $0xb8;
	[tilespmem:$0x1DC00] =	vst v63  }
.LBB2_3:
0x5e: {  	_ =	swait.ge [sflag:s20], $0x2000  }
0x5f: {  	s7 =	sshra.s32 s1, $0x2;
	[sflag:s20] =	ssyncset.done $0x0  }
0x60: {  	s10 =	sadd.s32 $0x14E00, s7;
	[sflag:s20] =	ssyncadd.s32 $0xFFFFE000  }
0x61: {  	[spmem:s2] =	stream.indirect.scatter.add.f32 [tilespmem:s17], [sflag:$0x2], $0x80, s10, s16, $0xb8;
	[tilespmem:$0x1DC00] =	vst v63  }
0x62: {  	_ =	swait.ge [sflag:s28], $0x2000  }
0x63: {  	[sflag:s28] =	ssyncset.done $0x0  }
0x64: {  	s11 =	sadd.s32 $0x13F00, s7;
	[sflag:s28] =	ssyncadd.s32 $0xFFFFE000  }
0x65: {  	[tilespmem:s22], [sflag:$0x1] =	stream.indirect.gather [hbm4b:s4+s16], $0x80, s11, s16, $0xb8;
	[tilespmem:$0x1DC00] =	vst v63  }
0x66: {  	_ =	swait.ge [sflag:s20], $0x2000  }
0x67: {  	[sflag:s20] =	ssyncset.done $0x0  }
0x68: {  	s11 =	sadd.s32 $0x14E80, s7;
	[sflag:s20] =	ssyncadd.s32 $0xFFFFE000  }
0x69: {  	[spmem:s2] =	stream.indirect.scatter.add.f32 [tilespmem:s19], [sflag:$0x2], $0x80, s11, s16, $0xb8;
	[tilespmem:$0x1DC00] =	vst v63  }
0x6a: {  	_ =	swait.ge [sflag:s28], $0x2000  }
0x6b: {  	[sflag:s28] =	ssyncset.done $0x0  }
0x6c: {  	s11 =	sadd.s32 $0x13F80, s7;
	[sflag:s28] =	ssyncadd.s32 $0xFFFFE000  }
0x6d: {  	[tilespmem:s25], [sflag:$0x1] =	stream.indirect.gather [hbm4b:s4+s16], $0x80, s11, s16, $0xb8;
	[tilespmem:$0x1DC00] =	vst v63  }
0x6e: {  	_ =	swait.ge [sflag:s20], $0x2000  }
0x6f: {  	p0 =	seq.s32 s1, $0x3000;
	[sflag:s20] =	ssyncset.done $0x0  }
.Ltmp4:
0x70: {  	s11 =	sadd.s32 $0x14F00, s7;
	[sflag:s20] =	ssyncadd.s32 $0xFFFFE000;
	(pc) =	sbr.rel @p0 .LBB2_5-.Ltmp4, $4  }
0x71: {  	[spmem:s2] =	stream.indirect.scatter.add.f32 [tilespmem:s22], [sflag:$0x2], $0x80, s11, s16, $0xb8;
	[tilespmem:$0x1DC00] =	vst v63  }
0x72: {  	_ =	swait.ge [sflag:s28], $0x2000  }
0x73: {  	[sflag:s28] =	ssyncset.done $0x0  }
0x74: {  	s10 =	sadd.s32 $0x14F80, s7;
	[sflag:s28] =	ssyncadd.s32 $0xFFFFE000  }
0x75: {  	s11 =	sadd.s32 $0x14000, s7  }
0x76: {  	[tilespmem:s17], [sflag:$0x1] =	stream.indirect.gather [hbm4b:s4+s16], $0x80, s11, s16, $0xb8;
	[tilespmem:$0x1DC00] =	vst v63  }
0x77: {  	_ =	swait.ge [sflag:s20], $0x2000  }
0x78: {  	[sflag:s20] =	ssyncset.done $0x0  }
0x79: {  	[sflag:s20] =	ssyncadd.s32 $0xFFFFE000  }
0x7a: {  	[spmem:s2] =	stream.indirect.scatter.add.f32 [tilespmem:s25], [sflag:$0x2], $0x80, s10, s16, $0xb8;
	[tilespmem:$0x1DC00] =	vst v63  }
.Ltmp5:
0x7b: {  	_ = 	snop;
	(pc) =	sbr.rel .LBB2_3-.Ltmp5, $4  }
0x7c: {  	_ =	swait.ge [sflag:s28], $0x2000  }
0x7d: {  	[sflag:s28] =	ssyncset.done $0x0  }
0x7e: {  	s1 =	sadd.s32 $0x800, s1;
	s11 =	sadd.s32 $0x14080, s7;
	[sflag:s28] =	ssyncadd.s32 $0xFFFFE000  }
0x7f: {  	[tilespmem:s19], [sflag:$0x1] =	stream.indirect.gather [hbm4b:s4+s16], $0x80, s11, s16, $0xb8;
	[tilespmem:$0x1DC00] =	vst v63  }
.LBB2_7:
0x80: {  	_ =	sfence.sel $0x180000  }
0x81: {  	[bflag:$0x0] =	sbarrier.arrive $0xFFFF  }
0x82: {  	_ =	strace $0x90000050  }
0x83: {  	s0 =	stileid.u32;
	[bflag:$0x2] =	sbarrier.arrive $0xFFFF  }
0x84: {  	p0 =	sne.s32 s0, $0x0;
	s0 =	rddreg [dreg:$0x2]  }
0x85: {  	s0 =	sadd.s32 @!p0 $0x100000, s0  }
0x86: {  	[sflag:s0] =	ssyncadd.tile.s32 @!p0 $0x1;
	_ =	shalt  }
.Lfunc_end2:
_tile_overlayer_lowered:
.L_overlay_start_2:
0x87: {  	(tag) =	ssettag $0x2  }
0x88: {  	s0 =	rddreg [dreg:$0x0];
	s2 =	stileid.u32  }
0x89: {  	s1 =	rddreg [dreg:$0x1];
	p0 =	sne.s32 s2, $0x0  }
0x8a: {  	s3 =	rddreg [dreg:$0x2];
	[bflag:$0x3] =	sbarrier.arrive $0xFFFF;
	s2 =	simm.s32 @!p0 $0x1C03  }
0x8b: {  	[timem:s3], [sflag:s2] =	dma.local @!p0 [hbm:s0], s1  }
0x8c: {  	s0 =	simm.s32 @!p0 $0x3  }
0x8d: {  	_ =	swait.ge @!p0 [sflag:s0], s1  }
0x8e: {  	s1 =	ssub.s32 @!p0 $0x0, s1;
	[sflag:s0] =	ssyncset.done @!p0 $0x0  }
0x8f: {  	[sflag:s0] =	ssyncadd.s32 @!p0 s1  }
0x90: {  	[bflag:$0x3] =	sbarrier.arrive $0xFFFF  }
0x91: {  	_ =	shalt  }

</sc_bundles>
